<compile_context>
chip_gen: v7x
topology: tpu7x:2x2x1
jax: 0.10.2.dev20260603
libtpu: 0.0.44.dev20260713+nightly
codegen_flags: <defaults>
</compile_context>

<pallas_src>
import functools

import jax
import jax.numpy as jnp
from jax import lax
from jax.experimental import pallas as pl
from jax.experimental.pallas import tpu as pltpu
from jax.experimental.pallas import tpu_sc as plsc

N = 10000
E = 320000
H = 128
NPAD = 10240
NC = 2
NS = 16
NW = NC * NS
BK = 125
NBLK = 80
CH = 8
NCH = NBLK // CH
ROWS_PER_TILE = NPAD // NS
BN = 400

_mesh = plsc.VectorSubcoreMesh(
    core_axis_name="c", subcore_axis_name="s", num_cores=NC, num_subcores=NS
)


@functools.partial(
    pl.kernel,
    out_type=(
        jax.ShapeDtypeStruct((NC, NPAD, H), jnp.float32),
        jax.ShapeDtypeStruct((NW, NPAD), jnp.float32),
    ),
    mesh=_mesh,
    scratch_types=[
        pltpu.VMEM((CH, BK), jnp.int32),
        pltpu.VMEM((CH, BK), jnp.int32),
        pltpu.VMEM((CH, BK), jnp.int32),
        pltpu.VMEM((CH, BK), jnp.int32),
        pltpu.VMEM((BK, H), jnp.float32),
        pltpu.VMEM((BK, H), jnp.float32),
        pltpu.VMEM((NPAD,), jnp.float32),
        pltpu.VMEM_SHARED((NPAD, H), jnp.float32),
        pltpu.SemaphoreType.DMA,
        pltpu.SemaphoreType.DMA,
        pltpu.SemaphoreType.DMA,
        pltpu.SemaphoreType.DMA,
    ],
    compiler_params=pltpu.CompilerParams(needs_layout_passes=False),
)
def _sc_aggregate(h_hbm, idx_hbm, zrows_hbm, zflat_hbm,
                  agg_hbm, deg_hbm,
                  isbuf0, isbuf1, idbuf0, idbuf1, gbuf0, gbuf1, deg_v, agg_sh,
                  isem0, isem1, sem0, sem1):
    c = lax.axis_index("c")
    s = lax.axis_index("s")
    wid = s * NC + c

    pltpu.sync_copy(zrows_hbm, agg_sh.at[pl.ds(s * ROWS_PER_TILE, ROWS_PER_TILE)])
    pltpu.sync_copy(zflat_hbm, deg_v)
    plsc.subcore_barrier()

    ones = jnp.ones((16,), jnp.float32)
    lane = lax.iota(jnp.int32, 16)
    tail_mask = lane >= 3
    isbufs = (isbuf0, isbuf1)
    idbufs = (idbuf0, idbuf1)
    isems = (isem0, isem1)
    gbufs = (gbuf0, gbuf1)
    gsems = (sem0, sem1)

    def _stage(k, p):
        pltpu.async_copy(idx_hbm.at[0, wid, pl.ds(k * CH, CH)], isbufs[p], isems[p])
        pltpu.async_copy(idx_hbm.at[1, wid, pl.ds(k * CH, CH)], idbufs[p], isems[p])

    def _stage_wait(k, p):
        pltpu.make_async_copy(
            idx_hbm.at[0, wid, pl.ds(k * CH, CH)], isbufs[p], isems[p]).wait()
        pltpu.make_async_copy(
            idx_hbm.at[1, wid, pl.ds(k * CH, CH)], idbufs[p], isems[p]).wait()

    def _gather(ib, jj, b):
        return pltpu.async_copy(h_hbm.at[ib.at[jj]], gbufs[b], gsems[b])

    _stage(0, 0)
    _stage_wait(0, 0)
    _gather(isbuf0, 0, 0)

    def body(k2, carry):
        for p in range(2):
            k = 2 * k2 + p
            isb = isbufs[p]
            idb = idbufs[p]
            for jj in range(CH):
                b = jj % 2
                if jj == 1:
                    @pl.when(k + 1 < NCH)
                    def _():
                        _stage(k + 1, 1 - p)
                if jj < CH - 1:
                    _gather(isb, jj + 1, 1 - b)
                else:
                    @pl.when(k + 1 < NCH)
                    def _():
                        _stage_wait(k + 1, 1 - p)
                        _gather(isbufs[1 - p], 0, 1 - b)
                pltpu.make_async_copy(
                    h_hbm.at[isb.at[jj]], gbufs[b], gsems[b]).wait()
                pltpu.sync_copy(gbufs[b], agg_sh.at[idb.at[jj]], add=True)
                for g in range(7):
                    v = idb[jj, pl.ds(g * 16, 16)]
                    plsc.addupdate_scatter(deg_v, [v], ones)
                v = idb[jj, pl.ds(BK - 16, 16)]
                plsc.addupdate_scatter(deg_v, [v], ones, mask=tail_mask)
        return carry

    lax.fori_loop(0, NCH // 2, body, 0)
    plsc.subcore_barrier()

    pltpu.sync_copy(
        agg_sh.at[pl.ds(s * ROWS_PER_TILE, ROWS_PER_TILE)],
        agg_hbm.at[c, pl.ds(s * ROWS_PER_TILE, ROWS_PER_TILE)],
    )
    pltpu.sync_copy(deg_v, deg_hbm.at[wid])


def _dot(a, b):
    return jnp.dot(a, b, preferred_element_type=jnp.float32,
                   precision=lax.Precision.DEFAULT)


def _mlp_body(h_ref, a0_ref, a1_ref, deg_ref, w1a_ref, w1b_ref, b1_ref,
              w2_ref, b2_ref, o_ref):
    deg = jnp.sum(deg_ref[...], axis=1, keepdims=True)
    inv = 1.0 / jnp.maximum(deg, 1.0)
    agg = (a0_ref[0] + a1_ref[0]) * inv
    y = _dot(h_ref[...], w1a_ref[...]) + _dot(agg, w1b_ref[...]) + b1_ref[...]
    y = jnp.maximum(y, 0.0)
    z = _dot(y, w2_ref[...]) + b2_ref[...]
    o_ref[...] = jnp.maximum(z, 0.0)


_mlp = pl.pallas_call(
    _mlp_body,
    grid=(N // BN,),
    in_specs=[
        pl.BlockSpec((BN, H), lambda i: (i, 0)),
        pl.BlockSpec((1, BN, H), lambda i: (0, i, 0)),
        pl.BlockSpec((1, BN, H), lambda i: (1, i, 0)),
        pl.BlockSpec((BN, NW), lambda i: (i, 0)),
        pl.BlockSpec((H, H), lambda i: (0, 0)),
        pl.BlockSpec((H, H), lambda i: (0, 0)),
        pl.BlockSpec((1, H), lambda i: (0, 0)),
        pl.BlockSpec((H, H), lambda i: (0, 0)),
        pl.BlockSpec((1, H), lambda i: (0, 0)),
    ],
    out_specs=pl.BlockSpec((BN, H), lambda i: (i, 0)),
    out_shape=jax.ShapeDtypeStruct((N, H), jnp.float32),
)


def kernel(h, edge_index, W1, b1, W2, b2):
    idx = edge_index.astype(jnp.int32).reshape(2, NW, NBLK, BK)
    zrows = jnp.zeros((ROWS_PER_TILE, H), jnp.float32)
    zflat = jnp.zeros((NPAD,), jnp.float32)

    agg_parts, deg_parts = _sc_aggregate(h, idx, zrows, zflat)

    return _mlp(h, agg_parts, agg_parts, deg_parts.T,
                W1[:H], W1[H:], b1.reshape(1, H), W2, b2.reshape(1, H))

# --- scband reference (transcript-rebuilt; emitter-appended) ---
"""Pipeline reference for scband-message-passing-layer-16320875725295 (READ-ONLY COPY).

The authoritative reference and input builder live on the scoring server;
editing this copy changes nothing except your own understanding.
"""

import jax, jax.numpy as jnp
import numpy as np

N_NODES = 10000
N_EDGES = 320000
HIDDEN = 128


def setup_inputs(seed: int = 0) -> dict:
    key = jax.random.key(seed)
    k_h, k_e, k_w1, k_b1, k_w2, k_b2 = jax.random.split(key, 6)
    h = jax.random.normal(k_h, (N_NODES, HIDDEN), dtype=jnp.float32)
    edge_index = jax.random.randint(k_e, (2, N_EDGES), 0, N_NODES, dtype=jnp.int64)
    # nn.Linear(hidden*2, hidden) and nn.Linear(hidden, hidden) params (kaiming-uniform-ish)
    lim1 = 1.0 / np.sqrt(HIDDEN * 2)
    lim2 = 1.0 / np.sqrt(HIDDEN)
    W1 = jax.random.uniform(k_w1, (HIDDEN * 2, HIDDEN), minval=-lim1, maxval=lim1, dtype=jnp.float32)
    b1 = jax.random.uniform(k_b1, (HIDDEN,), minval=-lim1, maxval=lim1, dtype=jnp.float32)
    W2 = jax.random.uniform(k_w2, (HIDDEN, HIDDEN), minval=-lim2, maxval=lim2, dtype=jnp.float32)
    b2 = jax.random.uniform(k_b2, (HIDDEN,), minval=-lim2, maxval=lim2, dtype=jnp.float32)
    return {"h": h, "edge_index": edge_index, "W1": W1, "b1": b1, "W2": W2, "b2": b2}


def reference(h, edge_index, W1, b1, W2, b2):
    src = edge_index[0]
    dst = edge_index[1]
    # agg.index_add_(0, dst, h[src])
    msgs = jnp.take(h, src, axis=0)
    agg = jnp.zeros_like(h).at[dst].add(msgs)
    # deg = bincount(dst, minlength=N).clamp_min(1)
    deg = jnp.bincount(dst, minlength=h.shape[0], length=h.shape[0])
    deg = jnp.maximum(deg, 1).astype(h.dtype)[:, None]
    agg = agg / deg
    x = jnp.concatenate([h, agg], axis=1)
    x = jax.nn.relu(x @ W1 + b1)
    x = jax.nn.relu(x @ W2 + b2)
    return x

if __name__ == "__main__":
    import jax
    _d = setup_inputs()
    print(jax.jit(kernel)(*tuple(_d.values())))

</pallas_src>

<mosaic_0001>
#map = affine_map<(d0, d1) -> (0, 0)>
#map1 = affine_map<(d0, d1) -> (0, 0, 0, 0)>
#map2 = affine_map<(d0, d1) -> (0)>
#map3 = affine_map<(d0, d1) -> (0, 0, 0)>
module attributes {stable_mosaic.version = 14 : i64} {
  func.func @_sc_aggregate(%arg0: i32, %arg1: i32, %arg2: memref<10000x128xf32, #tpu.memory_space<hbm>>, %arg3: memref<2x32x80x125xi32, #tpu.memory_space<hbm>>, %arg4: memref<640x128xf32, #tpu.memory_space<hbm>>, %arg5: memref<10240xf32, #tpu.memory_space<hbm>>, %arg6: memref<2x10240x128xf32, #tpu.memory_space<hbm>>, %arg7: memref<32x10240xf32, #tpu.memory_space<hbm>>, %arg8: memref<8x125xi32, #tpu.memory_space<vmem>>, %arg9: memref<8x125xi32, #tpu.memory_space<vmem>>, %arg10: memref<8x125xi32, #tpu.memory_space<vmem>>, %arg11: memref<8x125xi32, #tpu.memory_space<vmem>>, %arg12: memref<125x128xf32, #tpu.memory_space<vmem>>, %arg13: memref<125x128xf32, #tpu.memory_space<vmem>>, %arg14: memref<10240xf32, #tpu.memory_space<vmem>>, %arg15: memref<10240x128xf32, #tpu.memory_space<vmem_shared>>, %arg16: memref<!tpu.dma_semaphore, #tpu.memory_space<semaphore_mem>>, %arg17: memref<!tpu.dma_semaphore, #tpu.memory_space<semaphore_mem>>, %arg18: memref<!tpu.dma_semaphore, #tpu.memory_space<semaphore_mem>>, %arg19: memref<!tpu.dma_semaphore, #tpu.memory_space<semaphore_mem>>) attributes {dimension_semantics = [#tpu.dimension_semantics<core_parallel>, #tpu.dimension_semantics<subcore_parallel>], iteration_bounds = array<i64: 2, 16>, scalar_prefetch = 0 : i64, scratch_operands = 12 : i64, tpu.core_type = #tpu.core_type<sc_vector_subcore>, window_params = [{transform_indices = #map}, {transform_indices = #map1}, {transform_indices = #map}, {transform_indices = #map2}, {transform_indices = #map3}, {transform_indices = #map}]} {
    %mul3A = arith.constant 2 : i32
    %mul3A_0 = arith.muli %arg1, %mul3A : i32
    %add3A = arith.addi %mul3A_0, %arg0 : i32
    %mul3A_1 = arith.constant 640 : i32
    %mul3A_2 = arith.muli %arg1, %mul3A_1 : i32
    "tpu.region"() ({
      %run_scoped3A = tpu.sem_alloc : memref<!tpu.dma_semaphore, #tpu.memory_space<semaphore_mem>>
      %dma_start3A_57 = arith.constant 0 : i32
      %dma_start3A_58 = tpu.memref_slice %arg15[%mul3A_2, %dma_start3A_57] : memref<10240x128xf32, #tpu.memory_space<vmem_shared>> -> memref<640x128xf32, #tpu.memory_space<vmem_shared>>
      tpu.enqueue_dma source(%arg4 : memref<640x128xf32, #tpu.memory_space<hbm>>) target(%dma_start3A_58 : memref<640x128xf32, #tpu.memory_space<vmem_shared>>) target_semaphore(%run_scoped3A : memref<!tpu.dma_semaphore, #tpu.memory_space<semaphore_mem>>)
      %dma_wait3A_59 = arith.constant 0 : i32
      %dma_wait3A_60 = tpu.memref_slice %arg15[%mul3A_2, %dma_wait3A_59] : memref<10240x128xf32, #tpu.memory_space<vmem_shared>> -> memref<640x128xf32, #tpu.memory_space<vmem_shared>>
      tpu.wait_dma2 semaphore(%run_scoped3A : memref<!tpu.dma_semaphore, #tpu.memory_space<semaphore_mem>>) src(%arg4 : memref<640x128xf32, #tpu.memory_space<hbm>>) dst(%dma_wait3A_60 : memref<640x128xf32, #tpu.memory_space<vmem_shared>>)
      tpu.yield
    }) : () -> ()
    "tpu.region"() ({
      %run_scoped3A = tpu.sem_alloc : memref<!tpu.dma_semaphore, #tpu.memory_space<semaphore_mem>>
      tpu.enqueue_dma source(%arg5 : memref<10240xf32, #tpu.memory_space<hbm>>) target(%arg14 : memref<10240xf32, #tpu.memory_space<vmem>>) target_semaphore(%run_scoped3A : memref<!tpu.dma_semaphore, #tpu.memory_space<semaphore_mem>>)
      tpu.wait_dma2 semaphore(%run_scoped3A : memref<!tpu.dma_semaphore, #tpu.memory_space<semaphore_mem>>) src(%arg5 : memref<10240xf32, #tpu.memory_space<hbm>>) dst(%arg14 : memref<10240xf32, #tpu.memory_space<vmem>>)
      tpu.yield
    }) : () -> ()
    %barrier3A = arith.constant 0 : index
    tpu.barrier barrier_id(%barrier3A)
    %broadcast_in_dim3A = arith.constant 1.000000e+00 : f32
    %broadcast_in_dim3A_3 = vector.broadcast %broadcast_in_dim3A : f32 to vector<16xf32>
    %iota3A = tpu.iota {dimensions = array<i32: 0>} : vector<16xi32>
    %ge3A = arith.constant 3 : i32
    %ge3A_4 = vector.broadcast %ge3A : i32 to vector<16xi32>
    %ge3A_5 = arith.cmpi sge, %iota3A, %ge3A_4 : vector<16xi32>
    %dma_start3A = arith.constant 0 : i32
    %dma_start3A_6 = arith.constant 0 : i32
    %dma_start3A_7 = arith.constant 0 : i32
    %dma_start3A_8 = tpu.memref_slice %arg3[%dma_start3A, %add3A, %dma_start3A_6, %dma_start3A_7] : memref<2x32x80x125xi32, #tpu.memory_space<hbm>> -> memref<1x1x8x125xi32, #tpu.memory_space<hbm>>
    %dma_start3A_9 = tpu.memref_squeeze %dma_start3A_8 : memref<1x1x8x125xi32, #tpu.memory_space<hbm>> -> memref<8x125xi32, #tpu.memory_space<hbm>>
    %dma_start3A_10 = arith.constant 0 : i32
    %dma_start3A_11 = arith.constant 0 : i32
    %dma_start3A_12 = tpu.memref_slice %arg3[%dma_start3A, %add3A, %dma_start3A_10, %dma_start3A_11] : memref<2x32x80x125xi32, #tpu.memory_space<hbm>> -> memref<1x1x8x125xi32, #tpu.memory_space<hbm>>
    %dma_start3A_13 = tpu.memref_squeeze %dma_start3A_12 : memref<1x1x8x125xi32, #tpu.memory_space<hbm>> -> memref<8x125xi32, #tpu.memory_space<hbm>>
    tpu.enqueue_dma source(%dma_start3A_13 : memref<8x125xi32, #tpu.memory_space<hbm>>) target(%arg8 : memref<8x125xi32, #tpu.memory_space<vmem>>) target_semaphore(%arg16 : memref<!tpu.dma_semaphore, #tpu.memory_space<semaphore_mem>>)
    %dma_start3A_14 = arith.constant 1 : i32
    %dma_start3A_15 = arith.constant 0 : i32
    %dma_start3A_16 = arith.constant 0 : i32
    %dma_start3A_17 = tpu.memref_slice %arg3[%dma_start3A_14, %add3A, %dma_start3A_15, %dma_start3A_16] : memref<2x32x80x125xi32, #tpu.memory_space<hbm>> -> memref<1x1x8x125xi32, #tpu.memory_space<hbm>>
    %dma_start3A_18 = tpu.memref_squeeze %dma_start3A_17 : memref<1x1x8x125xi32, #tpu.memory_space<hbm>> -> memref<8x125xi32, #tpu.memory_space<hbm>>
    %dma_start3A_19 = arith.constant 0 : i32
    %dma_start3A_20 = arith.constant 0 : i32
    %dma_start3A_21 = tpu.memref_slice %arg3[%dma_start3A_14, %add3A, %dma_start3A_19, %dma_start3A_20] : memref<2x32x80x125xi32, #tpu.memory_space<hbm>> -> memref<1x1x8x125xi32, #tpu.memory_space<hbm>>
    %dma_start3A_22 = tpu.memref_squeeze %dma_start3A_21 : memref<1x1x8x125xi32, #tpu.memory_space<hbm>> -> memref<8x125xi32, #tpu.memory_space<hbm>>
    tpu.enqueue_dma source(%dma_start3A_22 : memref<8x125xi32, #tpu.memory_space<hbm>>) target(%arg10 : memref<8x125xi32, #tpu.memory_space<vmem>>) target_semaphore(%arg16 : memref<!tpu.dma_semaphore, #tpu.memory_space<semaphore_mem>>)
    %dma_wait3A = arith.constant 0 : i32
    %dma_wait3A_23 = arith.constant 0 : i32
    %dma_wait3A_24 = arith.constant 0 : i32
    %dma_wait3A_25 = tpu.memref_slice %arg3[%dma_wait3A, %add3A, %dma_wait3A_23, %dma_wait3A_24] : memref<2x32x80x125xi32, #tpu.memory_space<hbm>> -> memref<1x1x8x125xi32, #tpu.memory_space<hbm>>
    %dma_wait3A_26 = tpu.memref_squeeze %dma_wait3A_25 : memref<1x1x8x125xi32, #tpu.memory_space<hbm>> -> memref<8x125xi32, #tpu.memory_space<hbm>>
    %dma_wait3A_27 = arith.constant 0 : i32
    %dma_wait3A_28 = arith.constant 0 : i32
    %dma_wait3A_29 = tpu.memref_slice %arg3[%dma_wait3A, %add3A, %dma_wait3A_27, %dma_wait3A_28] : memref<2x32x80x125xi32, #tpu.memory_space<hbm>> -> memref<1x1x8x125xi32, #tpu.memory_space<hbm>>
    %dma_wait3A_30 = tpu.memref_squeeze %dma_wait3A_29 : memref<1x1x8x125xi32, #tpu.memory_space<hbm>> -> memref<8x125xi32, #tpu.memory_space<hbm>>
    tpu.wait_dma2 semaphore(%arg16 : memref<!tpu.dma_semaphore, #tpu.memory_space<semaphore_mem>>) src(%dma_wait3A_30 : memref<8x125xi32, #tpu.memory_space<hbm>>) dst(%arg8 : memref<8x125xi32, #tpu.memory_space<vmem>>)
    %dma_wait3A_31 = arith.constant 1 : i32
    %dma_wait3A_32 = arith.constant 0 : i32
    %dma_wait3A_33 = arith.constant 0 : i32
    %dma_wait3A_34 = tpu.memref_slice %arg3[%dma_wait3A_31, %add3A, %dma_wait3A_32, %dma_wait3A_33] : memref<2x32x80x125xi32, #tpu.memory_space<hbm>> -> memref<1x1x8x125xi32, #tpu.memory_space<hbm>>
    %dma_wait3A_35 = tpu.memref_squeeze %dma_wait3A_34 : memref<1x1x8x125xi32, #tpu.memory_space<hbm>> -> memref<8x125xi32, #tpu.memory_space<hbm>>
    %dma_wait3A_36 = arith.constant 0 : i32
    %dma_wait3A_37 = arith.constant 0 : i32
    %dma_wait3A_38 = tpu.memref_slice %arg3[%dma_wait3A_31, %add3A, %dma_wait3A_36, %dma_wait3A_37] : memref<2x32x80x125xi32, #tpu.memory_space<hbm>> -> memref<1x1x8x125xi32, #tpu.memory_space<hbm>>
    %dma_wait3A_39 = tpu.memref_squeeze %dma_wait3A_38 : memref<1x1x8x125xi32, #tpu.memory_space<hbm>> -> memref<8x125xi32, #tpu.memory_space<hbm>>
    tpu.wait_dma2 semaphore(%arg16 : memref<!tpu.dma_semaphore, #tpu.memory_space<semaphore_mem>>) src(%dma_wait3A_39 : memref<8x125xi32, #tpu.memory_space<hbm>>) dst(%arg10 : memref<8x125xi32, #tpu.memory_space<vmem>>)
    %dma_start3A_40 = arith.constant 0 : i32
    %dma_start3A_41 = arith.constant 0 : i32
    %dma_start3A_42 = tpu.memref_slice %arg8[%dma_start3A_40, %dma_start3A_41] : memref<8x125xi32, #tpu.memory_space<vmem>> -> memref<1x125xi32, #tpu.memory_space<vmem>>
    %dma_start3A_43 = tpu.memref_squeeze %dma_start3A_42 : memref<1x125xi32, #tpu.memory_space<vmem>> -> memref<125xi32, #tpu.memory_space<vmem>>
    %dma_start3A_44 = arith.constant 0 : i32
    %dma_start3A_45 = arith.constant 0 : i32
    %dma_start3A_46 = tpu.memref_slice %arg2[%dma_start3A_44, %dma_start3A_45] : memref<10000x128xf32, #tpu.memory_space<hbm>> -> memref<10000x128xf32, #tpu.memory_space<hbm>>
    tpu.enqueue_indirect_dma source(%dma_start3A_46 : memref<10000x128xf32, #tpu.memory_space<hbm>>) target(%arg12 : memref<125x128xf32, #tpu.memory_space<vmem>>) offsets(%dma_start3A_43 : memref<125xi32, #tpu.memory_space<vmem>>) semaphore(%arg18 : memref<!tpu.dma_semaphore, #tpu.memory_space<semaphore_mem>>)
    %scan3A = arith.constant 0 : i32
    %scan3A_47 = arith.constant 0 : i32
    %scan3A_48 = arith.constant 5 : i32
    %scan3A_49 = arith.addi %scan3A_47, %scan3A_48 : i32
    %scan3A_50 = arith.constant 1 : i32
    scf.for %scan3A_57 = %scan3A_47 to %scan3A_49 step %scan3A_50  : i32 {
      %mul3A_58 = arith.constant 2 : i32
      %mul3A_59 = arith.muli %mul3A_58, %scan3A_57 : i32
      %add3A_60 = arith.constant 0 : i32
      %add3A_61 = arith.addi %mul3A_59, %add3A_60 : i32
      %dma_start3A_62 = arith.constant 1 : i32
      %dma_start3A_63 = arith.constant 0 : i32
      %dma_start3A_64 = tpu.memref_slice %arg8[%dma_start3A_62, %dma_start3A_63] : memref<8x125xi32, #tpu.memory_space<vmem>> -> memref<1x125xi32, #tpu.memory_space<vmem>>
      %dma_start3A_65 = tpu.memref_squeeze %dma_start3A_64 : memref<1x125xi32, #tpu.memory_space<vmem>> -> memref<125xi32, #tpu.memory_space<vmem>>
      %dma_start3A_66 = arith.constant 0 : i32
      %dma_start3A_67 = arith.constant 0 : i32
      %dma_start3A_68 = tpu.memref_slice %arg2[%dma_start3A_66, %dma_start3A_67] : memref<10000x128xf32, #tpu.memory_space<hbm>> -> memref<10000x128xf32, #tpu.memory_space<hbm>>
      tpu.enqueue_indirect_dma source(%dma_start3A_68 : memref<10000x128xf32, #tpu.memory_space<hbm>>) target(%arg13 : memref<125x128xf32, #tpu.memory_space<vmem>>) offsets(%dma_start3A_65 : memref<125xi32, #tpu.memory_space<vmem>>) semaphore(%arg19 : memref<!tpu.dma_semaphore, #tpu.memory_space<semaphore_mem>>)
      %dma_wait3A_69 = arith.constant 0 : i32
      %dma_wait3A_70 = arith.constant 0 : i32
      %dma_wait3A_71 = tpu.memref_slice %arg8[%dma_wait3A_69, %dma_wait3A_70] : memref<8x125xi32, #tpu.memory_space<vmem>> -> memref<1x125xi32, #tpu.memory_space<vmem>>
      %dma_wait3A_72 = tpu.memref_squeeze %dma_wait3A_71 : memref<1x125xi32, #tpu.memory_space<vmem>> -> memref<125xi32, #tpu.memory_space<vmem>>
      %dma_wait3A_73 = arith.constant 0 : i32
      %dma_wait3A_74 = arith.constant 0 : i32
      %dma_wait3A_75 = tpu.memref_slice %arg2[%dma_wait3A_73, %dma_wait3A_74] : memref<10000x128xf32, #tpu.memory_space<hbm>> -> memref<10000x128xf32, #tpu.memory_space<hbm>>
      tpu.wait_indirect_dma semaphore(%arg18 : memref<!tpu.dma_semaphore, #tpu.memory_space<semaphore_mem>>) src(%dma_wait3A_75 : memref<10000x128xf32, #tpu.memory_space<hbm>>) dst(%arg12 : memref<125x128xf32, #tpu.memory_space<vmem>>)
      %run_scoped3A = arith.constant 0 : i32
      "tpu.region"() ({
        %run_scoped3A_827 = tpu.sem_alloc : memref<!tpu.dma_semaphore, #tpu.memory_space<semaphore_mem>>
        %dma_start3A_828 = arith.constant 0 : i32
        %dma_start3A_829 = tpu.memref_slice %arg10[%run_scoped3A, %dma_start3A_828] : memref<8x125xi32, #tpu.memory_space<vmem>> -> memref<1x125xi32, #tpu.memory_space<vmem>>
        %dma_start3A_830 = tpu.memref_squeeze %dma_start3A_829 : memref<1x125xi32, #tpu.memory_space<vmem>> -> memref<125xi32, #tpu.memory_space<vmem>>
        %dma_start3A_831 = arith.constant 0 : i32
        %dma_start3A_832 = arith.constant 0 : i32
        %dma_start3A_833 = tpu.memref_slice %arg15[%dma_start3A_831, %dma_start3A_832] : memref<10240x128xf32, #tpu.memory_space<vmem_shared>> -> memref<10240x128xf32, #tpu.memory_space<vmem_shared>>
        tpu.enqueue_indirect_dma source(%arg12 : memref<125x128xf32, #tpu.memory_space<vmem>>) target(%dma_start3A_833 : memref<10240x128xf32, #tpu.memory_space<vmem_shared>>) offsets(%dma_start3A_830 : memref<125xi32, #tpu.memory_space<vmem>>) semaphore(%run_scoped3A_827 : memref<!tpu.dma_semaphore, #tpu.memory_space<semaphore_mem>>) {add = true}
        %dma_wait3A_834 = arith.constant 0 : i32
        %dma_wait3A_835 = tpu.memref_slice %arg10[%run_scoped3A, %dma_wait3A_834] : memref<8x125xi32, #tpu.memory_space<vmem>> -> memref<1x125xi32, #tpu.memory_space<vmem>>
        %dma_wait3A_836 = tpu.memref_squeeze %dma_wait3A_835 : memref<1x125xi32, #tpu.memory_space<vmem>> -> memref<125xi32, #tpu.memory_space<vmem>>
        %dma_wait3A_837 = arith.constant 0 : i32
        %dma_wait3A_838 = arith.constant 0 : i32
        %dma_wait3A_839 = tpu.memref_slice %arg15[%dma_wait3A_837, %dma_wait3A_838] : memref<10240x128xf32, #tpu.memory_space<vmem_shared>> -> memref<10240x128xf32, #tpu.memory_space<vmem_shared>>
        tpu.wait_indirect_dma semaphore(%run_scoped3A_827 : memref<!tpu.dma_semaphore, #tpu.memory_space<semaphore_mem>>) src(%arg12 : memref<125x128xf32, #tpu.memory_space<vmem>>) dst(%dma_wait3A_839 : memref<10240x128xf32, #tpu.memory_space<vmem_shared>>)
        tpu.yield
      }) : () -> ()
      %get3A = arith.constant 0 : i32
      %get3A_76 = arith.index_cast %get3A : i32 to index
      %get3A_77 = arith.constant 0 : index
      %get3A_78 = tpu.vector_load %arg10[%get3A_76, %get3A_77] {strides = array<i32>} : memref<8x125xi32, #tpu.memory_space<vmem>>, vector<16xi32>,
      tpu.vector_store_idx %arg14[%get3A_78], %broadcast_in_dim3A_3 {add = true} : memref<10240xf32, #tpu.memory_space<vmem>>[vector<16xi32>], vector<16xf32>,
      %get3A_79 = arith.constant 0 : i32
      %get3A_80 = arith.index_cast %get3A_79 : i32 to index
      %get3A_81 = arith.constant 16 : index
      %get3A_82 = tpu.vector_load %arg10[%get3A_80, %get3A_81] {strides = array<i32>} : memref<8x125xi32, #tpu.memory_space<vmem>>, vector<16xi32>,
      tpu.vector_store_idx %arg14[%get3A_82], %broadcast_in_dim3A_3 {add = true} : memref<10240xf32, #tpu.memory_space<vmem>>[vector<16xi32>], vector<16xf32>,
      %get3A_83 = arith.constant 0 : i32
      %get3A_84 = arith.index_cast %get3A_83 : i32 to index
      %get3A_85 = arith.constant 32 : index
      %get3A_86 = tpu.vector_load %arg10[%get3A_84, %get3A_85] {strides = array<i32>} : memref<8x125xi32, #tpu.memory_space<vmem>>, vector<16xi32>,
      tpu.vector_store_idx %arg14[%get3A_86], %broadcast_in_dim3A_3 {add = true} : memref<10240xf32, #tpu.memory_space<vmem>>[vector<16xi32>], vector<16xf32>,
      %get3A_87 = arith.constant 0 : i32
      %get3A_88 = arith.index_cast %get3A_87 : i32 to index
      %get3A_89 = arith.constant 48 : index
      %get3A_90 = tpu.vector_load %arg10[%get3A_88, %get3A_89] {strides = array<i32>} : memref<8x125xi32, #tpu.memory_space<vmem>>, vector<16xi32>,
      tpu.vector_store_idx %arg14[%get3A_90], %broadcast_in_dim3A_3 {add = true} : memref<10240xf32, #tpu.memory_space<vmem>>[vector<16xi32>], vector<16xf32>,
      %get3A_91 = arith.constant 0 : i32
      %get3A_92 = arith.index_cast %get3A_91 : i32 to index
      %get3A_93 = arith.constant 64 : index
      %get3A_94 = tpu.vector_load %arg10[%get3A_92, %get3A_93] {strides = array<i32>} : memref<8x125xi32, #tpu.memory_space<vmem>>, vector<16xi32>,
      tpu.vector_store_idx %arg14[%get3A_94], %broadcast_in_dim3A_3 {add = true} : memref<10240xf32, #tpu.memory_space<vmem>>[vector<16xi32>], vector<16xf32>,
      %get3A_95 = arith.constant 0 : i32
      %get3A_96 = arith.index_cast %get3A_95 : i32 to index
      %get3A_97 = arith.constant 80 : index
      %get3A_98 = tpu.vector_load %arg10[%get3A_96, %get3A_97] {strides = array<i32>} : memref<8x125xi32, #tpu.memory_space<vmem>>, vector<16xi32>,
      tpu.vector_store_idx %arg14[%get3A_98], %broadcast_in_dim3A_3 {add = true} : memref<10240xf32, #tpu.memory_space<vmem>>[vector<16xi32>], vector<16xf32>,
      %get3A_99 = arith.constant 0 : i32
      %get3A_100 = arith.index_cast %get3A_99 : i32 to index
      %get3A_101 = arith.constant 96 : index
      %get3A_102 = tpu.vector_load %arg10[%get3A_100, %get3A_101] {strides = array<i32>} : memref<8x125xi32, #tpu.memory_space<vmem>>, vector<16xi32>,
      tpu.vector_store_idx %arg14[%get3A_102], %broadcast_in_dim3A_3 {add = true} : memref<10240xf32, #tpu.memory_space<vmem>>[vector<16xi32>], vector<16xf32>,
      %get3A_103 = arith.constant 0 : i32
      %get3A_104 = arith.index_cast %get3A_103 : i32 to index
      %get3A_105 = arith.constant 109 : index
      %get3A_106 = tpu.vector_load %arg10[%get3A_104, %get3A_105] {strides = array<i32>} : memref<8x125xi32, #tpu.memory_space<vmem>>, vector<16xi32>,
      tpu.vector_store_idx %arg14[%get3A_106], %broadcast_in_dim3A_3 masked %ge3A_5 {add = true} : memref<10240xf32, #tpu.memory_space<vmem>>[vector<16xi32>], vector<16xf32>, vector<16xi1>
      %add3A_107 = arith.constant 1 : i32
      %add3A_108 = arith.addi %add3A_61, %add3A_107 : i32
      %lt3A = arith.constant 10 : i32
      %lt3A_109 = arith.cmpi slt, %add3A_108, %lt3A : i32
      %convert_element_type3A = arith.extui %lt3A_109 : i1 to i32
      %cond3A = arith.constant 0 : i32
      %cond3A_110 = arith.cmpi ne, %convert_element_type3A, %cond3A : i32
      scf.if %cond3A_110 {
        %add3A_827 = arith.constant 1 : i32
        %add3A_828 = arith.addi %add3A_61, %add3A_827 : i32
        %mul3A_829 = arith.constant 8 : i32
        %mul3A_830 = arith.muli %add3A_828, %mul3A_829 : i32
        %dma_start3A_831 = arith.constant 0 : i32
        %dma_start3A_832 = arith.constant 0 : i32
        %dma_start3A_833 = tpu.memref_slice %arg3[%dma_start3A_831, %add3A, %mul3A_830, %dma_start3A_832] : memref<2x32x80x125xi32, #tpu.memory_space<hbm>> -> memref<1x1x8x125xi32, #tpu.memory_space<hbm>>
        %dma_start3A_834 = tpu.memref_squeeze %dma_start3A_833 : memref<1x1x8x125xi32, #tpu.memory_space<hbm>> -> memref<8x125xi32, #tpu.memory_space<hbm>>
        %dma_start3A_835 = arith.constant 0 : i32
        %dma_start3A_836 = tpu.memref_slice %arg3[%dma_start3A_831, %add3A, %mul3A_830, %dma_start3A_835] : memref<2x32x80x125xi32, #tpu.memory_space<hbm>> -> memref<1x1x8x125xi32, #tpu.memory_space<hbm>>
        %dma_start3A_837 = tpu.memref_squeeze %dma_start3A_836 : memref<1x1x8x125xi32, #tpu.memory_space<hbm>> -> memref<8x125xi32, #tpu.memory_space<hbm>>
        tpu.enqueue_dma source(%dma_start3A_837 : memref<8x125xi32, #tpu.memory_space<hbm>>) target(%arg9 : memref<8x125xi32, #tpu.memory_space<vmem>>) target_semaphore(%arg17 : memref<!tpu.dma_semaphore, #tpu.memory_space<semaphore_mem>>)
        %mul3A_838 = arith.constant 8 : i32
        %mul3A_839 = arith.muli %add3A_828, %mul3A_838 : i32
        %dma_start3A_840 = arith.constant 1 : i32
        %dma_start3A_841 = arith.constant 0 : i32
        %dma_start3A_842 = tpu.memref_slice %arg3[%dma_start3A_840, %add3A, %mul3A_839, %dma_start3A_841] : memref<2x32x80x125xi32, #tpu.memory_space<hbm>> -> memref<1x1x8x125xi32, #tpu.memory_space<hbm>>
        %dma_start3A_843 = tpu.memref_squeeze %dma_start3A_842 : memref<1x1x8x125xi32, #tpu.memory_space<hbm>> -> memref<8x125xi32, #tpu.memory_space<hbm>>
        %dma_start3A_844 = arith.constant 0 : i32
        %dma_start3A_845 = tpu.memref_slice %arg3[%dma_start3A_840, %add3A, %mul3A_839, %dma_start3A_844] : memref<2x32x80x125xi32, #tpu.memory_space<hbm>> -> memref<1x1x8x125xi32, #tpu.memory_space<hbm>>
        %dma_start3A_846 = tpu.memref_squeeze %dma_start3A_845 : memref<1x1x8x125xi32, #tpu.memory_space<hbm>> -> memref<8x125xi32, #tpu.memory_space<hbm>>
        tpu.enqueue_dma source(%dma_start3A_846 : memref<8x125xi32, #tpu.memory_space<hbm>>) target(%arg11 : memref<8x125xi32, #tpu.memory_space<vmem>>) target_semaphore(%arg17 : memref<!tpu.dma_semaphore, #tpu.memory_space<semaphore_mem>>)
      } else {
      }
      %dma_start3A_111 = arith.constant 2 : i32
      %dma_start3A_112 = arith.constant 0 : i32
      %dma_start3A_113 = tpu.memref_slice %arg8[%dma_start3A_111, %dma_start3A_112] : memref<8x125xi32, #tpu.memory_space<vmem>> -> memref<1x125xi32, #tpu.memory_space<vmem>>
      %dma_start3A_114 = tpu.memref_squeeze %dma_start3A_113 : memref<1x125xi32, #tpu.memory_space<vmem>> -> memref<125xi32, #tpu.memory_space<vmem>>
      %dma_start3A_115 = arith.constant 0 : i32
      %dma_start3A_116 = arith.constant 0 : i32
      %dma_start3A_117 = tpu.memref_slice %arg2[%dma_start3A_115, %dma_start3A_116] : memref<10000x128xf32, #tpu.memory_space<hbm>> -> memref<10000x128xf32, #tpu.memory_space<hbm>>
      tpu.enqueue_indirect_dma source(%dma_start3A_117 : memref<10000x128xf32, #tpu.memory_space<hbm>>) target(%arg12 : memref<125x128xf32, #tpu.memory_space<vmem>>) offsets(%dma_start3A_114 : memref<125xi32, #tpu.memory_space<vmem>>) semaphore(%arg18 : memref<!tpu.dma_semaphore, #tpu.memory_space<semaphore_mem>>)
      %dma_wait3A_118 = arith.constant 1 : i32
      %dma_wait3A_119 = arith.constant 0 : i32
      %dma_wait3A_120 = tpu.memref_slice %arg8[%dma_wait3A_118, %dma_wait3A_119] : memref<8x125xi32, #tpu.memory_space<vmem>> -> memref<1x125xi32, #tpu.memory_space<vmem>>
      %dma_wait3A_121 = tpu.memref_squeeze %dma_wait3A_120 : memref<1x125xi32, #tpu.memory_space<vmem>> -> memref<125xi32, #tpu.memory_space<vmem>>
      %dma_wait3A_122 = arith.constant 0 : i32
      %dma_wait3A_123 = arith.constant 0 : i32
      %dma_wait3A_124 = tpu.memref_slice %arg2[%dma_wait3A_122, %dma_wait3A_123] : memref<10000x128xf32, #tpu.memory_space<hbm>> -> memref<10000x128xf32, #tpu.memory_space<hbm>>
      tpu.wait_indirect_dma semaphore(%arg19 : memref<!tpu.dma_semaphore, #tpu.memory_space<semaphore_mem>>) src(%dma_wait3A_124 : memref<10000x128xf32, #tpu.memory_space<hbm>>) dst(%arg13 : memref<125x128xf32, #tpu.memory_space<vmem>>)
      %run_scoped3A_125 = arith.constant 1 : i32
      "tpu.region"() ({
        %run_scoped3A_827 = tpu.sem_alloc : memref<!tpu.dma_semaphore, #tpu.memory_space<semaphore_mem>>
        %dma_start3A_828 = arith.constant 0 : i32
        %dma_start3A_829 = tpu.memref_slice %arg10[%run_scoped3A_125, %dma_start3A_828] : memref<8x125xi32, #tpu.memory_space<vmem>> -> memref<1x125xi32, #tpu.memory_space<vmem>>
        %dma_start3A_830 = tpu.memref_squeeze %dma_start3A_829 : memref<1x125xi32, #tpu.memory_space<vmem>> -> memref<125xi32, #tpu.memory_space<vmem>>
        %dma_start3A_831 = arith.constant 0 : i32
        %dma_start3A_832 = arith.constant 0 : i32
        %dma_start3A_833 = tpu.memref_slice %arg15[%dma_start3A_831, %dma_start3A_832] : memref<10240x128xf32, #tpu.memory_space<vmem_shared>> -> memref<10240x128xf32, #tpu.memory_space<vmem_shared>>
        tpu.enqueue_indirect_dma source(%arg13 : memref<125x128xf32, #tpu.memory_space<vmem>>) target(%dma_start3A_833 : memref<10240x128xf32, #tpu.memory_space<vmem_shared>>) offsets(%dma_start3A_830 : memref<125xi32, #tpu.memory_space<vmem>>) semaphore(%run_scoped3A_827 : memref<!tpu.dma_semaphore, #tpu.memory_space<semaphore_mem>>) {add = true}
        %dma_wait3A_834 = arith.constant 0 : i32
        %dma_wait3A_835 = tpu.memref_slice %arg10[%run_scoped3A_125, %dma_wait3A_834] : memref<8x125xi32, #tpu.memory_space<vmem>> -> memref<1x125xi32, #tpu.memory_space<vmem>>
        %dma_wait3A_836 = tpu.memref_squeeze %dma_wait3A_835 : memref<1x125xi32, #tpu.memory_space<vmem>> -> memref<125xi32, #tpu.memory_space<vmem>>
        %dma_wait3A_837 = arith.constant 0 : i32
        %dma_wait3A_838 = arith.constant 0 : i32
        %dma_wait3A_839 = tpu.memref_slice %arg15[%dma_wait3A_837, %dma_wait3A_838] : memref<10240x128xf32, #tpu.memory_space<vmem_shared>> -> memref<10240x128xf32, #tpu.memory_space<vmem_shared>>
        tpu.wait_indirect_dma semaphore(%run_scoped3A_827 : memref<!tpu.dma_semaphore, #tpu.memory_space<semaphore_mem>>) src(%arg13 : memref<125x128xf32, #tpu.memory_space<vmem>>) dst(%dma_wait3A_839 : memref<10240x128xf32, #tpu.memory_space<vmem_shared>>)
        tpu.yield
      }) : () -> ()
      %get3A_126 = arith.constant 1 : i32
      %get3A_127 = arith.index_cast %get3A_126 : i32 to index
      %get3A_128 = arith.constant 0 : index
      %get3A_129 = tpu.vector_load %arg10[%get3A_127, %get3A_128] {strides = array<i32>} : memref<8x125xi32, #tpu.memory_space<vmem>>, vector<16xi32>,
      tpu.vector_store_idx %arg14[%get3A_129], %broadcast_in_dim3A_3 {add = true} : memref<10240xf32, #tpu.memory_space<vmem>>[vector<16xi32>], vector<16xf32>,
      %get3A_130 = arith.constant 1 : i32
      %get3A_131 = arith.index_cast %get3A_130 : i32 to index
      %get3A_132 = arith.constant 16 : index
      %get3A_133 = tpu.vector_load %arg10[%get3A_131, %get3A_132] {strides = array<i32>} : memref<8x125xi32, #tpu.memory_space<vmem>>, vector<16xi32>,
      tpu.vector_store_idx %arg14[%get3A_133], %broadcast_in_dim3A_3 {add = true} : memref<10240xf32, #tpu.memory_space<vmem>>[vector<16xi32>], vector<16xf32>,
      %get3A_134 = arith.constant 1 : i32
      %get3A_135 = arith.index_cast %get3A_134 : i32 to index
      %get3A_136 = arith.constant 32 : index
      %get3A_137 = tpu.vector_load %arg10[%get3A_135, %get3A_136] {strides = array<i32>} : memref<8x125xi32, #tpu.memory_space<vmem>>, vector<16xi32>,
      tpu.vector_store_idx %arg14[%get3A_137], %broadcast_in_dim3A_3 {add = true} : memref<10240xf32, #tpu.memory_space<vmem>>[vector<16xi32>], vector<16xf32>,
      %get3A_138 = arith.constant 1 : i32
      %get3A_139 = arith.index_cast %get3A_138 : i32 to index
      %get3A_140 = arith.constant 48 : index
      %get3A_141 = tpu.vector_load %arg10[%get3A_139, %get3A_140] {strides = array<i32>} : memref<8x125xi32, #tpu.memory_space<vmem>>, vector<16xi32>,
      tpu.vector_store_idx %arg14[%get3A_141], %broadcast_in_dim3A_3 {add = true} : memref<10240xf32, #tpu.memory_space<vmem>>[vector<16xi32>], vector<16xf32>,
      %get3A_142 = arith.constant 1 : i32
      %get3A_143 = arith.index_cast %get3A_142 : i32 to index
      %get3A_144 = arith.constant 64 : index
      %get3A_145 = tpu.vector_load %arg10[%get3A_143, %get3A_144] {strides = array<i32>} : memref<8x125xi32, #tpu.memory_space<vmem>>, vector<16xi32>,
      tpu.vector_store_idx %arg14[%get3A_145], %broadcast_in_dim3A_3 {add = true} : memref<10240xf32, #tpu.memory_space<vmem>>[vector<16xi32>], vector<16xf32>,
      %get3A_146 = arith.constant 1 : i32
      %get3A_147 = arith.index_cast %get3A_146 : i32 to index
      %get3A_148 = arith.constant 80 : index
      %get3A_149 = tpu.vector_load %arg10[%get3A_147, %get3A_148] {strides = array<i32>} : memref<8x125xi32, #tpu.memory_space<vmem>>, vector<16xi32>,
      tpu.vector_store_idx %arg14[%get3A_149], %broadcast_in_dim3A_3 {add = true} : memref<10240xf32, #tpu.memory_space<vmem>>[vector<16xi32>], vector<16xf32>,
      %get3A_150 = arith.constant 1 : i32
      %get3A_151 = arith.index_cast %get3A_150 : i32 to index
      %get3A_152 = arith.constant 96 : index
      %get3A_153 = tpu.vector_load %arg10[%get3A_151, %get3A_152] {strides = array<i32>} : memref<8x125xi32, #tpu.memory_space<vmem>>, vector<16xi32>,
      tpu.vector_store_idx %arg14[%get3A_153], %broadcast_in_dim3A_3 {add = true} : memref<10240xf32, #tpu.memory_space<vmem>>[vector<16xi32>], vector<16xf32>,
      %get3A_154 = arith.constant 1 : i32
      %get3A_155 = arith.index_cast %get3A_154 : i32 to index
      %get3A_156 = arith.constant 109 : index
      %get3A_157 = tpu.vector_load %arg10[%get3A_155, %get3A_156] {strides = array<i32>} : memref<8x125xi32, #tpu.memory_space<vmem>>, vector<16xi32>,
      tpu.vector_store_idx %arg14[%get3A_157], %broadcast_in_dim3A_3 masked %ge3A_5 {add = true} : memref<10240xf32, #tpu.memory_space<vmem>>[vector<16xi32>], vector<16xf32>, vector<16xi1>
      %dma_start3A_158 = arith.constant 3 : i32
      %dma_start3A_159 = arith.constant 0 : i32
      %dma_start3A_160 = tpu.memref_slice %arg8[%dma_start3A_158, %dma_start3A_159] : memref<8x125xi32, #tpu.memory_space<vmem>> -> memref<1x125xi32, #tpu.memory_space<vmem>>
      %dma_start3A_161 = tpu.memref_squeeze %dma_start3A_160 : memref<1x125xi32, #tpu.memory_space<vmem>> -> memref<125xi32, #tpu.memory_space<vmem>>
      %dma_start3A_162 = arith.constant 0 : i32
      %dma_start3A_163 = arith.constant 0 : i32
      %dma_start3A_164 = tpu.memref_slice %arg2[%dma_start3A_162, %dma_start3A_163] : memref<10000x128xf32, #tpu.memory_space<hbm>> -> memref<10000x128xf32, #tpu.memory_space<hbm>>
      tpu.enqueue_indirect_dma source(%dma_start3A_164 : memref<10000x128xf32, #tpu.memory_space<hbm>>) target(%arg13 : memref<125x128xf32, #tpu.memory_space<vmem>>) offsets(%dma_start3A_161 : memref<125xi32, #tpu.memory_space<vmem>>) semaphore(%arg19 : memref<!tpu.dma_semaphore, #tpu.memory_space<semaphore_mem>>)
      %dma_wait3A_165 = arith.constant 2 : i32
      %dma_wait3A_166 = arith.constant 0 : i32
      %dma_wait3A_167 = tpu.memref_slice %arg8[%dma_wait3A_165, %dma_wait3A_166] : memref<8x125xi32, #tpu.memory_space<vmem>> -> memref<1x125xi32, #tpu.memory_space<vmem>>
      %dma_wait3A_168 = tpu.memref_squeeze %dma_wait3A_167 : memref<1x125xi32, #tpu.memory_space<vmem>> -> memref<125xi32, #tpu.memory_space<vmem>>
      %dma_wait3A_169 = arith.constant 0 : i32
      %dma_wait3A_170 = arith.constant 0 : i32
      %dma_wait3A_171 = tpu.memref_slice %arg2[%dma_wait3A_169, %dma_wait3A_170] : memref<10000x128xf32, #tpu.memory_space<hbm>> -> memref<10000x128xf32, #tpu.memory_space<hbm>>
      tpu.wait_indirect_dma semaphore(%arg18 : memref<!tpu.dma_semaphore, #tpu.memory_space<semaphore_mem>>) src(%dma_wait3A_171 : memref<10000x128xf32, #tpu.memory_space<hbm>>) dst(%arg12 : memref<125x128xf32, #tpu.memory_space<vmem>>)
      %run_scoped3A_172 = arith.constant 2 : i32
      "tpu.region"() ({
        %run_scoped3A_827 = tpu.sem_alloc : memref<!tpu.dma_semaphore, #tpu.memory_space<semaphore_mem>>
        %dma_start3A_828 = arith.constant 0 : i32
        %dma_start3A_829 = tpu.memref_slice %arg10[%run_scoped3A_172, %dma_start3A_828] : memref<8x125xi32, #tpu.memory_space<vmem>> -> memref<1x125xi32, #tpu.memory_space<vmem>>
        %dma_start3A_830 = tpu.memref_squeeze %dma_start3A_829 : memref<1x125xi32, #tpu.memory_space<vmem>> -> memref<125xi32, #tpu.memory_space<vmem>>
        %dma_start3A_831 = arith.constant 0 : i32
        %dma_start3A_832 = arith.constant 0 : i32
        %dma_start3A_833 = tpu.memref_slice %arg15[%dma_start3A_831, %dma_start3A_832] : memref<10240x128xf32, #tpu.memory_space<vmem_shared>> -> memref<10240x128xf32, #tpu.memory_space<vmem_shared>>
        tpu.enqueue_indirect_dma source(%arg12 : memref<125x128xf32, #tpu.memory_space<vmem>>) target(%dma_start3A_833 : memref<10240x128xf32, #tpu.memory_space<vmem_shared>>) offsets(%dma_start3A_830 : memref<125xi32, #tpu.memory_space<vmem>>) semaphore(%run_scoped3A_827 : memref<!tpu.dma_semaphore, #tpu.memory_space<semaphore_mem>>) {add = true}
        %dma_wait3A_834 = arith.constant 0 : i32
        %dma_wait3A_835 = tpu.memref_slice %arg10[%run_scoped3A_172, %dma_wait3A_834] : memref<8x125xi32, #tpu.memory_space<vmem>> -> memref<1x125xi32, #tpu.memory_space<vmem>>
        %dma_wait3A_836 = tpu.memref_squeeze %dma_wait3A_835 : memref<1x125xi32, #tpu.memory_space<vmem>> -> memref<125xi32, #tpu.memory_space<vmem>>
        %dma_wait3A_837 = arith.constant 0 : i32
        %dma_wait3A_838 = arith.constant 0 : i32
        %dma_wait3A_839 = tpu.memref_slice %arg15[%dma_wait3A_837, %dma_wait3A_838] : memref<10240x128xf32, #tpu.memory_space<vmem_shared>> -> memref<10240x128xf32, #tpu.memory_space<vmem_shared>>
        tpu.wait_indirect_dma semaphore(%run_scoped3A_827 : memref<!tpu.dma_semaphore, #tpu.memory_space<semaphore_mem>>) src(%arg12 : memref<125x128xf32, #tpu.memory_space<vmem>>) dst(%dma_wait3A_839 : memref<10240x128xf32, #tpu.memory_space<vmem_shared>>)
        tpu.yield
      }) : () -> ()
      %get3A_173 = arith.constant 2 : i32
      %get3A_174 = arith.index_cast %get3A_173 : i32 to index
      %get3A_175 = arith.constant 0 : index
      %get3A_176 = tpu.vector_load %arg10[%get3A_174, %get3A_175] {strides = array<i32>} : memref<8x125xi32, #tpu.memory_space<vmem>>, vector<16xi32>,
      tpu.vector_store_idx %arg14[%get3A_176], %broadcast_in_dim3A_3 {add = true} : memref<10240xf32, #tpu.memory_space<vmem>>[vector<16xi32>], vector<16xf32>,
      %get3A_177 = arith.constant 2 : i32
      %get3A_178 = arith.index_cast %get3A_177 : i32 to index
      %get3A_179 = arith.constant 16 : index
      %get3A_180 = tpu.vector_load %arg10[%get3A_178, %get3A_179] {strides = array<i32>} : memref<8x125xi32, #tpu.memory_space<vmem>>, vector<16xi32>,
      tpu.vector_store_idx %arg14[%get3A_180], %broadcast_in_dim3A_3 {add = true} : memref<10240xf32, #tpu.memory_space<vmem>>[vector<16xi32>], vector<16xf32>,
      %get3A_181 = arith.constant 2 : i32
      %get3A_182 = arith.index_cast %get3A_181 : i32 to index
      %get3A_183 = arith.constant 32 : index
      %get3A_184 = tpu.vector_load %arg10[%get3A_182, %get3A_183] {strides = array<i32>} : memref<8x125xi32, #tpu.memory_space<vmem>>, vector<16xi32>,
      tpu.vector_store_idx %arg14[%get3A_184], %broadcast_in_dim3A_3 {add = true} : memref<10240xf32, #tpu.memory_space<vmem>>[vector<16xi32>], vector<16xf32>,
      %get3A_185 = arith.constant 2 : i32
      %get3A_186 = arith.index_cast %get3A_185 : i32 to index
      %get3A_187 = arith.constant 48 : index
      %get3A_188 = tpu.vector_load %arg10[%get3A_186, %get3A_187] {strides = array<i32>} : memref<8x125xi32, #tpu.memory_space<vmem>>, vector<16xi32>,
      tpu.vector_store_idx %arg14[%get3A_188], %broadcast_in_dim3A_3 {add = true} : memref<10240xf32, #tpu.memory_space<vmem>>[vector<16xi32>], vector<16xf32>,
      %get3A_189 = arith.constant 2 : i32
      %get3A_190 = arith.index_cast %get3A_189 : i32 to index
      %get3A_191 = arith.constant 64 : index
      %get3A_192 = tpu.vector_load %arg10[%get3A_190, %get3A_191] {strides = array<i32>} : memref<8x125xi32, #tpu.memory_space<vmem>>, vector<16xi32>,
      tpu.vector_store_idx %arg14[%get3A_192], %broadcast_in_dim3A_3 {add = true} : memref<10240xf32, #tpu.memory_space<vmem>>[vector<16xi32>], vector<16xf32>,
      %get3A_193 = arith.constant 2 : i32
      %get3A_194 = arith.index_cast %get3A_193 : i32 to index
      %get3A_195 = arith.constant 80 : index
      %get3A_196 = tpu.vector_load %arg10[%get3A_194, %get3A_195] {strides = array<i32>} : memref<8x125xi32, #tpu.memory_space<vmem>>, vector<16xi32>,
      tpu.vector_store_idx %arg14[%get3A_196], %broadcast_in_dim3A_3 {add = true} : memref<10240xf32, #tpu.memory_space<vmem>>[vector<16xi32>], vector<16xf32>,
      %get3A_197 = arith.constant 2 : i32
      %get3A_198 = arith.index_cast %get3A_197 : i32 to index
      %get3A_199 = arith.constant 96 : index
      %get3A_200 = tpu.vector_load %arg10[%get3A_198, %get3A_199] {strides = array<i32>} : memref<8x125xi32, #tpu.memory_space<vmem>>, vector<16xi32>,
      tpu.vector_store_idx %arg14[%get3A_200], %broadcast_in_dim3A_3 {add = true} : memref<10240xf32, #tpu.memory_space<vmem>>[vector<16xi32>], vector<16xf32>,
      %get3A_201 = arith.constant 2 : i32
      %get3A_202 = arith.index_cast %get3A_201 : i32 to index
      %get3A_203 = arith.constant 109 : index
      %get3A_204 = tpu.vector_load %arg10[%get3A_202, %get3A_203] {strides = array<i32>} : memref<8x125xi32, #tpu.memory_space<vmem>>, vector<16xi32>,
      tpu.vector_store_idx %arg14[%get3A_204], %broadcast_in_dim3A_3 masked %ge3A_5 {add = true} : memref<10240xf32, #tpu.memory_space<vmem>>[vector<16xi32>], vector<16xf32>, vector<16xi1>
      %dma_start3A_205 = arith.constant 4 : i32
      %dma_start3A_206 = arith.constant 0 : i32
      %dma_start3A_207 = tpu.memref_slice %arg8[%dma_start3A_205, %dma_start3A_206] : memref<8x125xi32, #tpu.memory_space<vmem>> -> memref<1x125xi32, #tpu.memory_space<vmem>>
      %dma_start3A_208 = tpu.memref_squeeze %dma_start3A_207 : memref<1x125xi32, #tpu.memory_space<vmem>> -> memref<125xi32, #tpu.memory_space<vmem>>
      %dma_start3A_209 = arith.constant 0 : i32
      %dma_start3A_210 = arith.constant 0 : i32
      %dma_start3A_211 = tpu.memref_slice %arg2[%dma_start3A_209, %dma_start3A_210] : memref<10000x128xf32, #tpu.memory_space<hbm>> -> memref<10000x128xf32, #tpu.memory_space<hbm>>
      tpu.enqueue_indirect_dma source(%dma_start3A_211 : memref<10000x128xf32, #tpu.memory_space<hbm>>) target(%arg12 : memref<125x128xf32, #tpu.memory_space<vmem>>) offsets(%dma_start3A_208 : memref<125xi32, #tpu.memory_space<vmem>>) semaphore(%arg18 : memref<!tpu.dma_semaphore, #tpu.memory_space<semaphore_mem>>)
      %dma_wait3A_212 = arith.constant 3 : i32
      %dma_wait3A_213 = arith.constant 0 : i32
      %dma_wait3A_214 = tpu.memref_slice %arg8[%dma_wait3A_212, %dma_wait3A_213] : memref<8x125xi32, #tpu.memory_space<vmem>> -> memref<1x125xi32, #tpu.memory_space<vmem>>
      %dma_wait3A_215 = tpu.memref_squeeze %dma_wait3A_214 : memref<1x125xi32, #tpu.memory_space<vmem>> -> memref<125xi32, #tpu.memory_space<vmem>>
      %dma_wait3A_216 = arith.constant 0 : i32
      %dma_wait3A_217 = arith.constant 0 : i32
      %dma_wait3A_218 = tpu.memref_slice %arg2[%dma_wait3A_216, %dma_wait3A_217] : memref<10000x128xf32, #tpu.memory_space<hbm>> -> memref<10000x128xf32, #tpu.memory_space<hbm>>
      tpu.wait_indirect_dma semaphore(%arg19 : memref<!tpu.dma_semaphore, #tpu.memory_space<semaphore_mem>>) src(%dma_wait3A_218 : memref<10000x128xf32, #tpu.memory_space<hbm>>) dst(%arg13 : memref<125x128xf32, #tpu.memory_space<vmem>>)
      %run_scoped3A_219 = arith.constant 3 : i32
      "tpu.region"() ({
        %run_scoped3A_827 = tpu.sem_alloc : memref<!tpu.dma_semaphore, #tpu.memory_space<semaphore_mem>>
        %dma_start3A_828 = arith.constant 0 : i32
        %dma_start3A_829 = tpu.memref_slice %arg10[%run_scoped3A_219, %dma_start3A_828] : memref<8x125xi32, #tpu.memory_space<vmem>> -> memref<1x125xi32, #tpu.memory_space<vmem>>
        %dma_start3A_830 = tpu.memref_squeeze %dma_start3A_829 : memref<1x125xi32, #tpu.memory_space<vmem>> -> memref<125xi32, #tpu.memory_space<vmem>>
        %dma_start3A_831 = arith.constant 0 : i32
        %dma_start3A_832 = arith.constant 0 : i32
        %dma_start3A_833 = tpu.memref_slice %arg15[%dma_start3A_831, %dma_start3A_832] : memref<10240x128xf32, #tpu.memory_space<vmem_shared>> -> memref<10240x128xf32, #tpu.memory_space<vmem_shared>>
        tpu.enqueue_indirect_dma source(%arg13 : memref<125x128xf32, #tpu.memory_space<vmem>>) target(%dma_start3A_833 : memref<10240x128xf32, #tpu.memory_space<vmem_shared>>) offsets(%dma_start3A_830 : memref<125xi32, #tpu.memory_space<vmem>>) semaphore(%run_scoped3A_827 : memref<!tpu.dma_semaphore, #tpu.memory_space<semaphore_mem>>) {add = true}
        %dma_wait3A_834 = arith.constant 0 : i32
        %dma_wait3A_835 = tpu.memref_slice %arg10[%run_scoped3A_219, %dma_wait3A_834] : memref<8x125xi32, #tpu.memory_space<vmem>> -> memref<1x125xi32, #tpu.memory_space<vmem>>
        %dma_wait3A_836 = tpu.memref_squeeze %dma_wait3A_835 : memref<1x125xi32, #tpu.memory_space<vmem>> -> memref<125xi32, #tpu.memory_space<vmem>>
        %dma_wait3A_837 = arith.constant 0 : i32
        %dma_wait3A_838 = arith.constant 0 : i32
        %dma_wait3A_839 = tpu.memref_slice %arg15[%dma_wait3A_837, %dma_wait3A_838] : memref<10240x128xf32, #tpu.memory_space<vmem_shared>> -> memref<10240x128xf32, #tpu.memory_space<vmem_shared>>
        tpu.wait_indirect_dma semaphore(%run_scoped3A_827 : memref<!tpu.dma_semaphore, #tpu.memory_space<semaphore_mem>>) src(%arg13 : memref<125x128xf32, #tpu.memory_space<vmem>>) dst(%dma_wait3A_839 : memref<10240x128xf32, #tpu.memory_space<vmem_shared>>)
        tpu.yield
      }) : () -> ()
      %get3A_220 = arith.constant 3 : i32
      %get3A_221 = arith.index_cast %get3A_220 : i32 to index
      %get3A_222 = arith.constant 0 : index
      %get3A_223 = tpu.vector_load %arg10[%get3A_221, %get3A_222] {strides = array<i32>} : memref<8x125xi32, #tpu.memory_space<vmem>>, vector<16xi32>,
      tpu.vector_store_idx %arg14[%get3A_223], %broadcast_in_dim3A_3 {add = true} : memref<10240xf32, #tpu.memory_space<vmem>>[vector<16xi32>], vector<16xf32>,
      %get3A_224 = arith.constant 3 : i32
      %get3A_225 = arith.index_cast %get3A_224 : i32 to index
      %get3A_226 = arith.constant 16 : index
      %get3A_227 = tpu.vector_load %arg10[%get3A_225, %get3A_226] {strides = array<i32>} : memref<8x125xi32, #tpu.memory_space<vmem>>, vector<16xi32>,
      tpu.vector_store_idx %arg14[%get3A_227], %broadcast_in_dim3A_3 {add = true} : memref<10240xf32, #tpu.memory_space<vmem>>[vector<16xi32>], vector<16xf32>,
      %get3A_228 = arith.constant 3 : i32
      %get3A_229 = arith.index_cast %get3A_228 : i32 to index
      %get3A_230 = arith.constant 32 : index
      %get3A_231 = tpu.vector_load %arg10[%get3A_229, %get3A_230] {strides = array<i32>} : memref<8x125xi32, #tpu.memory_space<vmem>>, vector<16xi32>,
      tpu.vector_store_idx %arg14[%get3A_231], %broadcast_in_dim3A_3 {add = true} : memref<10240xf32, #tpu.memory_space<vmem>>[vector<16xi32>], vector<16xf32>,
      %get3A_232 = arith.constant 3 : i32
      %get3A_233 = arith.index_cast %get3A_232 : i32 to index
      %get3A_234 = arith.constant 48 : index
      %get3A_235 = tpu.vector_load %arg10[%get3A_233, %get3A_234] {strides = array<i32>} : memref<8x125xi32, #tpu.memory_space<vmem>>, vector<16xi32>,
      tpu.vector_store_idx %arg14[%get3A_235], %broadcast_in_dim3A_3 {add = true} : memref<10240xf32, #tpu.memory_space<vmem>>[vector<16xi32>], vector<16xf32>,
      %get3A_236 = arith.constant 3 : i32
      %get3A_237 = arith.index_cast %get3A_236 : i32 to index
      %get3A_238 = arith.constant 64 : index
      %get3A_239 = tpu.vector_load %arg10[%get3A_237, %get3A_238] {strides = array<i32>} : memref<8x125xi32, #tpu.memory_space<vmem>>, vector<16xi32>,
      tpu.vector_store_idx %arg14[%get3A_239], %broadcast_in_dim3A_3 {add = true} : memref<10240xf32, #tpu.memory_space<vmem>>[vector<16xi32>], vector<16xf32>,
      %get3A_240 = arith.constant 3 : i32
      %get3A_241 = arith.index_cast %get3A_240 : i32 to index
      %get3A_242 = arith.constant 80 : index
      %get3A_243 = tpu.vector_load %arg10[%get3A_241, %get3A_242] {strides = array<i32>} : memref<8x125xi32, #tpu.memory_space<vmem>>, vector<16xi32>,
      tpu.vector_store_idx %arg14[%get3A_243], %broadcast_in_dim3A_3 {add = true} : memref<10240xf32, #tpu.memory_space<vmem>>[vector<16xi32>], vector<16xf32>,
      %get3A_244 = arith.constant 3 : i32
      %get3A_245 = arith.index_cast %get3A_244 : i32 to index
      %get3A_246 = arith.constant 96 : index
      %get3A_247 = tpu.vector_load %arg10[%get3A_245, %get3A_246] {strides = array<i32>} : memref<8x125xi32, #tpu.memory_space<vmem>>, vector<16xi32>,
      tpu.vector_store_idx %arg14[%get3A_247], %broadcast_in_dim3A_3 {add = true} : memref<10240xf32, #tpu.memory_space<vmem>>[vector<16xi32>], vector<16xf32>,
      %get3A_248 = arith.constant 3 : i32
      %get3A_249 = arith.index_cast %get3A_248 : i32 to index
      %get3A_250 = arith.constant 109 : index
      %get3A_251 = tpu.vector_load %arg10[%get3A_249, %get3A_250] {strides = array<i32>} : memref<8x125xi32, #tpu.memory_space<vmem>>, vector<16xi32>,
      tpu.vector_store_idx %arg14[%get3A_251], %broadcast_in_dim3A_3 masked %ge3A_5 {add = true} : memref<10240xf32, #tpu.memory_space<vmem>>[vector<16xi32>], vector<16xf32>, vector<16xi1>
      %dma_start3A_252 = arith.constant 5 : i32
      %dma_start3A_253 = arith.constant 0 : i32
      %dma_start3A_254 = tpu.memref_slice %arg8[%dma_start3A_252, %dma_start3A_253] : memref<8x125xi32, #tpu.memory_space<vmem>> -> memref<1x125xi32, #tpu.memory_space<vmem>>
      %dma_start3A_255 = tpu.memref_squeeze %dma_start3A_254 : memref<1x125xi32, #tpu.memory_space<vmem>> -> memref<125xi32, #tpu.memory_space<vmem>>
      %dma_start3A_256 = arith.constant 0 : i32
      %dma_start3A_257 = arith.constant 0 : i32
      %dma_start3A_258 = tpu.memref_slice %arg2[%dma_start3A_256, %dma_start3A_257] : memref<10000x128xf32, #tpu.memory_space<hbm>> -> memref<10000x128xf32, #tpu.memory_space<hbm>>
      tpu.enqueue_indirect_dma source(%dma_start3A_258 : memref<10000x128xf32, #tpu.memory_space<hbm>>) target(%arg13 : memref<125x128xf32, #tpu.memory_space<vmem>>) offsets(%dma_start3A_255 : memref<125xi32, #tpu.memory_space<vmem>>) semaphore(%arg19 : memref<!tpu.dma_semaphore, #tpu.memory_space<semaphore_mem>>)
      %dma_wait3A_259 = arith.constant 4 : i32
      %dma_wait3A_260 = arith.constant 0 : i32
      %dma_wait3A_261 = tpu.memref_slice %arg8[%dma_wait3A_259, %dma_wait3A_260] : memref<8x125xi32, #tpu.memory_space<vmem>> -> memref<1x125xi32, #tpu.memory_space<vmem>>
      %dma_wait3A_262 = tpu.memref_squeeze %dma_wait3A_261 : memref<1x125xi32, #tpu.memory_space<vmem>> -> memref<125xi32, #tpu.memory_space<vmem>>
      %dma_wait3A_263 = arith.constant 0 : i32
      %dma_wait3A_264 = arith.constant 0 : i32
      %dma_wait3A_265 = tpu.memref_slice %arg2[%dma_wait3A_263, %dma_wait3A_264] : memref<10000x128xf32, #tpu.memory_space<hbm>> -> memref<10000x128xf32, #tpu.memory_space<hbm>>
      tpu.wait_indirect_dma semaphore(%arg18 : memref<!tpu.dma_semaphore, #tpu.memory_space<semaphore_mem>>) src(%dma_wait3A_265 : memref<10000x128xf32, #tpu.memory_space<hbm>>) dst(%arg12 : memref<125x128xf32, #tpu.memory_space<vmem>>)
      %run_scoped3A_266 = arith.constant 4 : i32
      "tpu.region"() ({
        %run_scoped3A_827 = tpu.sem_alloc : memref<!tpu.dma_semaphore, #tpu.memory_space<semaphore_mem>>
        %dma_start3A_828 = arith.constant 0 : i32
        %dma_start3A_829 = tpu.memref_slice %arg10[%run_scoped3A_266, %dma_start3A_828] : memref<8x125xi32, #tpu.memory_space<vmem>> -> memref<1x125xi32, #tpu.memory_space<vmem>>
        %dma_start3A_830 = tpu.memref_squeeze %dma_start3A_829 : memref<1x125xi32, #tpu.memory_space<vmem>> -> memref<125xi32, #tpu.memory_space<vmem>>
        %dma_start3A_831 = arith.constant 0 : i32
        %dma_start3A_832 = arith.constant 0 : i32
        %dma_start3A_833 = tpu.memref_slice %arg15[%dma_start3A_831, %dma_start3A_832] : memref<10240x128xf32, #tpu.memory_space<vmem_shared>> -> memref<10240x128xf32, #tpu.memory_space<vmem_shared>>
        tpu.enqueue_indirect_dma source(%arg12 : memref<125x128xf32, #tpu.memory_space<vmem>>) target(%dma_start3A_833 : memref<10240x128xf32, #tpu.memory_space<vmem_shared>>) offsets(%dma_start3A_830 : memref<125xi32, #tpu.memory_space<vmem>>) semaphore(%run_scoped3A_827 : memref<!tpu.dma_semaphore, #tpu.memory_space<semaphore_mem>>) {add = true}
        %dma_wait3A_834 = arith.constant 0 : i32
        %dma_wait3A_835 = tpu.memref_slice %arg10[%run_scoped3A_266, %dma_wait3A_834] : memref<8x125xi32, #tpu.memory_space<vmem>> -> memref<1x125xi32, #tpu.memory_space<vmem>>
        %dma_wait3A_836 = tpu.memref_squeeze %dma_wait3A_835 : memref<1x125xi32, #tpu.memory_space<vmem>> -> memref<125xi32, #tpu.memory_space<vmem>>
        %dma_wait3A_837 = arith.constant 0 : i32
        %dma_wait3A_838 = arith.constant 0 : i32
        %dma_wait3A_839 = tpu.memref_slice %arg15[%dma_wait3A_837, %dma_wait3A_838] : memref<10240x128xf32, #tpu.memory_space<vmem_shared>> -> memref<10240x128xf32, #tpu.memory_space<vmem_shared>>
        tpu.wait_indirect_dma semaphore(%run_scoped3A_827 : memref<!tpu.dma_semaphore, #tpu.memory_space<semaphore_mem>>) src(%arg12 : memref<125x128xf32, #tpu.memory_space<vmem>>) dst(%dma_wait3A_839 : memref<10240x128xf32, #tpu.memory_space<vmem_shared>>)
        tpu.yield
      }) : () -> ()
      %get3A_267 = arith.constant 4 : i32
      %get3A_268 = arith.index_cast %get3A_267 : i32 to index
      %get3A_269 = arith.constant 0 : index
      %get3A_270 = tpu.vector_load %arg10[%get3A_268, %get3A_269] {strides = array<i32>} : memref<8x125xi32, #tpu.memory_space<vmem>>, vector<16xi32>,
      tpu.vector_store_idx %arg14[%get3A_270], %broadcast_in_dim3A_3 {add = true} : memref<10240xf32, #tpu.memory_space<vmem>>[vector<16xi32>], vector<16xf32>,
      %get3A_271 = arith.constant 4 : i32
      %get3A_272 = arith.index_cast %get3A_271 : i32 to index
      %get3A_273 = arith.constant 16 : index
      %get3A_274 = tpu.vector_load %arg10[%get3A_272, %get3A_273] {strides = array<i32>} : memref<8x125xi32, #tpu.memory_space<vmem>>, vector<16xi32>,
      tpu.vector_store_idx %arg14[%get3A_274], %broadcast_in_dim3A_3 {add = true} : memref<10240xf32, #tpu.memory_space<vmem>>[vector<16xi32>], vector<16xf32>,
      %get3A_275 = arith.constant 4 : i32
      %get3A_276 = arith.index_cast %get3A_275 : i32 to index
      %get3A_277 = arith.constant 32 : index
      %get3A_278 = tpu.vector_load %arg10[%get3A_276, %get3A_277] {strides = array<i32>} : memref<8x125xi32, #tpu.memory_space<vmem>>, vector<16xi32>,
      tpu.vector_store_idx %arg14[%get3A_278], %broadcast_in_dim3A_3 {add = true} : memref<10240xf32, #tpu.memory_space<vmem>>[vector<16xi32>], vector<16xf32>,
      %get3A_279 = arith.constant 4 : i32
      %get3A_280 = arith.index_cast %get3A_279 : i32 to index
      %get3A_281 = arith.constant 48 : index
      %get3A_282 = tpu.vector_load %arg10[%get3A_280, %get3A_281] {strides = array<i32>} : memref<8x125xi32, #tpu.memory_space<vmem>>, vector<16xi32>,
      tpu.vector_store_idx %arg14[%get3A_282], %broadcast_in_dim3A_3 {add = true} : memref<10240xf32, #tpu.memory_space<vmem>>[vector<16xi32>], vector<16xf32>,
      %get3A_283 = arith.constant 4 : i32
      %get3A_284 = arith.index_cast %get3A_283 : i32 to index
      %get3A_285 = arith.constant 64 : index
      %get3A_286 = tpu.vector_load %arg10[%get3A_284, %get3A_285] {strides = array<i32>} : memref<8x125xi32, #tpu.memory_space<vmem>>, vector<16xi32>,
      tpu.vector_store_idx %arg14[%get3A_286], %broadcast_in_dim3A_3 {add = true} : memref<10240xf32, #tpu.memory_space<vmem>>[vector<16xi32>], vector<16xf32>,
      %get3A_287 = arith.constant 4 : i32
      %get3A_288 = arith.index_cast %get3A_287 : i32 to index
      %get3A_289 = arith.constant 80 : index
      %get3A_290 = tpu.vector_load %arg10[%get3A_288, %get3A_289] {strides = array<i32>} : memref<8x125xi32, #tpu.memory_space<vmem>>, vector<16xi32>,
      tpu.vector_store_idx %arg14[%get3A_290], %broadcast_in_dim3A_3 {add = true} : memref<10240xf32, #tpu.memory_space<vmem>>[vector<16xi32>], vector<16xf32>,
      %get3A_291 = arith.constant 4 : i32
      %get3A_292 = arith.index_cast %get3A_291 : i32 to index
      %get3A_293 = arith.constant 96 : index
      %get3A_294 = tpu.vector_load %arg10[%get3A_292, %get3A_293] {strides = array<i32>} : memref<8x125xi32, #tpu.memory_space<vmem>>, vector<16xi32>,
      tpu.vector_store_idx %arg14[%get3A_294], %broadcast_in_dim3A_3 {add = true} : memref<10240xf32, #tpu.memory_space<vmem>>[vector<16xi32>], vector<16xf32>,
      %get3A_295 = arith.constant 4 : i32
      %get3A_296 = arith.index_cast %get3A_295 : i32 to index
      %get3A_297 = arith.constant 109 : index
      %get3A_298 = tpu.vector_load %arg10[%get3A_296, %get3A_297] {strides = array<i32>} : memref<8x125xi32, #tpu.memory_space<vmem>>, vector<16xi32>,
      tpu.vector_store_idx %arg14[%get3A_298], %broadcast_in_dim3A_3 masked %ge3A_5 {add = true} : memref<10240xf32, #tpu.memory_space<vmem>>[vector<16xi32>], vector<16xf32>, vector<16xi1>
      %dma_start3A_299 = arith.constant 6 : i32
      %dma_start3A_300 = arith.constant 0 : i32
      %dma_start3A_301 = tpu.memref_slice %arg8[%dma_start3A_299, %dma_start3A_300] : memref<8x125xi32, #tpu.memory_space<vmem>> -> memref<1x125xi32, #tpu.memory_space<vmem>>
      %dma_start3A_302 = tpu.memref_squeeze %dma_start3A_301 : memref<1x125xi32, #tpu.memory_space<vmem>> -> memref<125xi32, #tpu.memory_space<vmem>>
      %dma_start3A_303 = arith.constant 0 : i32
      %dma_start3A_304 = arith.constant 0 : i32
      %dma_start3A_305 = tpu.memref_slice %arg2[%dma_start3A_303, %dma_start3A_304] : memref<10000x128xf32, #tpu.memory_space<hbm>> -> memref<10000x128xf32, #tpu.memory_space<hbm>>
      tpu.enqueue_indirect_dma source(%dma_start3A_305 : memref<10000x128xf32, #tpu.memory_space<hbm>>) target(%arg12 : memref<125x128xf32, #tpu.memory_space<vmem>>) offsets(%dma_start3A_302 : memref<125xi32, #tpu.memory_space<vmem>>) semaphore(%arg18 : memref<!tpu.dma_semaphore, #tpu.memory_space<semaphore_mem>>)
      %dma_wait3A_306 = arith.constant 5 : i32
      %dma_wait3A_307 = arith.constant 0 : i32
      %dma_wait3A_308 = tpu.memref_slice %arg8[%dma_wait3A_306, %dma_wait3A_307] : memref<8x125xi32, #tpu.memory_space<vmem>> -> memref<1x125xi32, #tpu.memory_space<vmem>>
      %dma_wait3A_309 = tpu.memref_squeeze %dma_wait3A_308 : memref<1x125xi32, #tpu.memory_space<vmem>> -> memref<125xi32, #tpu.memory_space<vmem>>
      %dma_wait3A_310 = arith.constant 0 : i32
      %dma_wait3A_311 = arith.constant 0 : i32
      %dma_wait3A_312 = tpu.memref_slice %arg2[%dma_wait3A_310, %dma_wait3A_311] : memref<10000x128xf32, #tpu.memory_space<hbm>> -> memref<10000x128xf32, #tpu.memory_space<hbm>>
      tpu.wait_indirect_dma semaphore(%arg19 : memref<!tpu.dma_semaphore, #tpu.memory_space<semaphore_mem>>) src(%dma_wait3A_312 : memref<10000x128xf32, #tpu.memory_space<hbm>>) dst(%arg13 : memref<125x128xf32, #tpu.memory_space<vmem>>)
      %run_scoped3A_313 = arith.constant 5 : i32
      "tpu.region"() ({
        %run_scoped3A_827 = tpu.sem_alloc : memref<!tpu.dma_semaphore, #tpu.memory_space<semaphore_mem>>
        %dma_start3A_828 = arith.constant 0 : i32
        %dma_start3A_829 = tpu.memref_slice %arg10[%run_scoped3A_313, %dma_start3A_828] : memref<8x125xi32, #tpu.memory_space<vmem>> -> memref<1x125xi32, #tpu.memory_space<vmem>>
        %dma_start3A_830 = tpu.memref_squeeze %dma_start3A_829 : memref<1x125xi32, #tpu.memory_space<vmem>> -> memref<125xi32, #tpu.memory_space<vmem>>
        %dma_start3A_831 = arith.constant 0 : i32
        %dma_start3A_832 = arith.constant 0 : i32
        %dma_start3A_833 = tpu.memref_slice %arg15[%dma_start3A_831, %dma_start3A_832] : memref<10240x128xf32, #tpu.memory_space<vmem_shared>> -> memref<10240x128xf32, #tpu.memory_space<vmem_shared>>
        tpu.enqueue_indirect_dma source(%arg13 : memref<125x128xf32, #tpu.memory_space<vmem>>) target(%dma_start3A_833 : memref<10240x128xf32, #tpu.memory_space<vmem_shared>>) offsets(%dma_start3A_830 : memref<125xi32, #tpu.memory_space<vmem>>) semaphore(%run_scoped3A_827 : memref<!tpu.dma_semaphore, #tpu.memory_space<semaphore_mem>>) {add = true}
        %dma_wait3A_834 = arith.constant 0 : i32
        %dma_wait3A_835 = tpu.memref_slice %arg10[%run_scoped3A_313, %dma_wait3A_834] : memref<8x125xi32, #tpu.memory_space<vmem>> -> memref<1x125xi32, #tpu.memory_space<vmem>>
        %dma_wait3A_836 = tpu.memref_squeeze %dma_wait3A_835 : memref<1x125xi32, #tpu.memory_space<vmem>> -> memref<125xi32, #tpu.memory_space<vmem>>
        %dma_wait3A_837 = arith.constant 0 : i32
        %dma_wait3A_838 = arith.constant 0 : i32
        %dma_wait3A_839 = tpu.memref_slice %arg15[%dma_wait3A_837, %dma_wait3A_838] : memref<10240x128xf32, #tpu.memory_space<vmem_shared>> -> memref<10240x128xf32, #tpu.memory_space<vmem_shared>>
        tpu.wait_indirect_dma semaphore(%run_scoped3A_827 : memref<!tpu.dma_semaphore, #tpu.memory_space<semaphore_mem>>) src(%arg13 : memref<125x128xf32, #tpu.memory_space<vmem>>) dst(%dma_wait3A_839 : memref<10240x128xf32, #tpu.memory_space<vmem_shared>>)
        tpu.yield
      }) : () -> ()
      %get3A_314 = arith.constant 5 : i32
      %get3A_315 = arith.index_cast %get3A_314 : i32 to index
      %get3A_316 = arith.constant 0 : index
      %get3A_317 = tpu.vector_load %arg10[%get3A_315, %get3A_316] {strides = array<i32>} : memref<8x125xi32, #tpu.memory_space<vmem>>, vector<16xi32>,
      tpu.vector_store_idx %arg14[%get3A_317], %broadcast_in_dim3A_3 {add = true} : memref<10240xf32, #tpu.memory_space<vmem>>[vector<16xi32>], vector<16xf32>,
      %get3A_318 = arith.constant 5 : i32
      %get3A_319 = arith.index_cast %get3A_318 : i32 to index
      %get3A_320 = arith.constant 16 : index
      %get3A_321 = tpu.vector_load %arg10[%get3A_319, %get3A_320] {strides = array<i32>} : memref<8x125xi32, #tpu.memory_space<vmem>>, vector<16xi32>,
      tpu.vector_store_idx %arg14[%get3A_321], %broadcast_in_dim3A_3 {add = true} : memref<10240xf32, #tpu.memory_space<vmem>>[vector<16xi32>], vector<16xf32>,
      %get3A_322 = arith.constant 5 : i32
      %get3A_323 = arith.index_cast %get3A_322 : i32 to index
      %get3A_324 = arith.constant 32 : index
      %get3A_325 = tpu.vector_load %arg10[%get3A_323, %get3A_324] {strides = array<i32>} : memref<8x125xi32, #tpu.memory_space<vmem>>, vector<16xi32>,
      tpu.vector_store_idx %arg14[%get3A_325], %broadcast_in_dim3A_3 {add = true} : memref<10240xf32, #tpu.memory_space<vmem>>[vector<16xi32>], vector<16xf32>,
      %get3A_326 = arith.constant 5 : i32
      %get3A_327 = arith.index_cast %get3A_326 : i32 to index
      %get3A_328 = arith.constant 48 : index
      %get3A_329 = tpu.vector_load %arg10[%get3A_327, %get3A_328] {strides = array<i32>} : memref<8x125xi32, #tpu.memory_space<vmem>>, vector<16xi32>,
      tpu.vector_store_idx %arg14[%get3A_329], %broadcast_in_dim3A_3 {add = true} : memref<10240xf32, #tpu.memory_space<vmem>>[vector<16xi32>], vector<16xf32>,
      %get3A_330 = arith.constant 5 : i32
      %get3A_331 = arith.index_cast %get3A_330 : i32 to index
      %get3A_332 = arith.constant 64 : index
      %get3A_333 = tpu.vector_load %arg10[%get3A_331, %get3A_332] {strides = array<i32>} : memref<8x125xi32, #tpu.memory_space<vmem>>, vector<16xi32>,
      tpu.vector_store_idx %arg14[%get3A_333], %broadcast_in_dim3A_3 {add = true} : memref<10240xf32, #tpu.memory_space<vmem>>[vector<16xi32>], vector<16xf32>,
      %get3A_334 = arith.constant 5 : i32
      %get3A_335 = arith.index_cast %get3A_334 : i32 to index
      %get3A_336 = arith.constant 80 : index
      %get3A_337 = tpu.vector_load %arg10[%get3A_335, %get3A_336] {strides = array<i32>} : memref<8x125xi32, #tpu.memory_space<vmem>>, vector<16xi32>,
      tpu.vector_store_idx %arg14[%get3A_337], %broadcast_in_dim3A_3 {add = true} : memref<10240xf32, #tpu.memory_space<vmem>>[vector<16xi32>], vector<16xf32>,
      %get3A_338 = arith.constant 5 : i32
      %get3A_339 = arith.index_cast %get3A_338 : i32 to index
      %get3A_340 = arith.constant 96 : index
      %get3A_341 = tpu.vector_load %arg10[%get3A_339, %get3A_340] {strides = array<i32>} : memref<8x125xi32, #tpu.memory_space<vmem>>, vector<16xi32>,
      tpu.vector_store_idx %arg14[%get3A_341], %broadcast_in_dim3A_3 {add = true} : memref<10240xf32, #tpu.memory_space<vmem>>[vector<16xi32>], vector<16xf32>,
      %get3A_342 = arith.constant 5 : i32
      %get3A_343 = arith.index_cast %get3A_342 : i32 to index
      %get3A_344 = arith.constant 109 : index
      %get3A_345 = tpu.vector_load %arg10[%get3A_343, %get3A_344] {strides = array<i32>} : memref<8x125xi32, #tpu.memory_space<vmem>>, vector<16xi32>,
      tpu.vector_store_idx %arg14[%get3A_345], %broadcast_in_dim3A_3 masked %ge3A_5 {add = true} : memref<10240xf32, #tpu.memory_space<vmem>>[vector<16xi32>], vector<16xf32>, vector<16xi1>
      %dma_start3A_346 = arith.constant 7 : i32
      %dma_start3A_347 = arith.constant 0 : i32
      %dma_start3A_348 = tpu.memref_slice %arg8[%dma_start3A_346, %dma_start3A_347] : memref<8x125xi32, #tpu.memory_space<vmem>> -> memref<1x125xi32, #tpu.memory_space<vmem>>
      %dma_start3A_349 = tpu.memref_squeeze %dma_start3A_348 : memref<1x125xi32, #tpu.memory_space<vmem>> -> memref<125xi32, #tpu.memory_space<vmem>>
      %dma_start3A_350 = arith.constant 0 : i32
      %dma_start3A_351 = arith.constant 0 : i32
      %dma_start3A_352 = tpu.memref_slice %arg2[%dma_start3A_350, %dma_start3A_351] : memref<10000x128xf32, #tpu.memory_space<hbm>> -> memref<10000x128xf32, #tpu.memory_space<hbm>>
      tpu.enqueue_indirect_dma source(%dma_start3A_352 : memref<10000x128xf32, #tpu.memory_space<hbm>>) target(%arg13 : memref<125x128xf32, #tpu.memory_space<vmem>>) offsets(%dma_start3A_349 : memref<125xi32, #tpu.memory_space<vmem>>) semaphore(%arg19 : memref<!tpu.dma_semaphore, #tpu.memory_space<semaphore_mem>>)
      %dma_wait3A_353 = arith.constant 6 : i32
      %dma_wait3A_354 = arith.constant 0 : i32
      %dma_wait3A_355 = tpu.memref_slice %arg8[%dma_wait3A_353, %dma_wait3A_354] : memref<8x125xi32, #tpu.memory_space<vmem>> -> memref<1x125xi32, #tpu.memory_space<vmem>>
      %dma_wait3A_356 = tpu.memref_squeeze %dma_wait3A_355 : memref<1x125xi32, #tpu.memory_space<vmem>> -> memref<125xi32, #tpu.memory_space<vmem>>
      %dma_wait3A_357 = arith.constant 0 : i32
      %dma_wait3A_358 = arith.constant 0 : i32
      %dma_wait3A_359 = tpu.memref_slice %arg2[%dma_wait3A_357, %dma_wait3A_358] : memref<10000x128xf32, #tpu.memory_space<hbm>> -> memref<10000x128xf32, #tpu.memory_space<hbm>>
      tpu.wait_indirect_dma semaphore(%arg18 : memref<!tpu.dma_semaphore, #tpu.memory_space<semaphore_mem>>) src(%dma_wait3A_359 : memref<10000x128xf32, #tpu.memory_space<hbm>>) dst(%arg12 : memref<125x128xf32, #tpu.memory_space<vmem>>)
      %run_scoped3A_360 = arith.constant 6 : i32
      "tpu.region"() ({
        %run_scoped3A_827 = tpu.sem_alloc : memref<!tpu.dma_semaphore, #tpu.memory_space<semaphore_mem>>
        %dma_start3A_828 = arith.constant 0 : i32
        %dma_start3A_829 = tpu.memref_slice %arg10[%run_scoped3A_360, %dma_start3A_828] : memref<8x125xi32, #tpu.memory_space<vmem>> -> memref<1x125xi32, #tpu.memory_space<vmem>>
        %dma_start3A_830 = tpu.memref_squeeze %dma_start3A_829 : memref<1x125xi32, #tpu.memory_space<vmem>> -> memref<125xi32, #tpu.memory_space<vmem>>
        %dma_start3A_831 = arith.constant 0 : i32
        %dma_start3A_832 = arith.constant 0 : i32
        %dma_start3A_833 = tpu.memref_slice %arg15[%dma_start3A_831, %dma_start3A_832] : memref<10240x128xf32, #tpu.memory_space<vmem_shared>> -> memref<10240x128xf32, #tpu.memory_space<vmem_shared>>
        tpu.enqueue_indirect_dma source(%arg12 : memref<125x128xf32, #tpu.memory_space<vmem>>) target(%dma_start3A_833 : memref<10240x128xf32, #tpu.memory_space<vmem_shared>>) offsets(%dma_start3A_830 : memref<125xi32, #tpu.memory_space<vmem>>) semaphore(%run_scoped3A_827 : memref<!tpu.dma_semaphore, #tpu.memory_space<semaphore_mem>>) {add = true}
        %dma_wait3A_834 = arith.constant 0 : i32
        %dma_wait3A_835 = tpu.memref_slice %arg10[%run_scoped3A_360, %dma_wait3A_834] : memref<8x125xi32, #tpu.memory_space<vmem>> -> memref<1x125xi32, #tpu.memory_space<vmem>>
        %dma_wait3A_836 = tpu.memref_squeeze %dma_wait3A_835 : memref<1x125xi32, #tpu.memory_space<vmem>> -> memref<125xi32, #tpu.memory_space<vmem>>
        %dma_wait3A_837 = arith.constant 0 : i32
        %dma_wait3A_838 = arith.constant 0 : i32
        %dma_wait3A_839 = tpu.memref_slice %arg15[%dma_wait3A_837, %dma_wait3A_838] : memref<10240x128xf32, #tpu.memory_space<vmem_shared>> -> memref<10240x128xf32, #tpu.memory_space<vmem_shared>>
        tpu.wait_indirect_dma semaphore(%run_scoped3A_827 : memref<!tpu.dma_semaphore, #tpu.memory_space<semaphore_mem>>) src(%arg12 : memref<125x128xf32, #tpu.memory_space<vmem>>) dst(%dma_wait3A_839 : memref<10240x128xf32, #tpu.memory_space<vmem_shared>>)
        tpu.yield
      }) : () -> ()
      %get3A_361 = arith.constant 6 : i32
      %get3A_362 = arith.index_cast %get3A_361 : i32 to index
      %get3A_363 = arith.constant 0 : index
      %get3A_364 = tpu.vector_load %arg10[%get3A_362, %get3A_363] {strides = array<i32>} : memref<8x125xi32, #tpu.memory_space<vmem>>, vector<16xi32>,
      tpu.vector_store_idx %arg14[%get3A_364], %broadcast_in_dim3A_3 {add = true} : memref<10240xf32, #tpu.memory_space<vmem>>[vector<16xi32>], vector<16xf32>,
      %get3A_365 = arith.constant 6 : i32
      %get3A_366 = arith.index_cast %get3A_365 : i32 to index
      %get3A_367 = arith.constant 16 : index
      %get3A_368 = tpu.vector_load %arg10[%get3A_366, %get3A_367] {strides = array<i32>} : memref<8x125xi32, #tpu.memory_space<vmem>>, vector<16xi32>,
      tpu.vector_store_idx %arg14[%get3A_368], %broadcast_in_dim3A_3 {add = true} : memref<10240xf32, #tpu.memory_space<vmem>>[vector<16xi32>], vector<16xf32>,
      %get3A_369 = arith.constant 6 : i32
      %get3A_370 = arith.index_cast %get3A_369 : i32 to index
      %get3A_371 = arith.constant 32 : index
      %get3A_372 = tpu.vector_load %arg10[%get3A_370, %get3A_371] {strides = array<i32>} : memref<8x125xi32, #tpu.memory_space<vmem>>, vector<16xi32>,
      tpu.vector_store_idx %arg14[%get3A_372], %broadcast_in_dim3A_3 {add = true} : memref<10240xf32, #tpu.memory_space<vmem>>[vector<16xi32>], vector<16xf32>,
      %get3A_373 = arith.constant 6 : i32
      %get3A_374 = arith.index_cast %get3A_373 : i32 to index
      %get3A_375 = arith.constant 48 : index
      %get3A_376 = tpu.vector_load %arg10[%get3A_374, %get3A_375] {strides = array<i32>} : memref<8x125xi32, #tpu.memory_space<vmem>>, vector<16xi32>,
      tpu.vector_store_idx %arg14[%get3A_376], %broadcast_in_dim3A_3 {add = true} : memref<10240xf32, #tpu.memory_space<vmem>>[vector<16xi32>], vector<16xf32>,
      %get3A_377 = arith.constant 6 : i32
      %get3A_378 = arith.index_cast %get3A_377 : i32 to index
      %get3A_379 = arith.constant 64 : index
      %get3A_380 = tpu.vector_load %arg10[%get3A_378, %get3A_379] {strides = array<i32>} : memref<8x125xi32, #tpu.memory_space<vmem>>, vector<16xi32>,
      tpu.vector_store_idx %arg14[%get3A_380], %broadcast_in_dim3A_3 {add = true} : memref<10240xf32, #tpu.memory_space<vmem>>[vector<16xi32>], vector<16xf32>,
      %get3A_381 = arith.constant 6 : i32
      %get3A_382 = arith.index_cast %get3A_381 : i32 to index
      %get3A_383 = arith.constant 80 : index
      %get3A_384 = tpu.vector_load %arg10[%get3A_382, %get3A_383] {strides = array<i32>} : memref<8x125xi32, #tpu.memory_space<vmem>>, vector<16xi32>,
      tpu.vector_store_idx %arg14[%get3A_384], %broadcast_in_dim3A_3 {add = true} : memref<10240xf32, #tpu.memory_space<vmem>>[vector<16xi32>], vector<16xf32>,
      %get3A_385 = arith.constant 6 : i32
      %get3A_386 = arith.index_cast %get3A_385 : i32 to index
      %get3A_387 = arith.constant 96 : index
      %get3A_388 = tpu.vector_load %arg10[%get3A_386, %get3A_387] {strides = array<i32>} : memref<8x125xi32, #tpu.memory_space<vmem>>, vector<16xi32>,
      tpu.vector_store_idx %arg14[%get3A_388], %broadcast_in_dim3A_3 {add = true} : memref<10240xf32, #tpu.memory_space<vmem>>[vector<16xi32>], vector<16xf32>,
      %get3A_389 = arith.constant 6 : i32
      %get3A_390 = arith.index_cast %get3A_389 : i32 to index
      %get3A_391 = arith.constant 109 : index
      %get3A_392 = tpu.vector_load %arg10[%get3A_390, %get3A_391] {strides = array<i32>} : memref<8x125xi32, #tpu.memory_space<vmem>>, vector<16xi32>,
      tpu.vector_store_idx %arg14[%get3A_392], %broadcast_in_dim3A_3 masked %ge3A_5 {add = true} : memref<10240xf32, #tpu.memory_space<vmem>>[vector<16xi32>], vector<16xf32>, vector<16xi1>
      %add3A_393 = arith.constant 1 : i32
      %add3A_394 = arith.addi %add3A_61, %add3A_393 : i32
      %lt3A_395 = arith.constant 10 : i32
      %lt3A_396 = arith.cmpi slt, %add3A_394, %lt3A_395 : i32
      %convert_element_type3A_397 = arith.extui %lt3A_396 : i1 to i32
      %cond3A_398 = arith.constant 0 : i32
      %cond3A_399 = arith.cmpi ne, %convert_element_type3A_397, %cond3A_398 : i32
      scf.if %cond3A_399 {
        %add3A_827 = arith.constant 1 : i32
        %add3A_828 = arith.addi %add3A_61, %add3A_827 : i32
        %mul3A_829 = arith.constant 8 : i32
        %mul3A_830 = arith.muli %add3A_828, %mul3A_829 : i32
        %dma_wait3A_831 = arith.constant 0 : i32
        %dma_wait3A_832 = arith.constant 0 : i32
        %dma_wait3A_833 = tpu.memref_slice %arg3[%dma_wait3A_831, %add3A, %mul3A_830, %dma_wait3A_832] : memref<2x32x80x125xi32, #tpu.memory_space<hbm>> -> memref<1x1x8x125xi32, #tpu.memory_space<hbm>>
        %dma_wait3A_834 = tpu.memref_squeeze %dma_wait3A_833 : memref<1x1x8x125xi32, #tpu.memory_space<hbm>> -> memref<8x125xi32, #tpu.memory_space<hbm>>
        %dma_wait3A_835 = arith.constant 0 : i32
        %dma_wait3A_836 = tpu.memref_slice %arg3[%dma_wait3A_831, %add3A, %mul3A_830, %dma_wait3A_835] : memref<2x32x80x125xi32, #tpu.memory_space<hbm>> -> memref<1x1x8x125xi32, #tpu.memory_space<hbm>>
        %dma_wait3A_837 = tpu.memref_squeeze %dma_wait3A_836 : memref<1x1x8x125xi32, #tpu.memory_space<hbm>> -> memref<8x125xi32, #tpu.memory_space<hbm>>
        tpu.wait_dma2 semaphore(%arg17 : memref<!tpu.dma_semaphore, #tpu.memory_space<semaphore_mem>>) src(%dma_wait3A_837 : memref<8x125xi32, #tpu.memory_space<hbm>>) dst(%arg9 : memref<8x125xi32, #tpu.memory_space<vmem>>)
        %mul3A_838 = arith.constant 8 : i32
        %mul3A_839 = arith.muli %add3A_828, %mul3A_838 : i32
        %dma_wait3A_840 = arith.constant 1 : i32
        %dma_wait3A_841 = arith.constant 0 : i32
        %dma_wait3A_842 = tpu.memref_slice %arg3[%dma_wait3A_840, %add3A, %mul3A_839, %dma_wait3A_841] : memref<2x32x80x125xi32, #tpu.memory_space<hbm>> -> memref<1x1x8x125xi32, #tpu.memory_space<hbm>>
        %dma_wait3A_843 = tpu.memref_squeeze %dma_wait3A_842 : memref<1x1x8x125xi32, #tpu.memory_space<hbm>> -> memref<8x125xi32, #tpu.memory_space<hbm>>
        %dma_wait3A_844 = arith.constant 0 : i32
        %dma_wait3A_845 = tpu.memref_slice %arg3[%dma_wait3A_840, %add3A, %mul3A_839, %dma_wait3A_844] : memref<2x32x80x125xi32, #tpu.memory_space<hbm>> -> memref<1x1x8x125xi32, #tpu.memory_space<hbm>>
        %dma_wait3A_846 = tpu.memref_squeeze %dma_wait3A_845 : memref<1x1x8x125xi32, #tpu.memory_space<hbm>> -> memref<8x125xi32, #tpu.memory_space<hbm>>
        tpu.wait_dma2 semaphore(%arg17 : memref<!tpu.dma_semaphore, #tpu.memory_space<semaphore_mem>>) src(%dma_wait3A_846 : memref<8x125xi32, #tpu.memory_space<hbm>>) dst(%arg11 : memref<8x125xi32, #tpu.memory_space<vmem>>)
        %dma_start3A_847 = arith.constant 0 : i32
        %dma_start3A_848 = arith.constant 0 : i32
        %dma_start3A_849 = tpu.memref_slice %arg9[%dma_start3A_847, %dma_start3A_848] : memref<8x125xi32, #tpu.memory_space<vmem>> -> memref<1x125xi32, #tpu.memory_space<vmem>>
        %dma_start3A_850 = tpu.memref_squeeze %dma_start3A_849 : memref<1x125xi32, #tpu.memory_space<vmem>> -> memref<125xi32, #tpu.memory_space<vmem>>
        %dma_start3A_851 = arith.constant 0 : i32
        %dma_start3A_852 = arith.constant 0 : i32
        %dma_start3A_853 = tpu.memref_slice %arg2[%dma_start3A_851, %dma_start3A_852] : memref<10000x128xf32, #tpu.memory_space<hbm>> -> memref<10000x128xf32, #tpu.memory_space<hbm>>
        tpu.enqueue_indirect_dma source(%dma_start3A_853 : memref<10000x128xf32, #tpu.memory_space<hbm>>) target(%arg12 : memref<125x128xf32, #tpu.memory_space<vmem>>) offsets(%dma_start3A_850 : memref<125xi32, #tpu.memory_space<vmem>>) semaphore(%arg18 : memref<!tpu.dma_semaphore, #tpu.memory_space<semaphore_mem>>)
      } else {
      }
      %dma_wait3A_400 = arith.constant 7 : i32
      %dma_wait3A_401 = arith.constant 0 : i32
      %dma_wait3A_402 = tpu.memref_slice %arg8[%dma_wait3A_400, %dma_wait3A_401] : memref<8x125xi32, #tpu.memory_space<vmem>> -> memref<1x125xi32, #tpu.memory_space<vmem>>
      %dma_wait3A_403 = tpu.memref_squeeze %dma_wait3A_402 : memref<1x125xi32, #tpu.memory_space<vmem>> -> memref<125xi32, #tpu.memory_space<vmem>>
      %dma_wait3A_404 = arith.constant 0 : i32
      %dma_wait3A_405 = arith.constant 0 : i32
      %dma_wait3A_406 = tpu.memref_slice %arg2[%dma_wait3A_404, %dma_wait3A_405] : memref<10000x128xf32, #tpu.memory_space<hbm>> -> memref<10000x128xf32, #tpu.memory_space<hbm>>
      tpu.wait_indirect_dma semaphore(%arg19 : memref<!tpu.dma_semaphore, #tpu.memory_space<semaphore_mem>>) src(%dma_wait3A_406 : memref<10000x128xf32, #tpu.memory_space<hbm>>) dst(%arg13 : memref<125x128xf32, #tpu.memory_space<vmem>>)
      %run_scoped3A_407 = arith.constant 7 : i32
      "tpu.region"() ({
        %run_scoped3A_827 = tpu.sem_alloc : memref<!tpu.dma_semaphore, #tpu.memory_space<semaphore_mem>>
        %dma_start3A_828 = arith.constant 0 : i32
        %dma_start3A_829 = tpu.memref_slice %arg10[%run_scoped3A_407, %dma_start3A_828] : memref<8x125xi32, #tpu.memory_space<vmem>> -> memref<1x125xi32, #tpu.memory_space<vmem>>
        %dma_start3A_830 = tpu.memref_squeeze %dma_start3A_829 : memref<1x125xi32, #tpu.memory_space<vmem>> -> memref<125xi32, #tpu.memory_space<vmem>>
        %dma_start3A_831 = arith.constant 0 : i32
        %dma_start3A_832 = arith.constant 0 : i32
        %dma_start3A_833 = tpu.memref_slice %arg15[%dma_start3A_831, %dma_start3A_832] : memref<10240x128xf32, #tpu.memory_space<vmem_shared>> -> memref<10240x128xf32, #tpu.memory_space<vmem_shared>>
        tpu.enqueue_indirect_dma source(%arg13 : memref<125x128xf32, #tpu.memory_space<vmem>>) target(%dma_start3A_833 : memref<10240x128xf32, #tpu.memory_space<vmem_shared>>) offsets(%dma_start3A_830 : memref<125xi32, #tpu.memory_space<vmem>>) semaphore(%run_scoped3A_827 : memref<!tpu.dma_semaphore, #tpu.memory_space<semaphore_mem>>) {add = true}
        %dma_wait3A_834 = arith.constant 0 : i32
        %dma_wait3A_835 = tpu.memref_slice %arg10[%run_scoped3A_407, %dma_wait3A_834] : memref<8x125xi32, #tpu.memory_space<vmem>> -> memref<1x125xi32, #tpu.memory_space<vmem>>
        %dma_wait3A_836 = tpu.memref_squeeze %dma_wait3A_835 : memref<1x125xi32, #tpu.memory_space<vmem>> -> memref<125xi32, #tpu.memory_space<vmem>>
        %dma_wait3A_837 = arith.constant 0 : i32
        %dma_wait3A_838 = arith.constant 0 : i32
        %dma_wait3A_839 = tpu.memref_slice %arg15[%dma_wait3A_837, %dma_wait3A_838] : memref<10240x128xf32, #tpu.memory_space<vmem_shared>> -> memref<10240x128xf32, #tpu.memory_space<vmem_shared>>
        tpu.wait_indirect_dma semaphore(%run_scoped3A_827 : memref<!tpu.dma_semaphore, #tpu.memory_space<semaphore_mem>>) src(%arg13 : memref<125x128xf32, #tpu.memory_space<vmem>>) dst(%dma_wait3A_839 : memref<10240x128xf32, #tpu.memory_space<vmem_shared>>)
        tpu.yield
      }) : () -> ()
      %get3A_408 = arith.constant 7 : i32
      %get3A_409 = arith.index_cast %get3A_408 : i32 to index
      %get3A_410 = arith.constant 0 : index
      %get3A_411 = tpu.vector_load %arg10[%get3A_409, %get3A_410] {strides = array<i32>} : memref<8x125xi32, #tpu.memory_space<vmem>>, vector<16xi32>,
      tpu.vector_store_idx %arg14[%get3A_411], %broadcast_in_dim3A_3 {add = true} : memref<10240xf32, #tpu.memory_space<vmem>>[vector<16xi32>], vector<16xf32>,
      %get3A_412 = arith.constant 7 : i32
      %get3A_413 = arith.index_cast %get3A_412 : i32 to index
      %get3A_414 = arith.constant 16 : index
      %get3A_415 = tpu.vector_load %arg10[%get3A_413, %get3A_414] {strides = array<i32>} : memref<8x125xi32, #tpu.memory_space<vmem>>, vector<16xi32>,
      tpu.vector_store_idx %arg14[%get3A_415], %broadcast_in_dim3A_3 {add = true} : memref<10240xf32, #tpu.memory_space<vmem>>[vector<16xi32>], vector<16xf32>,
      %get3A_416 = arith.constant 7 : i32
      %get3A_417 = arith.index_cast %get3A_416 : i32 to index
      %get3A_418 = arith.constant 32 : index
      %get3A_419 = tpu.vector_load %arg10[%get3A_417, %get3A_418] {strides = array<i32>} : memref<8x125xi32, #tpu.memory_space<vmem>>, vector<16xi32>,
      tpu.vector_store_idx %arg14[%get3A_419], %broadcast_in_dim3A_3 {add = true} : memref<10240xf32, #tpu.memory_space<vmem>>[vector<16xi32>], vector<16xf32>,
      %get3A_420 = arith.constant 7 : i32
      %get3A_421 = arith.index_cast %get3A_420 : i32 to index
      %get3A_422 = arith.constant 48 : index
      %get3A_423 = tpu.vector_load %arg10[%get3A_421, %get3A_422] {strides = array<i32>} : memref<8x125xi32, #tpu.memory_space<vmem>>, vector<16xi32>,
      tpu.vector_store_idx %arg14[%get3A_423], %broadcast_in_dim3A_3 {add = true} : memref<10240xf32, #tpu.memory_space<vmem>>[vector<16xi32>], vector<16xf32>,
      %get3A_424 = arith.constant 7 : i32
      %get3A_425 = arith.index_cast %get3A_424 : i32 to index
      %get3A_426 = arith.constant 64 : index
      %get3A_427 = tpu.vector_load %arg10[%get3A_425, %get3A_426] {strides = array<i32>} : memref<8x125xi32, #tpu.memory_space<vmem>>, vector<16xi32>,
      tpu.vector_store_idx %arg14[%get3A_427], %broadcast_in_dim3A_3 {add = true} : memref<10240xf32, #tpu.memory_space<vmem>>[vector<16xi32>], vector<16xf32>,
      %get3A_428 = arith.constant 7 : i32
      %get3A_429 = arith.index_cast %get3A_428 : i32 to index
      %get3A_430 = arith.constant 80 : index
      %get3A_431 = tpu.vector_load %arg10[%get3A_429, %get3A_430] {strides = array<i32>} : memref<8x125xi32, #tpu.memory_space<vmem>>, vector<16xi32>,
      tpu.vector_store_idx %arg14[%get3A_431], %broadcast_in_dim3A_3 {add = true} : memref<10240xf32, #tpu.memory_space<vmem>>[vector<16xi32>], vector<16xf32>,
      %get3A_432 = arith.constant 7 : i32
      %get3A_433 = arith.index_cast %get3A_432 : i32 to index
      %get3A_434 = arith.constant 96 : index
      %get3A_435 = tpu.vector_load %arg10[%get3A_433, %get3A_434] {strides = array<i32>} : memref<8x125xi32, #tpu.memory_space<vmem>>, vector<16xi32>,
      tpu.vector_store_idx %arg14[%get3A_435], %broadcast_in_dim3A_3 {add = true} : memref<10240xf32, #tpu.memory_space<vmem>>[vector<16xi32>], vector<16xf32>,
      %get3A_436 = arith.constant 7 : i32
      %get3A_437 = arith.index_cast %get3A_436 : i32 to index
      %get3A_438 = arith.constant 109 : index
      %get3A_439 = tpu.vector_load %arg10[%get3A_437, %get3A_438] {strides = array<i32>} : memref<8x125xi32, #tpu.memory_space<vmem>>, vector<16xi32>,
      tpu.vector_store_idx %arg14[%get3A_439], %broadcast_in_dim3A_3 masked %ge3A_5 {add = true} : memref<10240xf32, #tpu.memory_space<vmem>>[vector<16xi32>], vector<16xf32>, vector<16xi1>
      %mul3A_440 = arith.constant 2 : i32
      %mul3A_441 = arith.muli %mul3A_440, %scan3A_57 : i32
      %add3A_442 = arith.constant 1 : i32
      %add3A_443 = arith.addi %mul3A_441, %add3A_442 : i32
      %dma_start3A_444 = arith.constant 1 : i32
      %dma_start3A_445 = arith.constant 0 : i32
      %dma_start3A_446 = tpu.memref_slice %arg9[%dma_start3A_444, %dma_start3A_445] : memref<8x125xi32, #tpu.memory_space<vmem>> -> memref<1x125xi32, #tpu.memory_space<vmem>>
      %dma_start3A_447 = tpu.memref_squeeze %dma_start3A_446 : memref<1x125xi32, #tpu.memory_space<vmem>> -> memref<125xi32, #tpu.memory_space<vmem>>
      %dma_start3A_448 = arith.constant 0 : i32
      %dma_start3A_449 = arith.constant 0 : i32
      %dma_start3A_450 = tpu.memref_slice %arg2[%dma_start3A_448, %dma_start3A_449] : memref<10000x128xf32, #tpu.memory_space<hbm>> -> memref<10000x128xf32, #tpu.memory_space<hbm>>
      tpu.enqueue_indirect_dma source(%dma_start3A_450 : memref<10000x128xf32, #tpu.memory_space<hbm>>) target(%arg13 : memref<125x128xf32, #tpu.memory_space<vmem>>) offsets(%dma_start3A_447 : memref<125xi32, #tpu.memory_space<vmem>>) semaphore(%arg19 : memref<!tpu.dma_semaphore, #tpu.memory_space<semaphore_mem>>)
      %dma_wait3A_451 = arith.constant 0 : i32
      %dma_wait3A_452 = arith.constant 0 : i32
      %dma_wait3A_453 = tpu.memref_slice %arg9[%dma_wait3A_451, %dma_wait3A_452] : memref<8x125xi32, #tpu.memory_space<vmem>> -> memref<1x125xi32, #tpu.memory_space<vmem>>
      %dma_wait3A_454 = tpu.memref_squeeze %dma_wait3A_453 : memref<1x125xi32, #tpu.memory_space<vmem>> -> memref<125xi32, #tpu.memory_space<vmem>>
      %dma_wait3A_455 = arith.constant 0 : i32
      %dma_wait3A_456 = arith.constant 0 : i32
      %dma_wait3A_457 = tpu.memref_slice %arg2[%dma_wait3A_455, %dma_wait3A_456] : memref<10000x128xf32, #tpu.memory_space<hbm>> -> memref<10000x128xf32, #tpu.memory_space<hbm>>
      tpu.wait_indirect_dma semaphore(%arg18 : memref<!tpu.dma_semaphore, #tpu.memory_space<semaphore_mem>>) src(%dma_wait3A_457 : memref<10000x128xf32, #tpu.memory_space<hbm>>) dst(%arg12 : memref<125x128xf32, #tpu.memory_space<vmem>>)
      %run_scoped3A_458 = arith.constant 0 : i32
      "tpu.region"() ({
        %run_scoped3A_827 = tpu.sem_alloc : memref<!tpu.dma_semaphore, #tpu.memory_space<semaphore_mem>>
        %dma_start3A_828 = arith.constant 0 : i32
        %dma_start3A_829 = tpu.memref_slice %arg11[%run_scoped3A_458, %dma_start3A_828] : memref<8x125xi32, #tpu.memory_space<vmem>> -> memref<1x125xi32, #tpu.memory_space<vmem>>
        %dma_start3A_830 = tpu.memref_squeeze %dma_start3A_829 : memref<1x125xi32, #tpu.memory_space<vmem>> -> memref<125xi32, #tpu.memory_space<vmem>>
        %dma_start3A_831 = arith.constant 0 : i32
        %dma_start3A_832 = arith.constant 0 : i32
        %dma_start3A_833 = tpu.memref_slice %arg15[%dma_start3A_831, %dma_start3A_832] : memref<10240x128xf32, #tpu.memory_space<vmem_shared>> -> memref<10240x128xf32, #tpu.memory_space<vmem_shared>>
        tpu.enqueue_indirect_dma source(%arg12 : memref<125x128xf32, #tpu.memory_space<vmem>>) target(%dma_start3A_833 : memref<10240x128xf32, #tpu.memory_space<vmem_shared>>) offsets(%dma_start3A_830 : memref<125xi32, #tpu.memory_space<vmem>>) semaphore(%run_scoped3A_827 : memref<!tpu.dma_semaphore, #tpu.memory_space<semaphore_mem>>) {add = true}
        %dma_wait3A_834 = arith.constant 0 : i32
        %dma_wait3A_835 = tpu.memref_slice %arg11[%run_scoped3A_458, %dma_wait3A_834] : memref<8x125xi32, #tpu.memory_space<vmem>> -> memref<1x125xi32, #tpu.memory_space<vmem>>
        %dma_wait3A_836 = tpu.memref_squeeze %dma_wait3A_835 : memref<1x125xi32, #tpu.memory_space<vmem>> -> memref<125xi32, #tpu.memory_space<vmem>>
        %dma_wait3A_837 = arith.constant 0 : i32
        %dma_wait3A_838 = arith.constant 0 : i32
        %dma_wait3A_839 = tpu.memref_slice %arg15[%dma_wait3A_837, %dma_wait3A_838] : memref<10240x128xf32, #tpu.memory_space<vmem_shared>> -> memref<10240x128xf32, #tpu.memory_space<vmem_shared>>
        tpu.wait_indirect_dma semaphore(%run_scoped3A_827 : memref<!tpu.dma_semaphore, #tpu.memory_space<semaphore_mem>>) src(%arg12 : memref<125x128xf32, #tpu.memory_space<vmem>>) dst(%dma_wait3A_839 : memref<10240x128xf32, #tpu.memory_space<vmem_shared>>)
        tpu.yield
      }) : () -> ()
      %get3A_459 = arith.constant 0 : i32
      %get3A_460 = arith.index_cast %get3A_459 : i32 to index
      %get3A_461 = arith.constant 0 : index
      %get3A_462 = tpu.vector_load %arg11[%get3A_460, %get3A_461] {strides = array<i32>} : memref<8x125xi32, #tpu.memory_space<vmem>>, vector<16xi32>,
      tpu.vector_store_idx %arg14[%get3A_462], %broadcast_in_dim3A_3 {add = true} : memref<10240xf32, #tpu.memory_space<vmem>>[vector<16xi32>], vector<16xf32>,
      %get3A_463 = arith.constant 0 : i32
      %get3A_464 = arith.index_cast %get3A_463 : i32 to index
      %get3A_465 = arith.constant 16 : index
      %get3A_466 = tpu.vector_load %arg11[%get3A_464, %get3A_465] {strides = array<i32>} : memref<8x125xi32, #tpu.memory_space<vmem>>, vector<16xi32>,
      tpu.vector_store_idx %arg14[%get3A_466], %broadcast_in_dim3A_3 {add = true} : memref<10240xf32, #tpu.memory_space<vmem>>[vector<16xi32>], vector<16xf32>,
      %get3A_467 = arith.constant 0 : i32
      %get3A_468 = arith.index_cast %get3A_467 : i32 to index
      %get3A_469 = arith.constant 32 : index
      %get3A_470 = tpu.vector_load %arg11[%get3A_468, %get3A_469] {strides = array<i32>} : memref<8x125xi32, #tpu.memory_space<vmem>>, vector<16xi32>,
      tpu.vector_store_idx %arg14[%get3A_470], %broadcast_in_dim3A_3 {add = true} : memref<10240xf32, #tpu.memory_space<vmem>>[vector<16xi32>], vector<16xf32>,
      %get3A_471 = arith.constant 0 : i32
      %get3A_472 = arith.index_cast %get3A_471 : i32 to index
      %get3A_473 = arith.constant 48 : index
      %get3A_474 = tpu.vector_load %arg11[%get3A_472, %get3A_473] {strides = array<i32>} : memref<8x125xi32, #tpu.memory_space<vmem>>, vector<16xi32>,
      tpu.vector_store_idx %arg14[%get3A_474], %broadcast_in_dim3A_3 {add = true} : memref<10240xf32, #tpu.memory_space<vmem>>[vector<16xi32>], vector<16xf32>,
      %get3A_475 = arith.constant 0 : i32
      %get3A_476 = arith.index_cast %get3A_475 : i32 to index
      %get3A_477 = arith.constant 64 : index
      %get3A_478 = tpu.vector_load %arg11[%get3A_476, %get3A_477] {strides = array<i32>} : memref<8x125xi32, #tpu.memory_space<vmem>>, vector<16xi32>,
      tpu.vector_store_idx %arg14[%get3A_478], %broadcast_in_dim3A_3 {add = true} : memref<10240xf32, #tpu.memory_space<vmem>>[vector<16xi32>], vector<16xf32>,
      %get3A_479 = arith.constant 0 : i32
      %get3A_480 = arith.index_cast %get3A_479 : i32 to index
      %get3A_481 = arith.constant 80 : index
      %get3A_482 = tpu.vector_load %arg11[%get3A_480, %get3A_481] {strides = array<i32>} : memref<8x125xi32, #tpu.memory_space<vmem>>, vector<16xi32>,
      tpu.vector_store_idx %arg14[%get3A_482], %broadcast_in_dim3A_3 {add = true} : memref<10240xf32, #tpu.memory_space<vmem>>[vector<16xi32>], vector<16xf32>,
      %get3A_483 = arith.constant 0 : i32
      %get3A_484 = arith.index_cast %get3A_483 : i32 to index
      %get3A_485 = arith.constant 96 : index
      %get3A_486 = tpu.vector_load %arg11[%get3A_484, %get3A_485] {strides = array<i32>} : memref<8x125xi32, #tpu.memory_space<vmem>>, vector<16xi32>,
      tpu.vector_store_idx %arg14[%get3A_486], %broadcast_in_dim3A_3 {add = true} : memref<10240xf32, #tpu.memory_space<vmem>>[vector<16xi32>], vector<16xf32>,
      %get3A_487 = arith.constant 0 : i32
      %get3A_488 = arith.index_cast %get3A_487 : i32 to index
      %get3A_489 = arith.constant 109 : index
      %get3A_490 = tpu.vector_load %arg11[%get3A_488, %get3A_489] {strides = array<i32>} : memref<8x125xi32, #tpu.memory_space<vmem>>, vector<16xi32>,
      tpu.vector_store_idx %arg14[%get3A_490], %broadcast_in_dim3A_3 masked %ge3A_5 {add = true} : memref<10240xf32, #tpu.memory_space<vmem>>[vector<16xi32>], vector<16xf32>, vector<16xi1>
      %add3A_491 = arith.constant 1 : i32
      %add3A_492 = arith.addi %add3A_443, %add3A_491 : i32
      %lt3A_493 = arith.constant 10 : i32
      %lt3A_494 = arith.cmpi slt, %add3A_492, %lt3A_493 : i32
      %convert_element_type3A_495 = arith.extui %lt3A_494 : i1 to i32
      %cond3A_496 = arith.constant 0 : i32
      %cond3A_497 = arith.cmpi ne, %convert_element_type3A_495, %cond3A_496 : i32
      scf.if %cond3A_497 {
        %add3A_827 = arith.constant 1 : i32
        %add3A_828 = arith.addi %add3A_443, %add3A_827 : i32
        %mul3A_829 = arith.constant 8 : i32
        %mul3A_830 = arith.muli %add3A_828, %mul3A_829 : i32
        %dma_start3A_831 = arith.constant 0 : i32
        %dma_start3A_832 = arith.constant 0 : i32
        %dma_start3A_833 = tpu.memref_slice %arg3[%dma_start3A_831, %add3A, %mul3A_830, %dma_start3A_832] : memref<2x32x80x125xi32, #tpu.memory_space<hbm>> -> memref<1x1x8x125xi32, #tpu.memory_space<hbm>>
        %dma_start3A_834 = tpu.memref_squeeze %dma_start3A_833 : memref<1x1x8x125xi32, #tpu.memory_space<hbm>> -> memref<8x125xi32, #tpu.memory_space<hbm>>
        %dma_start3A_835 = arith.constant 0 : i32
        %dma_start3A_836 = tpu.memref_slice %arg3[%dma_start3A_831, %add3A, %mul3A_830, %dma_start3A_835] : memref<2x32x80x125xi32, #tpu.memory_space<hbm>> -> memref<1x1x8x125xi32, #tpu.memory_space<hbm>>
        %dma_start3A_837 = tpu.memref_squeeze %dma_start3A_836 : memref<1x1x8x125xi32, #tpu.memory_space<hbm>> -> memref<8x125xi32, #tpu.memory_space<hbm>>
        tpu.enqueue_dma source(%dma_start3A_837 : memref<8x125xi32, #tpu.memory_space<hbm>>) target(%arg8 : memref<8x125xi32, #tpu.memory_space<vmem>>) target_semaphore(%arg16 : memref<!tpu.dma_semaphore, #tpu.memory_space<semaphore_mem>>)
        %mul3A_838 = arith.constant 8 : i32
        %mul3A_839 = arith.muli %add3A_828, %mul3A_838 : i32
        %dma_start3A_840 = arith.constant 1 : i32
        %dma_start3A_841 = arith.constant 0 : i32
        %dma_start3A_842 = tpu.memref_slice %arg3[%dma_start3A_840, %add3A, %mul3A_839, %dma_start3A_841] : memref<2x32x80x125xi32, #tpu.memory_space<hbm>> -> memref<1x1x8x125xi32, #tpu.memory_space<hbm>>
        %dma_start3A_843 = tpu.memref_squeeze %dma_start3A_842 : memref<1x1x8x125xi32, #tpu.memory_space<hbm>> -> memref<8x125xi32, #tpu.memory_space<hbm>>
        %dma_start3A_844 = arith.constant 0 : i32
        %dma_start3A_845 = tpu.memref_slice %arg3[%dma_start3A_840, %add3A, %mul3A_839, %dma_start3A_844] : memref<2x32x80x125xi32, #tpu.memory_space<hbm>> -> memref<1x1x8x125xi32, #tpu.memory_space<hbm>>
        %dma_start3A_846 = tpu.memref_squeeze %dma_start3A_845 : memref<1x1x8x125xi32, #tpu.memory_space<hbm>> -> memref<8x125xi32, #tpu.memory_space<hbm>>
        tpu.enqueue_dma source(%dma_start3A_846 : memref<8x125xi32, #tpu.memory_space<hbm>>) target(%arg10 : memref<8x125xi32, #tpu.memory_space<vmem>>) target_semaphore(%arg16 : memref<!tpu.dma_semaphore, #tpu.memory_space<semaphore_mem>>)
      } else {
      }
      %dma_start3A_498 = arith.constant 2 : i32
      %dma_start3A_499 = arith.constant 0 : i32
      %dma_start3A_500 = tpu.memref_slice %arg9[%dma_start3A_498, %dma_start3A_499] : memref<8x125xi32, #tpu.memory_space<vmem>> -> memref<1x125xi32, #tpu.memory_space<vmem>>
      %dma_start3A_501 = tpu.memref_squeeze %dma_start3A_500 : memref<1x125xi32, #tpu.memory_space<vmem>> -> memref<125xi32, #tpu.memory_space<vmem>>
      %dma_start3A_502 = arith.constant 0 : i32
      %dma_start3A_503 = arith.constant 0 : i32
      %dma_start3A_504 = tpu.memref_slice %arg2[%dma_start3A_502, %dma_start3A_503] : memref<10000x128xf32, #tpu.memory_space<hbm>> -> memref<10000x128xf32, #tpu.memory_space<hbm>>
      tpu.enqueue_indirect_dma source(%dma_start3A_504 : memref<10000x128xf32, #tpu.memory_space<hbm>>) target(%arg12 : memref<125x128xf32, #tpu.memory_space<vmem>>) offsets(%dma_start3A_501 : memref<125xi32, #tpu.memory_space<vmem>>) semaphore(%arg18 : memref<!tpu.dma_semaphore, #tpu.memory_space<semaphore_mem>>)
      %dma_wait3A_505 = arith.constant 1 : i32
      %dma_wait3A_506 = arith.constant 0 : i32
      %dma_wait3A_507 = tpu.memref_slice %arg9[%dma_wait3A_505, %dma_wait3A_506] : memref<8x125xi32, #tpu.memory_space<vmem>> -> memref<1x125xi32, #tpu.memory_space<vmem>>
      %dma_wait3A_508 = tpu.memref_squeeze %dma_wait3A_507 : memref<1x125xi32, #tpu.memory_space<vmem>> -> memref<125xi32, #tpu.memory_space<vmem>>
      %dma_wait3A_509 = arith.constant 0 : i32
      %dma_wait3A_510 = arith.constant 0 : i32
      %dma_wait3A_511 = tpu.memref_slice %arg2[%dma_wait3A_509, %dma_wait3A_510] : memref<10000x128xf32, #tpu.memory_space<hbm>> -> memref<10000x128xf32, #tpu.memory_space<hbm>>
      tpu.wait_indirect_dma semaphore(%arg19 : memref<!tpu.dma_semaphore, #tpu.memory_space<semaphore_mem>>) src(%dma_wait3A_511 : memref<10000x128xf32, #tpu.memory_space<hbm>>) dst(%arg13 : memref<125x128xf32, #tpu.memory_space<vmem>>)
      %run_scoped3A_512 = arith.constant 1 : i32
      "tpu.region"() ({
        %run_scoped3A_827 = tpu.sem_alloc : memref<!tpu.dma_semaphore, #tpu.memory_space<semaphore_mem>>
        %dma_start3A_828 = arith.constant 0 : i32
        %dma_start3A_829 = tpu.memref_slice %arg11[%run_scoped3A_512, %dma_start3A_828] : memref<8x125xi32, #tpu.memory_space<vmem>> -> memref<1x125xi32, #tpu.memory_space<vmem>>
        %dma_start3A_830 = tpu.memref_squeeze %dma_start3A_829 : memref<1x125xi32, #tpu.memory_space<vmem>> -> memref<125xi32, #tpu.memory_space<vmem>>
        %dma_start3A_831 = arith.constant 0 : i32
        %dma_start3A_832 = arith.constant 0 : i32
        %dma_start3A_833 = tpu.memref_slice %arg15[%dma_start3A_831, %dma_start3A_832] : memref<10240x128xf32, #tpu.memory_space<vmem_shared>> -> memref<10240x128xf32, #tpu.memory_space<vmem_shared>>
        tpu.enqueue_indirect_dma source(%arg13 : memref<125x128xf32, #tpu.memory_space<vmem>>) target(%dma_start3A_833 : memref<10240x128xf32, #tpu.memory_space<vmem_shared>>) offsets(%dma_start3A_830 : memref<125xi32, #tpu.memory_space<vmem>>) semaphore(%run_scoped3A_827 : memref<!tpu.dma_semaphore, #tpu.memory_space<semaphore_mem>>) {add = true}
        %dma_wait3A_834 = arith.constant 0 : i32
        %dma_wait3A_835 = tpu.memref_slice %arg11[%run_scoped3A_512, %dma_wait3A_834] : memref<8x125xi32, #tpu.memory_space<vmem>> -> memref<1x125xi32, #tpu.memory_space<vmem>>
        %dma_wait3A_836 = tpu.memref_squeeze %dma_wait3A_835 : memref<1x125xi32, #tpu.memory_space<vmem>> -> memref<125xi32, #tpu.memory_space<vmem>>
        %dma_wait3A_837 = arith.constant 0 : i32
        %dma_wait3A_838 = arith.constant 0 : i32
        %dma_wait3A_839 = tpu.memref_slice %arg15[%dma_wait3A_837, %dma_wait3A_838] : memref<10240x128xf32, #tpu.memory_space<vmem_shared>> -> memref<10240x128xf32, #tpu.memory_space<vmem_shared>>
        tpu.wait_indirect_dma semaphore(%run_scoped3A_827 : memref<!tpu.dma_semaphore, #tpu.memory_space<semaphore_mem>>) src(%arg13 : memref<125x128xf32, #tpu.memory_space<vmem>>) dst(%dma_wait3A_839 : memref<10240x128xf32, #tpu.memory_space<vmem_shared>>)
        tpu.yield
      }) : () -> ()
      %get3A_513 = arith.constant 1 : i32
      %get3A_514 = arith.index_cast %get3A_513 : i32 to index
      %get3A_515 = arith.constant 0 : index
      %get3A_516 = tpu.vector_load %arg11[%get3A_514, %get3A_515] {strides = array<i32>} : memref<8x125xi32, #tpu.memory_space<vmem>>, vector<16xi32>,
      tpu.vector_store_idx %arg14[%get3A_516], %broadcast_in_dim3A_3 {add = true} : memref<10240xf32, #tpu.memory_space<vmem>>[vector<16xi32>], vector<16xf32>,
      %get3A_517 = arith.constant 1 : i32
      %get3A_518 = arith.index_cast %get3A_517 : i32 to index
      %get3A_519 = arith.constant 16 : index
      %get3A_520 = tpu.vector_load %arg11[%get3A_518, %get3A_519] {strides = array<i32>} : memref<8x125xi32, #tpu.memory_space<vmem>>, vector<16xi32>,
      tpu.vector_store_idx %arg14[%get3A_520], %broadcast_in_dim3A_3 {add = true} : memref<10240xf32, #tpu.memory_space<vmem>>[vector<16xi32>], vector<16xf32>,
      %get3A_521 = arith.constant 1 : i32
      %get3A_522 = arith.index_cast %get3A_521 : i32 to index
      %get3A_523 = arith.constant 32 : index
      %get3A_524 = tpu.vector_load %arg11[%get3A_522, %get3A_523] {strides = array<i32>} : memref<8x125xi32, #tpu.memory_space<vmem>>, vector<16xi32>,
      tpu.vector_store_idx %arg14[%get3A_524], %broadcast_in_dim3A_3 {add = true} : memref<10240xf32, #tpu.memory_space<vmem>>[vector<16xi32>], vector<16xf32>,
      %get3A_525 = arith.constant 1 : i32
      %get3A_526 = arith.index_cast %get3A_525 : i32 to index
      %get3A_527 = arith.constant 48 : index
      %get3A_528 = tpu.vector_load %arg11[%get3A_526, %get3A_527] {strides = array<i32>} : memref<8x125xi32, #tpu.memory_space<vmem>>, vector<16xi32>,
      tpu.vector_store_idx %arg14[%get3A_528], %broadcast_in_dim3A_3 {add = true} : memref<10240xf32, #tpu.memory_space<vmem>>[vector<16xi32>], vector<16xf32>,
      %get3A_529 = arith.constant 1 : i32
      %get3A_530 = arith.index_cast %get3A_529 : i32 to index
      %get3A_531 = arith.constant 64 : index
      %get3A_532 = tpu.vector_load %arg11[%get3A_530, %get3A_531] {strides = array<i32>} : memref<8x125xi32, #tpu.memory_space<vmem>>, vector<16xi32>,
      tpu.vector_store_idx %arg14[%get3A_532], %broadcast_in_dim3A_3 {add = true} : memref<10240xf32, #tpu.memory_space<vmem>>[vector<16xi32>], vector<16xf32>,
      %get3A_533 = arith.constant 1 : i32
      %get3A_534 = arith.index_cast %get3A_533 : i32 to index
      %get3A_535 = arith.constant 80 : index
      %get3A_536 = tpu.vector_load %arg11[%get3A_534, %get3A_535] {strides = array<i32>} : memref<8x125xi32, #tpu.memory_space<vmem>>, vector<16xi32>,
      tpu.vector_store_idx %arg14[%get3A_536], %broadcast_in_dim3A_3 {add = true} : memref<10240xf32, #tpu.memory_space<vmem>>[vector<16xi32>], vector<16xf32>,
      %get3A_537 = arith.constant 1 : i32
      %get3A_538 = arith.index_cast %get3A_537 : i32 to index
      %get3A_539 = arith.constant 96 : index
      %get3A_540 = tpu.vector_load %arg11[%get3A_538, %get3A_539] {strides = array<i32>} : memref<8x125xi32, #tpu.memory_space<vmem>>, vector<16xi32>,
      tpu.vector_store_idx %arg14[%get3A_540], %broadcast_in_dim3A_3 {add = true} : memref<10240xf32, #tpu.memory_space<vmem>>[vector<16xi32>], vector<16xf32>,
      %get3A_541 = arith.constant 1 : i32
      %get3A_542 = arith.index_cast %get3A_541 : i32 to index
      %get3A_543 = arith.constant 109 : index
      %get3A_544 = tpu.vector_load %arg11[%get3A_542, %get3A_543] {strides = array<i32>} : memref<8x125xi32, #tpu.memory_space<vmem>>, vector<16xi32>,
      tpu.vector_store_idx %arg14[%get3A_544], %broadcast_in_dim3A_3 masked %ge3A_5 {add = true} : memref<10240xf32, #tpu.memory_space<vmem>>[vector<16xi32>], vector<16xf32>, vector<16xi1>
      %dma_start3A_545 = arith.constant 3 : i32
      %dma_start3A_546 = arith.constant 0 : i32
      %dma_start3A_547 = tpu.memref_slice %arg9[%dma_start3A_545, %dma_start3A_546] : memref<8x125xi32, #tpu.memory_space<vmem>> -> memref<1x125xi32, #tpu.memory_space<vmem>>
      %dma_start3A_548 = tpu.memref_squeeze %dma_start3A_547 : memref<1x125xi32, #tpu.memory_space<vmem>> -> memref<125xi32, #tpu.memory_space<vmem>>
      %dma_start3A_549 = arith.constant 0 : i32
      %dma_start3A_550 = arith.constant 0 : i32
      %dma_start3A_551 = tpu.memref_slice %arg2[%dma_start3A_549, %dma_start3A_550] : memref<10000x128xf32, #tpu.memory_space<hbm>> -> memref<10000x128xf32, #tpu.memory_space<hbm>>
      tpu.enqueue_indirect_dma source(%dma_start3A_551 : memref<10000x128xf32, #tpu.memory_space<hbm>>) target(%arg13 : memref<125x128xf32, #tpu.memory_space<vmem>>) offsets(%dma_start3A_548 : memref<125xi32, #tpu.memory_space<vmem>>) semaphore(%arg19 : memref<!tpu.dma_semaphore, #tpu.memory_space<semaphore_mem>>)
      %dma_wait3A_552 = arith.constant 2 : i32
      %dma_wait3A_553 = arith.constant 0 : i32
      %dma_wait3A_554 = tpu.memref_slice %arg9[%dma_wait3A_552, %dma_wait3A_553] : memref<8x125xi32, #tpu.memory_space<vmem>> -> memref<1x125xi32, #tpu.memory_space<vmem>>
      %dma_wait3A_555 = tpu.memref_squeeze %dma_wait3A_554 : memref<1x125xi32, #tpu.memory_space<vmem>> -> memref<125xi32, #tpu.memory_space<vmem>>
      %dma_wait3A_556 = arith.constant 0 : i32
      %dma_wait3A_557 = arith.constant 0 : i32
      %dma_wait3A_558 = tpu.memref_slice %arg2[%dma_wait3A_556, %dma_wait3A_557] : memref<10000x128xf32, #tpu.memory_space<hbm>> -> memref<10000x128xf32, #tpu.memory_space<hbm>>
      tpu.wait_indirect_dma semaphore(%arg18 : memref<!tpu.dma_semaphore, #tpu.memory_space<semaphore_mem>>) src(%dma_wait3A_558 : memref<10000x128xf32, #tpu.memory_space<hbm>>) dst(%arg12 : memref<125x128xf32, #tpu.memory_space<vmem>>)
      %run_scoped3A_559 = arith.constant 2 : i32
      "tpu.region"() ({
        %run_scoped3A_827 = tpu.sem_alloc : memref<!tpu.dma_semaphore, #tpu.memory_space<semaphore_mem>>
        %dma_start3A_828 = arith.constant 0 : i32
        %dma_start3A_829 = tpu.memref_slice %arg11[%run_scoped3A_559, %dma_start3A_828] : memref<8x125xi32, #tpu.memory_space<vmem>> -> memref<1x125xi32, #tpu.memory_space<vmem>>
        %dma_start3A_830 = tpu.memref_squeeze %dma_start3A_829 : memref<1x125xi32, #tpu.memory_space<vmem>> -> memref<125xi32, #tpu.memory_space<vmem>>
        %dma_start3A_831 = arith.constant 0 : i32
        %dma_start3A_832 = arith.constant 0 : i32
        %dma_start3A_833 = tpu.memref_slice %arg15[%dma_start3A_831, %dma_start3A_832] : memref<10240x128xf32, #tpu.memory_space<vmem_shared>> -> memref<10240x128xf32, #tpu.memory_space<vmem_shared>>
        tpu.enqueue_indirect_dma source(%arg12 : memref<125x128xf32, #tpu.memory_space<vmem>>) target(%dma_start3A_833 : memref<10240x128xf32, #tpu.memory_space<vmem_shared>>) offsets(%dma_start3A_830 : memref<125xi32, #tpu.memory_space<vmem>>) semaphore(%run_scoped3A_827 : memref<!tpu.dma_semaphore, #tpu.memory_space<semaphore_mem>>) {add = true}
        %dma_wait3A_834 = arith.constant 0 : i32
        %dma_wait3A_835 = tpu.memref_slice %arg11[%run_scoped3A_559, %dma_wait3A_834] : memref<8x125xi32, #tpu.memory_space<vmem>> -> memref<1x125xi32, #tpu.memory_space<vmem>>
        %dma_wait3A_836 = tpu.memref_squeeze %dma_wait3A_835 : memref<1x125xi32, #tpu.memory_space<vmem>> -> memref<125xi32, #tpu.memory_space<vmem>>
        %dma_wait3A_837 = arith.constant 0 : i32
        %dma_wait3A_838 = arith.constant 0 : i32
        %dma_wait3A_839 = tpu.memref_slice %arg15[%dma_wait3A_837, %dma_wait3A_838] : memref<10240x128xf32, #tpu.memory_space<vmem_shared>> -> memref<10240x128xf32, #tpu.memory_space<vmem_shared>>
        tpu.wait_indirect_dma semaphore(%run_scoped3A_827 : memref<!tpu.dma_semaphore, #tpu.memory_space<semaphore_mem>>) src(%arg12 : memref<125x128xf32, #tpu.memory_space<vmem>>) dst(%dma_wait3A_839 : memref<10240x128xf32, #tpu.memory_space<vmem_shared>>)
        tpu.yield
      }) : () -> ()
      %get3A_560 = arith.constant 2 : i32
      %get3A_561 = arith.index_cast %get3A_560 : i32 to index
      %get3A_562 = arith.constant 0 : index
      %get3A_563 = tpu.vector_load %arg11[%get3A_561, %get3A_562] {strides = array<i32>} : memref<8x125xi32, #tpu.memory_space<vmem>>, vector<16xi32>,
      tpu.vector_store_idx %arg14[%get3A_563], %broadcast_in_dim3A_3 {add = true} : memref<10240xf32, #tpu.memory_space<vmem>>[vector<16xi32>], vector<16xf32>,
      %get3A_564 = arith.constant 2 : i32
      %get3A_565 = arith.index_cast %get3A_564 : i32 to index
      %get3A_566 = arith.constant 16 : index
      %get3A_567 = tpu.vector_load %arg11[%get3A_565, %get3A_566] {strides = array<i32>} : memref<8x125xi32, #tpu.memory_space<vmem>>, vector<16xi32>,
      tpu.vector_store_idx %arg14[%get3A_567], %broadcast_in_dim3A_3 {add = true} : memref<10240xf32, #tpu.memory_space<vmem>>[vector<16xi32>], vector<16xf32>,
      %get3A_568 = arith.constant 2 : i32
      %get3A_569 = arith.index_cast %get3A_568 : i32 to index
      %get3A_570 = arith.constant 32 : index
      %get3A_571 = tpu.vector_load %arg11[%get3A_569, %get3A_570] {strides = array<i32>} : memref<8x125xi32, #tpu.memory_space<vmem>>, vector<16xi32>,
      tpu.vector_store_idx %arg14[%get3A_571], %broadcast_in_dim3A_3 {add = true} : memref<10240xf32, #tpu.memory_space<vmem>>[vector<16xi32>], vector<16xf32>,
      %get3A_572 = arith.constant 2 : i32
      %get3A_573 = arith.index_cast %get3A_572 : i32 to index
      %get3A_574 = arith.constant 48 : index
      %get3A_575 = tpu.vector_load %arg11[%get3A_573, %get3A_574] {strides = array<i32>} : memref<8x125xi32, #tpu.memory_space<vmem>>, vector<16xi32>,
      tpu.vector_store_idx %arg14[%get3A_575], %broadcast_in_dim3A_3 {add = true} : memref<10240xf32, #tpu.memory_space<vmem>>[vector<16xi32>], vector<16xf32>,
      %get3A_576 = arith.constant 2 : i32
      %get3A_577 = arith.index_cast %get3A_576 : i32 to index
      %get3A_578 = arith.constant 64 : index
      %get3A_579 = tpu.vector_load %arg11[%get3A_577, %get3A_578] {strides = array<i32>} : memref<8x125xi32, #tpu.memory_space<vmem>>, vector<16xi32>,
      tpu.vector_store_idx %arg14[%get3A_579], %broadcast_in_dim3A_3 {add = true} : memref<10240xf32, #tpu.memory_space<vmem>>[vector<16xi32>], vector<16xf32>,
      %get3A_580 = arith.constant 2 : i32
      %get3A_581 = arith.index_cast %get3A_580 : i32 to index
      %get3A_582 = arith.constant 80 : index
      %get3A_583 = tpu.vector_load %arg11[%get3A_581, %get3A_582] {strides = array<i32>} : memref<8x125xi32, #tpu.memory_space<vmem>>, vector<16xi32>,
      tpu.vector_store_idx %arg14[%get3A_583], %broadcast_in_dim3A_3 {add = true} : memref<10240xf32, #tpu.memory_space<vmem>>[vector<16xi32>], vector<16xf32>,
      %get3A_584 = arith.constant 2 : i32
      %get3A_585 = arith.index_cast %get3A_584 : i32 to index
      %get3A_586 = arith.constant 96 : index
      %get3A_587 = tpu.vector_load %arg11[%get3A_585, %get3A_586] {strides = array<i32>} : memref<8x125xi32, #tpu.memory_space<vmem>>, vector<16xi32>,
      tpu.vector_store_idx %arg14[%get3A_587], %broadcast_in_dim3A_3 {add = true} : memref<10240xf32, #tpu.memory_space<vmem>>[vector<16xi32>], vector<16xf32>,
      %get3A_588 = arith.constant 2 : i32
      %get3A_589 = arith.index_cast %get3A_588 : i32 to index
      %get3A_590 = arith.constant 109 : index
      %get3A_591 = tpu.vector_load %arg11[%get3A_589, %get3A_590] {strides = array<i32>} : memref<8x125xi32, #tpu.memory_space<vmem>>, vector<16xi32>,
      tpu.vector_store_idx %arg14[%get3A_591], %broadcast_in_dim3A_3 masked %ge3A_5 {add = true} : memref<10240xf32, #tpu.memory_space<vmem>>[vector<16xi32>], vector<16xf32>, vector<16xi1>
      %dma_start3A_592 = arith.constant 4 : i32
      %dma_start3A_593 = arith.constant 0 : i32
      %dma_start3A_594 = tpu.memref_slice %arg9[%dma_start3A_592, %dma_start3A_593] : memref<8x125xi32, #tpu.memory_space<vmem>> -> memref<1x125xi32, #tpu.memory_space<vmem>>
      %dma_start3A_595 = tpu.memref_squeeze %dma_start3A_594 : memref<1x125xi32, #tpu.memory_space<vmem>> -> memref<125xi32, #tpu.memory_space<vmem>>
      %dma_start3A_596 = arith.constant 0 : i32
      %dma_start3A_597 = arith.constant 0 : i32
      %dma_start3A_598 = tpu.memref_slice %arg2[%dma_start3A_596, %dma_start3A_597] : memref<10000x128xf32, #tpu.memory_space<hbm>> -> memref<10000x128xf32, #tpu.memory_space<hbm>>
      tpu.enqueue_indirect_dma source(%dma_start3A_598 : memref<10000x128xf32, #tpu.memory_space<hbm>>) target(%arg12 : memref<125x128xf32, #tpu.memory_space<vmem>>) offsets(%dma_start3A_595 : memref<125xi32, #tpu.memory_space<vmem>>) semaphore(%arg18 : memref<!tpu.dma_semaphore, #tpu.memory_space<semaphore_mem>>)
      %dma_wait3A_599 = arith.constant 3 : i32
      %dma_wait3A_600 = arith.constant 0 : i32
      %dma_wait3A_601 = tpu.memref_slice %arg9[%dma_wait3A_599, %dma_wait3A_600] : memref<8x125xi32, #tpu.memory_space<vmem>> -> memref<1x125xi32, #tpu.memory_space<vmem>>
      %dma_wait3A_602 = tpu.memref_squeeze %dma_wait3A_601 : memref<1x125xi32, #tpu.memory_space<vmem>> -> memref<125xi32, #tpu.memory_space<vmem>>
      %dma_wait3A_603 = arith.constant 0 : i32
      %dma_wait3A_604 = arith.constant 0 : i32
      %dma_wait3A_605 = tpu.memref_slice %arg2[%dma_wait3A_603, %dma_wait3A_604] : memref<10000x128xf32, #tpu.memory_space<hbm>> -> memref<10000x128xf32, #tpu.memory_space<hbm>>
      tpu.wait_indirect_dma semaphore(%arg19 : memref<!tpu.dma_semaphore, #tpu.memory_space<semaphore_mem>>) src(%dma_wait3A_605 : memref<10000x128xf32, #tpu.memory_space<hbm>>) dst(%arg13 : memref<125x128xf32, #tpu.memory_space<vmem>>)
      %run_scoped3A_606 = arith.constant 3 : i32
      "tpu.region"() ({
        %run_scoped3A_827 = tpu.sem_alloc : memref<!tpu.dma_semaphore, #tpu.memory_space<semaphore_mem>>
        %dma_start3A_828 = arith.constant 0 : i32
        %dma_start3A_829 = tpu.memref_slice %arg11[%run_scoped3A_606, %dma_start3A_828] : memref<8x125xi32, #tpu.memory_space<vmem>> -> memref<1x125xi32, #tpu.memory_space<vmem>>
        %dma_start3A_830 = tpu.memref_squeeze %dma_start3A_829 : memref<1x125xi32, #tpu.memory_space<vmem>> -> memref<125xi32, #tpu.memory_space<vmem>>
        %dma_start3A_831 = arith.constant 0 : i32
        %dma_start3A_832 = arith.constant 0 : i32
        %dma_start3A_833 = tpu.memref_slice %arg15[%dma_start3A_831, %dma_start3A_832] : memref<10240x128xf32, #tpu.memory_space<vmem_shared>> -> memref<10240x128xf32, #tpu.memory_space<vmem_shared>>
        tpu.enqueue_indirect_dma source(%arg13 : memref<125x128xf32, #tpu.memory_space<vmem>>) target(%dma_start3A_833 : memref<10240x128xf32, #tpu.memory_space<vmem_shared>>) offsets(%dma_start3A_830 : memref<125xi32, #tpu.memory_space<vmem>>) semaphore(%run_scoped3A_827 : memref<!tpu.dma_semaphore, #tpu.memory_space<semaphore_mem>>) {add = true}
        %dma_wait3A_834 = arith.constant 0 : i32
        %dma_wait3A_835 = tpu.memref_slice %arg11[%run_scoped3A_606, %dma_wait3A_834] : memref<8x125xi32, #tpu.memory_space<vmem>> -> memref<1x125xi32, #tpu.memory_space<vmem>>
        %dma_wait3A_836 = tpu.memref_squeeze %dma_wait3A_835 : memref<1x125xi32, #tpu.memory_space<vmem>> -> memref<125xi32, #tpu.memory_space<vmem>>
        %dma_wait3A_837 = arith.constant 0 : i32
        %dma_wait3A_838 = arith.constant 0 : i32
        %dma_wait3A_839 = tpu.memref_slice %arg15[%dma_wait3A_837, %dma_wait3A_838] : memref<10240x128xf32, #tpu.memory_space<vmem_shared>> -> memref<10240x128xf32, #tpu.memory_space<vmem_shared>>
        tpu.wait_indirect_dma semaphore(%run_scoped3A_827 : memref<!tpu.dma_semaphore, #tpu.memory_space<semaphore_mem>>) src(%arg13 : memref<125x128xf32, #tpu.memory_space<vmem>>) dst(%dma_wait3A_839 : memref<10240x128xf32, #tpu.memory_space<vmem_shared>>)
        tpu.yield
      }) : () -> ()
      %get3A_607 = arith.constant 3 : i32
      %get3A_608 = arith.index_cast %get3A_607 : i32 to index
      %get3A_609 = arith.constant 0 : index
      %get3A_610 = tpu.vector_load %arg11[%get3A_608, %get3A_609] {strides = array<i32>} : memref<8x125xi32, #tpu.memory_space<vmem>>, vector<16xi32>,
      tpu.vector_store_idx %arg14[%get3A_610], %broadcast_in_dim3A_3 {add = true} : memref<10240xf32, #tpu.memory_space<vmem>>[vector<16xi32>], vector<16xf32>,
      %get3A_611 = arith.constant 3 : i32
      %get3A_612 = arith.index_cast %get3A_611 : i32 to index
      %get3A_613 = arith.constant 16 : index
      %get3A_614 = tpu.vector_load %arg11[%get3A_612, %get3A_613] {strides = array<i32>} : memref<8x125xi32, #tpu.memory_space<vmem>>, vector<16xi32>,
      tpu.vector_store_idx %arg14[%get3A_614], %broadcast_in_dim3A_3 {add = true} : memref<10240xf32, #tpu.memory_space<vmem>>[vector<16xi32>], vector<16xf32>,
      %get3A_615 = arith.constant 3 : i32
      %get3A_616 = arith.index_cast %get3A_615 : i32 to index
      %get3A_617 = arith.constant 32 : index
      %get3A_618 = tpu.vector_load %arg11[%get3A_616, %get3A_617] {strides = array<i32>} : memref<8x125xi32, #tpu.memory_space<vmem>>, vector<16xi32>,
      tpu.vector_store_idx %arg14[%get3A_618], %broadcast_in_dim3A_3 {add = true} : memref<10240xf32, #tpu.memory_space<vmem>>[vector<16xi32>], vector<16xf32>,
      %get3A_619 = arith.constant 3 : i32
      %get3A_620 = arith.index_cast %get3A_619 : i32 to index
      %get3A_621 = arith.constant 48 : index
      %get3A_622 = tpu.vector_load %arg11[%get3A_620, %get3A_621] {strides = array<i32>} : memref<8x125xi32, #tpu.memory_space<vmem>>, vector<16xi32>,
      tpu.vector_store_idx %arg14[%get3A_622], %broadcast_in_dim3A_3 {add = true} : memref<10240xf32, #tpu.memory_space<vmem>>[vector<16xi32>], vector<16xf32>,
      %get3A_623 = arith.constant 3 : i32
      %get3A_624 = arith.index_cast %get3A_623 : i32 to index
      %get3A_625 = arith.constant 64 : index
      %get3A_626 = tpu.vector_load %arg11[%get3A_624, %get3A_625] {strides = array<i32>} : memref<8x125xi32, #tpu.memory_space<vmem>>, vector<16xi32>,
      tpu.vector_store_idx %arg14[%get3A_626], %broadcast_in_dim3A_3 {add = true} : memref<10240xf32, #tpu.memory_space<vmem>>[vector<16xi32>], vector<16xf32>,
      %get3A_627 = arith.constant 3 : i32
      %get3A_628 = arith.index_cast %get3A_627 : i32 to index
      %get3A_629 = arith.constant 80 : index
      %get3A_630 = tpu.vector_load %arg11[%get3A_628, %get3A_629] {strides = array<i32>} : memref<8x125xi32, #tpu.memory_space<vmem>>, vector<16xi32>,
      tpu.vector_store_idx %arg14[%get3A_630], %broadcast_in_dim3A_3 {add = true} : memref<10240xf32, #tpu.memory_space<vmem>>[vector<16xi32>], vector<16xf32>,
      %get3A_631 = arith.constant 3 : i32
      %get3A_632 = arith.index_cast %get3A_631 : i32 to index
      %get3A_633 = arith.constant 96 : index
      %get3A_634 = tpu.vector_load %arg11[%get3A_632, %get3A_633] {strides = array<i32>} : memref<8x125xi32, #tpu.memory_space<vmem>>, vector<16xi32>,
      tpu.vector_store_idx %arg14[%get3A_634], %broadcast_in_dim3A_3 {add = true} : memref<10240xf32, #tpu.memory_space<vmem>>[vector<16xi32>], vector<16xf32>,
      %get3A_635 = arith.constant 3 : i32
      %get3A_636 = arith.index_cast %get3A_635 : i32 to index
      %get3A_637 = arith.constant 109 : index
      %get3A_638 = tpu.vector_load %arg11[%get3A_636, %get3A_637] {strides = array<i32>} : memref<8x125xi32, #tpu.memory_space<vmem>>, vector<16xi32>,
      tpu.vector_store_idx %arg14[%get3A_638], %broadcast_in_dim3A_3 masked %ge3A_5 {add = true} : memref<10240xf32, #tpu.memory_space<vmem>>[vector<16xi32>], vector<16xf32>, vector<16xi1>
      %dma_start3A_639 = arith.constant 5 : i32
      %dma_start3A_640 = arith.constant 0 : i32
      %dma_start3A_641 = tpu.memref_slice %arg9[%dma_start3A_639, %dma_start3A_640] : memref<8x125xi32, #tpu.memory_space<vmem>> -> memref<1x125xi32, #tpu.memory_space<vmem>>
      %dma_start3A_642 = tpu.memref_squeeze %dma_start3A_641 : memref<1x125xi32, #tpu.memory_space<vmem>> -> memref<125xi32, #tpu.memory_space<vmem>>
      %dma_start3A_643 = arith.constant 0 : i32
      %dma_start3A_644 = arith.constant 0 : i32
      %dma_start3A_645 = tpu.memref_slice %arg2[%dma_start3A_643, %dma_start3A_644] : memref<10000x128xf32, #tpu.memory_space<hbm>> -> memref<10000x128xf32, #tpu.memory_space<hbm>>
      tpu.enqueue_indirect_dma source(%dma_start3A_645 : memref<10000x128xf32, #tpu.memory_space<hbm>>) target(%arg13 : memref<125x128xf32, #tpu.memory_space<vmem>>) offsets(%dma_start3A_642 : memref<125xi32, #tpu.memory_space<vmem>>) semaphore(%arg19 : memref<!tpu.dma_semaphore, #tpu.memory_space<semaphore_mem>>)
      %dma_wait3A_646 = arith.constant 4 : i32
      %dma_wait3A_647 = arith.constant 0 : i32
      %dma_wait3A_648 = tpu.memref_slice %arg9[%dma_wait3A_646, %dma_wait3A_647] : memref<8x125xi32, #tpu.memory_space<vmem>> -> memref<1x125xi32, #tpu.memory_space<vmem>>
      %dma_wait3A_649 = tpu.memref_squeeze %dma_wait3A_648 : memref<1x125xi32, #tpu.memory_space<vmem>> -> memref<125xi32, #tpu.memory_space<vmem>>
      %dma_wait3A_650 = arith.constant 0 : i32
      %dma_wait3A_651 = arith.constant 0 : i32
      %dma_wait3A_652 = tpu.memref_slice %arg2[%dma_wait3A_650, %dma_wait3A_651] : memref<10000x128xf32, #tpu.memory_space<hbm>> -> memref<10000x128xf32, #tpu.memory_space<hbm>>
      tpu.wait_indirect_dma semaphore(%arg18 : memref<!tpu.dma_semaphore, #tpu.memory_space<semaphore_mem>>) src(%dma_wait3A_652 : memref<10000x128xf32, #tpu.memory_space<hbm>>) dst(%arg12 : memref<125x128xf32, #tpu.memory_space<vmem>>)
      %run_scoped3A_653 = arith.constant 4 : i32
      "tpu.region"() ({
        %run_scoped3A_827 = tpu.sem_alloc : memref<!tpu.dma_semaphore, #tpu.memory_space<semaphore_mem>>
        %dma_start3A_828 = arith.constant 0 : i32
        %dma_start3A_829 = tpu.memref_slice %arg11[%run_scoped3A_653, %dma_start3A_828] : memref<8x125xi32, #tpu.memory_space<vmem>> -> memref<1x125xi32, #tpu.memory_space<vmem>>
        %dma_start3A_830 = tpu.memref_squeeze %dma_start3A_829 : memref<1x125xi32, #tpu.memory_space<vmem>> -> memref<125xi32, #tpu.memory_space<vmem>>
        %dma_start3A_831 = arith.constant 0 : i32
        %dma_start3A_832 = arith.constant 0 : i32
        %dma_start3A_833 = tpu.memref_slice %arg15[%dma_start3A_831, %dma_start3A_832] : memref<10240x128xf32, #tpu.memory_space<vmem_shared>> -> memref<10240x128xf32, #tpu.memory_space<vmem_shared>>
        tpu.enqueue_indirect_dma source(%arg12 : memref<125x128xf32, #tpu.memory_space<vmem>>) target(%dma_start3A_833 : memref<10240x128xf32, #tpu.memory_space<vmem_shared>>) offsets(%dma_start3A_830 : memref<125xi32, #tpu.memory_space<vmem>>) semaphore(%run_scoped3A_827 : memref<!tpu.dma_semaphore, #tpu.memory_space<semaphore_mem>>) {add = true}
        %dma_wait3A_834 = arith.constant 0 : i32
        %dma_wait3A_835 = tpu.memref_slice %arg11[%run_scoped3A_653, %dma_wait3A_834] : memref<8x125xi32, #tpu.memory_space<vmem>> -> memref<1x125xi32, #tpu.memory_space<vmem>>
        %dma_wait3A_836 = tpu.memref_squeeze %dma_wait3A_835 : memref<1x125xi32, #tpu.memory_space<vmem>> -> memref<125xi32, #tpu.memory_space<vmem>>
        %dma_wait3A_837 = arith.constant 0 : i32
        %dma_wait3A_838 = arith.constant 0 : i32
        %dma_wait3A_839 = tpu.memref_slice %arg15[%dma_wait3A_837, %dma_wait3A_838] : memref<10240x128xf32, #tpu.memory_space<vmem_shared>> -> memref<10240x128xf32, #tpu.memory_space<vmem_shared>>
        tpu.wait_indirect_dma semaphore(%run_scoped3A_827 : memref<!tpu.dma_semaphore, #tpu.memory_space<semaphore_mem>>) src(%arg12 : memref<125x128xf32, #tpu.memory_space<vmem>>) dst(%dma_wait3A_839 : memref<10240x128xf32, #tpu.memory_space<vmem_shared>>)
        tpu.yield
      }) : () -> ()
      %get3A_654 = arith.constant 4 : i32
      %get3A_655 = arith.index_cast %get3A_654 : i32 to index
      %get3A_656 = arith.constant 0 : index
      %get3A_657 = tpu.vector_load %arg11[%get3A_655, %get3A_656] {strides = array<i32>} : memref<8x125xi32, #tpu.memory_space<vmem>>, vector<16xi32>,
      tpu.vector_store_idx %arg14[%get3A_657], %broadcast_in_dim3A_3 {add = true} : memref<10240xf32, #tpu.memory_space<vmem>>[vector<16xi32>], vector<16xf32>,
      %get3A_658 = arith.constant 4 : i32
      %get3A_659 = arith.index_cast %get3A_658 : i32 to index
      %get3A_660 = arith.constant 16 : index
      %get3A_661 = tpu.vector_load %arg11[%get3A_659, %get3A_660] {strides = array<i32>} : memref<8x125xi32, #tpu.memory_space<vmem>>, vector<16xi32>,
      tpu.vector_store_idx %arg14[%get3A_661], %broadcast_in_dim3A_3 {add = true} : memref<10240xf32, #tpu.memory_space<vmem>>[vector<16xi32>], vector<16xf32>,
      %get3A_662 = arith.constant 4 : i32
      %get3A_663 = arith.index_cast %get3A_662 : i32 to index
      %get3A_664 = arith.constant 32 : index
      %get3A_665 = tpu.vector_load %arg11[%get3A_663, %get3A_664] {strides = array<i32>} : memref<8x125xi32, #tpu.memory_space<vmem>>, vector<16xi32>,
      tpu.vector_store_idx %arg14[%get3A_665], %broadcast_in_dim3A_3 {add = true} : memref<10240xf32, #tpu.memory_space<vmem>>[vector<16xi32>], vector<16xf32>,
      %get3A_666 = arith.constant 4 : i32
      %get3A_667 = arith.index_cast %get3A_666 : i32 to index
      %get3A_668 = arith.constant 48 : index
      %get3A_669 = tpu.vector_load %arg11[%get3A_667, %get3A_668] {strides = array<i32>} : memref<8x125xi32, #tpu.memory_space<vmem>>, vector<16xi32>,
      tpu.vector_store_idx %arg14[%get3A_669], %broadcast_in_dim3A_3 {add = true} : memref<10240xf32, #tpu.memory_space<vmem>>[vector<16xi32>], vector<16xf32>,
      %get3A_670 = arith.constant 4 : i32
      %get3A_671 = arith.index_cast %get3A_670 : i32 to index
      %get3A_672 = arith.constant 64 : index
      %get3A_673 = tpu.vector_load %arg11[%get3A_671, %get3A_672] {strides = array<i32>} : memref<8x125xi32, #tpu.memory_space<vmem>>, vector<16xi32>,
      tpu.vector_store_idx %arg14[%get3A_673], %broadcast_in_dim3A_3 {add = true} : memref<10240xf32, #tpu.memory_space<vmem>>[vector<16xi32>], vector<16xf32>,
      %get3A_674 = arith.constant 4 : i32
      %get3A_675 = arith.index_cast %get3A_674 : i32 to index
      %get3A_676 = arith.constant 80 : index
      %get3A_677 = tpu.vector_load %arg11[%get3A_675, %get3A_676] {strides = array<i32>} : memref<8x125xi32, #tpu.memory_space<vmem>>, vector<16xi32>,
      tpu.vector_store_idx %arg14[%get3A_677], %broadcast_in_dim3A_3 {add = true} : memref<10240xf32, #tpu.memory_space<vmem>>[vector<16xi32>], vector<16xf32>,
      %get3A_678 = arith.constant 4 : i32
      %get3A_679 = arith.index_cast %get3A_678 : i32 to index
      %get3A_680 = arith.constant 96 : index
      %get3A_681 = tpu.vector_load %arg11[%get3A_679, %get3A_680] {strides = array<i32>} : memref<8x125xi32, #tpu.memory_space<vmem>>, vector<16xi32>,
      tpu.vector_store_idx %arg14[%get3A_681], %broadcast_in_dim3A_3 {add = true} : memref<10240xf32, #tpu.memory_space<vmem>>[vector<16xi32>], vector<16xf32>,
      %get3A_682 = arith.constant 4 : i32
      %get3A_683 = arith.index_cast %get3A_682 : i32 to index
      %get3A_684 = arith.constant 109 : index
      %get3A_685 = tpu.vector_load %arg11[%get3A_683, %get3A_684] {strides = array<i32>} : memref<8x125xi32, #tpu.memory_space<vmem>>, vector<16xi32>,
      tpu.vector_store_idx %arg14[%get3A_685], %broadcast_in_dim3A_3 masked %ge3A_5 {add = true} : memref<10240xf32, #tpu.memory_space<vmem>>[vector<16xi32>], vector<16xf32>, vector<16xi1>
      %dma_start3A_686 = arith.constant 6 : i32
      %dma_start3A_687 = arith.constant 0 : i32
      %dma_start3A_688 = tpu.memref_slice %arg9[%dma_start3A_686, %dma_start3A_687] : memref<8x125xi32, #tpu.memory_space<vmem>> -> memref<1x125xi32, #tpu.memory_space<vmem>>
      %dma_start3A_689 = tpu.memref_squeeze %dma_start3A_688 : memref<1x125xi32, #tpu.memory_space<vmem>> -> memref<125xi32, #tpu.memory_space<vmem>>
      %dma_start3A_690 = arith.constant 0 : i32
      %dma_start3A_691 = arith.constant 0 : i32
      %dma_start3A_692 = tpu.memref_slice %arg2[%dma_start3A_690, %dma_start3A_691] : memref<10000x128xf32, #tpu.memory_space<hbm>> -> memref<10000x128xf32, #tpu.memory_space<hbm>>
      tpu.enqueue_indirect_dma source(%dma_start3A_692 : memref<10000x128xf32, #tpu.memory_space<hbm>>) target(%arg12 : memref<125x128xf32, #tpu.memory_space<vmem>>) offsets(%dma_start3A_689 : memref<125xi32, #tpu.memory_space<vmem>>) semaphore(%arg18 : memref<!tpu.dma_semaphore, #tpu.memory_space<semaphore_mem>>)
      %dma_wait3A_693 = arith.constant 5 : i32
      %dma_wait3A_694 = arith.constant 0 : i32
      %dma_wait3A_695 = tpu.memref_slice %arg9[%dma_wait3A_693, %dma_wait3A_694] : memref<8x125xi32, #tpu.memory_space<vmem>> -> memref<1x125xi32, #tpu.memory_space<vmem>>
      %dma_wait3A_696 = tpu.memref_squeeze %dma_wait3A_695 : memref<1x125xi32, #tpu.memory_space<vmem>> -> memref<125xi32, #tpu.memory_space<vmem>>
      %dma_wait3A_697 = arith.constant 0 : i32
      %dma_wait3A_698 = arith.constant 0 : i32
      %dma_wait3A_699 = tpu.memref_slice %arg2[%dma_wait3A_697, %dma_wait3A_698] : memref<10000x128xf32, #tpu.memory_space<hbm>> -> memref<10000x128xf32, #tpu.memory_space<hbm>>
      tpu.wait_indirect_dma semaphore(%arg19 : memref<!tpu.dma_semaphore, #tpu.memory_space<semaphore_mem>>) src(%dma_wait3A_699 : memref<10000x128xf32, #tpu.memory_space<hbm>>) dst(%arg13 : memref<125x128xf32, #tpu.memory_space<vmem>>)
      %run_scoped3A_700 = arith.constant 5 : i32
      "tpu.region"() ({
        %run_scoped3A_827 = tpu.sem_alloc : memref<!tpu.dma_semaphore, #tpu.memory_space<semaphore_mem>>
        %dma_start3A_828 = arith.constant 0 : i32
        %dma_start3A_829 = tpu.memref_slice %arg11[%run_scoped3A_700, %dma_start3A_828] : memref<8x125xi32, #tpu.memory_space<vmem>> -> memref<1x125xi32, #tpu.memory_space<vmem>>
        %dma_start3A_830 = tpu.memref_squeeze %dma_start3A_829 : memref<1x125xi32, #tpu.memory_space<vmem>> -> memref<125xi32, #tpu.memory_space<vmem>>
        %dma_start3A_831 = arith.constant 0 : i32
        %dma_start3A_832 = arith.constant 0 : i32
        %dma_start3A_833 = tpu.memref_slice %arg15[%dma_start3A_831, %dma_start3A_832] : memref<10240x128xf32, #tpu.memory_space<vmem_shared>> -> memref<10240x128xf32, #tpu.memory_space<vmem_shared>>
        tpu.enqueue_indirect_dma source(%arg13 : memref<125x128xf32, #tpu.memory_space<vmem>>) target(%dma_start3A_833 : memref<10240x128xf32, #tpu.memory_space<vmem_shared>>) offsets(%dma_start3A_830 : memref<125xi32, #tpu.memory_space<vmem>>) semaphore(%run_scoped3A_827 : memref<!tpu.dma_semaphore, #tpu.memory_space<semaphore_mem>>) {add = true}
        %dma_wait3A_834 = arith.constant 0 : i32
        %dma_wait3A_835 = tpu.memref_slice %arg11[%run_scoped3A_700, %dma_wait3A_834] : memref<8x125xi32, #tpu.memory_space<vmem>> -> memref<1x125xi32, #tpu.memory_space<vmem>>
        %dma_wait3A_836 = tpu.memref_squeeze %dma_wait3A_835 : memref<1x125xi32, #tpu.memory_space<vmem>> -> memref<125xi32, #tpu.memory_space<vmem>>
        %dma_wait3A_837 = arith.constant 0 : i32
        %dma_wait3A_838 = arith.constant 0 : i32
        %dma_wait3A_839 = tpu.memref_slice %arg15[%dma_wait3A_837, %dma_wait3A_838] : memref<10240x128xf32, #tpu.memory_space<vmem_shared>> -> memref<10240x128xf32, #tpu.memory_space<vmem_shared>>
        tpu.wait_indirect_dma semaphore(%run_scoped3A_827 : memref<!tpu.dma_semaphore, #tpu.memory_space<semaphore_mem>>) src(%arg13 : memref<125x128xf32, #tpu.memory_space<vmem>>) dst(%dma_wait3A_839 : memref<10240x128xf32, #tpu.memory_space<vmem_shared>>)
        tpu.yield
      }) : () -> ()
      %get3A_701 = arith.constant 5 : i32
      %get3A_702 = arith.index_cast %get3A_701 : i32 to index
      %get3A_703 = arith.constant 0 : index
      %get3A_704 = tpu.vector_load %arg11[%get3A_702, %get3A_703] {strides = array<i32>} : memref<8x125xi32, #tpu.memory_space<vmem>>, vector<16xi32>,
      tpu.vector_store_idx %arg14[%get3A_704], %broadcast_in_dim3A_3 {add = true} : memref<10240xf32, #tpu.memory_space<vmem>>[vector<16xi32>], vector<16xf32>,
      %get3A_705 = arith.constant 5 : i32
      %get3A_706 = arith.index_cast %get3A_705 : i32 to index
      %get3A_707 = arith.constant 16 : index
      %get3A_708 = tpu.vector_load %arg11[%get3A_706, %get3A_707] {strides = array<i32>} : memref<8x125xi32, #tpu.memory_space<vmem>>, vector<16xi32>,
      tpu.vector_store_idx %arg14[%get3A_708], %broadcast_in_dim3A_3 {add = true} : memref<10240xf32, #tpu.memory_space<vmem>>[vector<16xi32>], vector<16xf32>,
      %get3A_709 = arith.constant 5 : i32
      %get3A_710 = arith.index_cast %get3A_709 : i32 to index
      %get3A_711 = arith.constant 32 : index
      %get3A_712 = tpu.vector_load %arg11[%get3A_710, %get3A_711] {strides = array<i32>} : memref<8x125xi32, #tpu.memory_space<vmem>>, vector<16xi32>,
      tpu.vector_store_idx %arg14[%get3A_712], %broadcast_in_dim3A_3 {add = true} : memref<10240xf32, #tpu.memory_space<vmem>>[vector<16xi32>], vector<16xf32>,
      %get3A_713 = arith.constant 5 : i32
      %get3A_714 = arith.index_cast %get3A_713 : i32 to index
      %get3A_715 = arith.constant 48 : index
      %get3A_716 = tpu.vector_load %arg11[%get3A_714, %get3A_715] {strides = array<i32>} : memref<8x125xi32, #tpu.memory_space<vmem>>, vector<16xi32>,
      tpu.vector_store_idx %arg14[%get3A_716], %broadcast_in_dim3A_3 {add = true} : memref<10240xf32, #tpu.memory_space<vmem>>[vector<16xi32>], vector<16xf32>,
      %get3A_717 = arith.constant 5 : i32
      %get3A_718 = arith.index_cast %get3A_717 : i32 to index
      %get3A_719 = arith.constant 64 : index
      %get3A_720 = tpu.vector_load %arg11[%get3A_718, %get3A_719] {strides = array<i32>} : memref<8x125xi32, #tpu.memory_space<vmem>>, vector<16xi32>,
      tpu.vector_store_idx %arg14[%get3A_720], %broadcast_in_dim3A_3 {add = true} : memref<10240xf32, #tpu.memory_space<vmem>>[vector<16xi32>], vector<16xf32>,
      %get3A_721 = arith.constant 5 : i32
      %get3A_722 = arith.index_cast %get3A_721 : i32 to index
      %get3A_723 = arith.constant 80 : index
      %get3A_724 = tpu.vector_load %arg11[%get3A_722, %get3A_723] {strides = array<i32>} : memref<8x125xi32, #tpu.memory_space<vmem>>, vector<16xi32>,
      tpu.vector_store_idx %arg14[%get3A_724], %broadcast_in_dim3A_3 {add = true} : memref<10240xf32, #tpu.memory_space<vmem>>[vector<16xi32>], vector<16xf32>,
      %get3A_725 = arith.constant 5 : i32
      %get3A_726 = arith.index_cast %get3A_725 : i32 to index
      %get3A_727 = arith.constant 96 : index
      %get3A_728 = tpu.vector_load %arg11[%get3A_726, %get3A_727] {strides = array<i32>} : memref<8x125xi32, #tpu.memory_space<vmem>>, vector<16xi32>,
      tpu.vector_store_idx %arg14[%get3A_728], %broadcast_in_dim3A_3 {add = true} : memref<10240xf32, #tpu.memory_space<vmem>>[vector<16xi32>], vector<16xf32>,
      %get3A_729 = arith.constant 5 : i32
      %get3A_730 = arith.index_cast %get3A_729 : i32 to index
      %get3A_731 = arith.constant 109 : index
      %get3A_732 = tpu.vector_load %arg11[%get3A_730, %get3A_731] {strides = array<i32>} : memref<8x125xi32, #tpu.memory_space<vmem>>, vector<16xi32>,
      tpu.vector_store_idx %arg14[%get3A_732], %broadcast_in_dim3A_3 masked %ge3A_5 {add = true} : memref<10240xf32, #tpu.memory_space<vmem>>[vector<16xi32>], vector<16xf32>, vector<16xi1>
      %dma_start3A_733 = arith.constant 7 : i32
      %dma_start3A_734 = arith.constant 0 : i32
      %dma_start3A_735 = tpu.memref_slice %arg9[%dma_start3A_733, %dma_start3A_734] : memref<8x125xi32, #tpu.memory_space<vmem>> -> memref<1x125xi32, #tpu.memory_space<vmem>>
      %dma_start3A_736 = tpu.memref_squeeze %dma_start3A_735 : memref<1x125xi32, #tpu.memory_space<vmem>> -> memref<125xi32, #tpu.memory_space<vmem>>
      %dma_start3A_737 = arith.constant 0 : i32
      %dma_start3A_738 = arith.constant 0 : i32
      %dma_start3A_739 = tpu.memref_slice %arg2[%dma_start3A_737, %dma_start3A_738] : memref<10000x128xf32, #tpu.memory_space<hbm>> -> memref<10000x128xf32, #tpu.memory_space<hbm>>
      tpu.enqueue_indirect_dma source(%dma_start3A_739 : memref<10000x128xf32, #tpu.memory_space<hbm>>) target(%arg13 : memref<125x128xf32, #tpu.memory_space<vmem>>) offsets(%dma_start3A_736 : memref<125xi32, #tpu.memory_space<vmem>>) semaphore(%arg19 : memref<!tpu.dma_semaphore, #tpu.memory_space<semaphore_mem>>)
      %dma_wait3A_740 = arith.constant 6 : i32
      %dma_wait3A_741 = arith.constant 0 : i32
      %dma_wait3A_742 = tpu.memref_slice %arg9[%dma_wait3A_740, %dma_wait3A_741] : memref<8x125xi32, #tpu.memory_space<vmem>> -> memref<1x125xi32, #tpu.memory_space<vmem>>
      %dma_wait3A_743 = tpu.memref_squeeze %dma_wait3A_742 : memref<1x125xi32, #tpu.memory_space<vmem>> -> memref<125xi32, #tpu.memory_space<vmem>>
      %dma_wait3A_744 = arith.constant 0 : i32
      %dma_wait3A_745 = arith.constant 0 : i32
      %dma_wait3A_746 = tpu.memref_slice %arg2[%dma_wait3A_744, %dma_wait3A_745] : memref<10000x128xf32, #tpu.memory_space<hbm>> -> memref<10000x128xf32, #tpu.memory_space<hbm>>
      tpu.wait_indirect_dma semaphore(%arg18 : memref<!tpu.dma_semaphore, #tpu.memory_space<semaphore_mem>>) src(%dma_wait3A_746 : memref<10000x128xf32, #tpu.memory_space<hbm>>) dst(%arg12 : memref<125x128xf32, #tpu.memory_space<vmem>>)
      %run_scoped3A_747 = arith.constant 6 : i32
      "tpu.region"() ({
        %run_scoped3A_827 = tpu.sem_alloc : memref<!tpu.dma_semaphore, #tpu.memory_space<semaphore_mem>>
        %dma_start3A_828 = arith.constant 0 : i32
        %dma_start3A_829 = tpu.memref_slice %arg11[%run_scoped3A_747, %dma_start3A_828] : memref<8x125xi32, #tpu.memory_space<vmem>> -> memref<1x125xi32, #tpu.memory_space<vmem>>
        %dma_start3A_830 = tpu.memref_squeeze %dma_start3A_829 : memref<1x125xi32, #tpu.memory_space<vmem>> -> memref<125xi32, #tpu.memory_space<vmem>>
        %dma_start3A_831 = arith.constant 0 : i32
        %dma_start3A_832 = arith.constant 0 : i32
        %dma_start3A_833 = tpu.memref_slice %arg15[%dma_start3A_831, %dma_start3A_832] : memref<10240x128xf32, #tpu.memory_space<vmem_shared>> -> memref<10240x128xf32, #tpu.memory_space<vmem_shared>>
        tpu.enqueue_indirect_dma source(%arg12 : memref<125x128xf32, #tpu.memory_space<vmem>>) target(%dma_start3A_833 : memref<10240x128xf32, #tpu.memory_space<vmem_shared>>) offsets(%dma_start3A_830 : memref<125xi32, #tpu.memory_space<vmem>>) semaphore(%run_scoped3A_827 : memref<!tpu.dma_semaphore, #tpu.memory_space<semaphore_mem>>) {add = true}
        %dma_wait3A_834 = arith.constant 0 : i32
        %dma_wait3A_835 = tpu.memref_slice %arg11[%run_scoped3A_747, %dma_wait3A_834] : memref<8x125xi32, #tpu.memory_space<vmem>> -> memref<1x125xi32, #tpu.memory_space<vmem>>
        %dma_wait3A_836 = tpu.memref_squeeze %dma_wait3A_835 : memref<1x125xi32, #tpu.memory_space<vmem>> -> memref<125xi32, #tpu.memory_space<vmem>>
        %dma_wait3A_837 = arith.constant 0 : i32
        %dma_wait3A_838 = arith.constant 0 : i32
        %dma_wait3A_839 = tpu.memref_slice %arg15[%dma_wait3A_837, %dma_wait3A_838] : memref<10240x128xf32, #tpu.memory_space<vmem_shared>> -> memref<10240x128xf32, #tpu.memory_space<vmem_shared>>
        tpu.wait_indirect_dma semaphore(%run_scoped3A_827 : memref<!tpu.dma_semaphore, #tpu.memory_space<semaphore_mem>>) src(%arg12 : memref<125x128xf32, #tpu.memory_space<vmem>>) dst(%dma_wait3A_839 : memref<10240x128xf32, #tpu.memory_space<vmem_shared>>)
        tpu.yield
      }) : () -> ()
      %get3A_748 = arith.constant 6 : i32
      %get3A_749 = arith.index_cast %get3A_748 : i32 to index
      %get3A_750 = arith.constant 0 : index
      %get3A_751 = tpu.vector_load %arg11[%get3A_749, %get3A_750] {strides = array<i32>} : memref<8x125xi32, #tpu.memory_space<vmem>>, vector<16xi32>,
      tpu.vector_store_idx %arg14[%get3A_751], %broadcast_in_dim3A_3 {add = true} : memref<10240xf32, #tpu.memory_space<vmem>>[vector<16xi32>], vector<16xf32>,
      %get3A_752 = arith.constant 6 : i32
      %get3A_753 = arith.index_cast %get3A_752 : i32 to index
      %get3A_754 = arith.constant 16 : index
      %get3A_755 = tpu.vector_load %arg11[%get3A_753, %get3A_754] {strides = array<i32>} : memref<8x125xi32, #tpu.memory_space<vmem>>, vector<16xi32>,
      tpu.vector_store_idx %arg14[%get3A_755], %broadcast_in_dim3A_3 {add = true} : memref<10240xf32, #tpu.memory_space<vmem>>[vector<16xi32>], vector<16xf32>,
      %get3A_756 = arith.constant 6 : i32
      %get3A_757 = arith.index_cast %get3A_756 : i32 to index
      %get3A_758 = arith.constant 32 : index
      %get3A_759 = tpu.vector_load %arg11[%get3A_757, %get3A_758] {strides = array<i32>} : memref<8x125xi32, #tpu.memory_space<vmem>>, vector<16xi32>,
      tpu.vector_store_idx %arg14[%get3A_759], %broadcast_in_dim3A_3 {add = true} : memref<10240xf32, #tpu.memory_space<vmem>>[vector<16xi32>], vector<16xf32>,
      %get3A_760 = arith.constant 6 : i32
      %get3A_761 = arith.index_cast %get3A_760 : i32 to index
      %get3A_762 = arith.constant 48 : index
      %get3A_763 = tpu.vector_load %arg11[%get3A_761, %get3A_762] {strides = array<i32>} : memref<8x125xi32, #tpu.memory_space<vmem>>, vector<16xi32>,
      tpu.vector_store_idx %arg14[%get3A_763], %broadcast_in_dim3A_3 {add = true} : memref<10240xf32, #tpu.memory_space<vmem>>[vector<16xi32>], vector<16xf32>,
      %get3A_764 = arith.constant 6 : i32
      %get3A_765 = arith.index_cast %get3A_764 : i32 to index
      %get3A_766 = arith.constant 64 : index
      %get3A_767 = tpu.vector_load %arg11[%get3A_765, %get3A_766] {strides = array<i32>} : memref<8x125xi32, #tpu.memory_space<vmem>>, vector<16xi32>,
      tpu.vector_store_idx %arg14[%get3A_767], %broadcast_in_dim3A_3 {add = true} : memref<10240xf32, #tpu.memory_space<vmem>>[vector<16xi32>], vector<16xf32>,
      %get3A_768 = arith.constant 6 : i32
      %get3A_769 = arith.index_cast %get3A_768 : i32 to index
      %get3A_770 = arith.constant 80 : index
      %get3A_771 = tpu.vector_load %arg11[%get3A_769, %get3A_770] {strides = array<i32>} : memref<8x125xi32, #tpu.memory_space<vmem>>, vector<16xi32>,
      tpu.vector_store_idx %arg14[%get3A_771], %broadcast_in_dim3A_3 {add = true} : memref<10240xf32, #tpu.memory_space<vmem>>[vector<16xi32>], vector<16xf32>,
      %get3A_772 = arith.constant 6 : i32
      %get3A_773 = arith.index_cast %get3A_772 : i32 to index
      %get3A_774 = arith.constant 96 : index
      %get3A_775 = tpu.vector_load %arg11[%get3A_773, %get3A_774] {strides = array<i32>} : memref<8x125xi32, #tpu.memory_space<vmem>>, vector<16xi32>,
      tpu.vector_store_idx %arg14[%get3A_775], %broadcast_in_dim3A_3 {add = true} : memref<10240xf32, #tpu.memory_space<vmem>>[vector<16xi32>], vector<16xf32>,
      %get3A_776 = arith.constant 6 : i32
      %get3A_777 = arith.index_cast %get3A_776 : i32 to index
      %get3A_778 = arith.constant 109 : index
      %get3A_779 = tpu.vector_load %arg11[%get3A_777, %get3A_778] {strides = array<i32>} : memref<8x125xi32, #tpu.memory_space<vmem>>, vector<16xi32>,
      tpu.vector_store_idx %arg14[%get3A_779], %broadcast_in_dim3A_3 masked %ge3A_5 {add = true} : memref<10240xf32, #tpu.memory_space<vmem>>[vector<16xi32>], vector<16xf32>, vector<16xi1>
      %add3A_780 = arith.constant 1 : i32
      %add3A_781 = arith.addi %add3A_443, %add3A_780 : i32
      %lt3A_782 = arith.constant 10 : i32
      %lt3A_783 = arith.cmpi slt, %add3A_781, %lt3A_782 : i32
      %convert_element_type3A_784 = arith.extui %lt3A_783 : i1 to i32
      %cond3A_785 = arith.constant 0 : i32
      %cond3A_786 = arith.cmpi ne, %convert_element_type3A_784, %cond3A_785 : i32
      scf.if %cond3A_786 {
        %add3A_827 = arith.constant 1 : i32
        %add3A_828 = arith.addi %add3A_443, %add3A_827 : i32
        %mul3A_829 = arith.constant 8 : i32
        %mul3A_830 = arith.muli %add3A_828, %mul3A_829 : i32
        %dma_wait3A_831 = arith.constant 0 : i32
        %dma_wait3A_832 = arith.constant 0 : i32
        %dma_wait3A_833 = tpu.memref_slice %arg3[%dma_wait3A_831, %add3A, %mul3A_830, %dma_wait3A_832] : memref<2x32x80x125xi32, #tpu.memory_space<hbm>> -> memref<1x1x8x125xi32, #tpu.memory_space<hbm>>
        %dma_wait3A_834 = tpu.memref_squeeze %dma_wait3A_833 : memref<1x1x8x125xi32, #tpu.memory_space<hbm>> -> memref<8x125xi32, #tpu.memory_space<hbm>>
        %dma_wait3A_835 = arith.constant 0 : i32
        %dma_wait3A_836 = tpu.memref_slice %arg3[%dma_wait3A_831, %add3A, %mul3A_830, %dma_wait3A_835] : memref<2x32x80x125xi32, #tpu.memory_space<hbm>> -> memref<1x1x8x125xi32, #tpu.memory_space<hbm>>
        %dma_wait3A_837 = tpu.memref_squeeze %dma_wait3A_836 : memref<1x1x8x125xi32, #tpu.memory_space<hbm>> -> memref<8x125xi32, #tpu.memory_space<hbm>>
        tpu.wait_dma2 semaphore(%arg16 : memref<!tpu.dma_semaphore, #tpu.memory_space<semaphore_mem>>) src(%dma_wait3A_837 : memref<8x125xi32, #tpu.memory_space<hbm>>) dst(%arg8 : memref<8x125xi32, #tpu.memory_space<vmem>>)
        %mul3A_838 = arith.constant 8 : i32
        %mul3A_839 = arith.muli %add3A_828, %mul3A_838 : i32
        %dma_wait3A_840 = arith.constant 1 : i32
        %dma_wait3A_841 = arith.constant 0 : i32
        %dma_wait3A_842 = tpu.memref_slice %arg3[%dma_wait3A_840, %add3A, %mul3A_839, %dma_wait3A_841] : memref<2x32x80x125xi32, #tpu.memory_space<hbm>> -> memref<1x1x8x125xi32, #tpu.memory_space<hbm>>
        %dma_wait3A_843 = tpu.memref_squeeze %dma_wait3A_842 : memref<1x1x8x125xi32, #tpu.memory_space<hbm>> -> memref<8x125xi32, #tpu.memory_space<hbm>>
        %dma_wait3A_844 = arith.constant 0 : i32
        %dma_wait3A_845 = tpu.memref_slice %arg3[%dma_wait3A_840, %add3A, %mul3A_839, %dma_wait3A_844] : memref<2x32x80x125xi32, #tpu.memory_space<hbm>> -> memref<1x1x8x125xi32, #tpu.memory_space<hbm>>
        %dma_wait3A_846 = tpu.memref_squeeze %dma_wait3A_845 : memref<1x1x8x125xi32, #tpu.memory_space<hbm>> -> memref<8x125xi32, #tpu.memory_space<hbm>>
        tpu.wait_dma2 semaphore(%arg16 : memref<!tpu.dma_semaphore, #tpu.memory_space<semaphore_mem>>) src(%dma_wait3A_846 : memref<8x125xi32, #tpu.memory_space<hbm>>) dst(%arg10 : memref<8x125xi32, #tpu.memory_space<vmem>>)
        %dma_start3A_847 = arith.constant 0 : i32
        %dma_start3A_848 = arith.constant 0 : i32
        %dma_start3A_849 = tpu.memref_slice %arg8[%dma_start3A_847, %dma_start3A_848] : memref<8x125xi32, #tpu.memory_space<vmem>> -> memref<1x125xi32, #tpu.memory_space<vmem>>
        %dma_start3A_850 = tpu.memref_squeeze %dma_start3A_849 : memref<1x125xi32, #tpu.memory_space<vmem>> -> memref<125xi32, #tpu.memory_space<vmem>>
        %dma_start3A_851 = arith.constant 0 : i32
        %dma_start3A_852 = arith.constant 0 : i32
        %dma_start3A_853 = tpu.memref_slice %arg2[%dma_start3A_851, %dma_start3A_852] : memref<10000x128xf32, #tpu.memory_space<hbm>> -> memref<10000x128xf32, #tpu.memory_space<hbm>>
        tpu.enqueue_indirect_dma source(%dma_start3A_853 : memref<10000x128xf32, #tpu.memory_space<hbm>>) target(%arg12 : memref<125x128xf32, #tpu.memory_space<vmem>>) offsets(%dma_start3A_850 : memref<125xi32, #tpu.memory_space<vmem>>) semaphore(%arg18 : memref<!tpu.dma_semaphore, #tpu.memory_space<semaphore_mem>>)
      } else {
      }
      %dma_wait3A_787 = arith.constant 7 : i32
      %dma_wait3A_788 = arith.constant 0 : i32
      %dma_wait3A_789 = tpu.memref_slice %arg9[%dma_wait3A_787, %dma_wait3A_788] : memref<8x125xi32, #tpu.memory_space<vmem>> -> memref<1x125xi32, #tpu.memory_space<vmem>>
      %dma_wait3A_790 = tpu.memref_squeeze %dma_wait3A_789 : memref<1x125xi32, #tpu.memory_space<vmem>> -> memref<125xi32, #tpu.memory_space<vmem>>
      %dma_wait3A_791 = arith.constant 0 : i32
      %dma_wait3A_792 = arith.constant 0 : i32
      %dma_wait3A_793 = tpu.memref_slice %arg2[%dma_wait3A_791, %dma_wait3A_792] : memref<10000x128xf32, #tpu.memory_space<hbm>> -> memref<10000x128xf32, #tpu.memory_space<hbm>>
      tpu.wait_indirect_dma semaphore(%arg19 : memref<!tpu.dma_semaphore, #tpu.memory_space<semaphore_mem>>) src(%dma_wait3A_793 : memref<10000x128xf32, #tpu.memory_space<hbm>>) dst(%arg13 : memref<125x128xf32, #tpu.memory_space<vmem>>)
      %run_scoped3A_794 = arith.constant 7 : i32
      "tpu.region"() ({
        %run_scoped3A_827 = tpu.sem_alloc : memref<!tpu.dma_semaphore, #tpu.memory_space<semaphore_mem>>
        %dma_start3A_828 = arith.constant 0 : i32
        %dma_start3A_829 = tpu.memref_slice %arg11[%run_scoped3A_794, %dma_start3A_828] : memref<8x125xi32, #tpu.memory_space<vmem>> -> memref<1x125xi32, #tpu.memory_space<vmem>>
        %dma_start3A_830 = tpu.memref_squeeze %dma_start3A_829 : memref<1x125xi32, #tpu.memory_space<vmem>> -> memref<125xi32, #tpu.memory_space<vmem>>
        %dma_start3A_831 = arith.constant 0 : i32
        %dma_start3A_832 = arith.constant 0 : i32
        %dma_start3A_833 = tpu.memref_slice %arg15[%dma_start3A_831, %dma_start3A_832] : memref<10240x128xf32, #tpu.memory_space<vmem_shared>> -> memref<10240x128xf32, #tpu.memory_space<vmem_shared>>
        tpu.enqueue_indirect_dma source(%arg13 : memref<125x128xf32, #tpu.memory_space<vmem>>) target(%dma_start3A_833 : memref<10240x128xf32, #tpu.memory_space<vmem_shared>>) offsets(%dma_start3A_830 : memref<125xi32, #tpu.memory_space<vmem>>) semaphore(%run_scoped3A_827 : memref<!tpu.dma_semaphore, #tpu.memory_space<semaphore_mem>>) {add = true}
        %dma_wait3A_834 = arith.constant 0 : i32
        %dma_wait3A_835 = tpu.memref_slice %arg11[%run_scoped3A_794, %dma_wait3A_834] : memref<8x125xi32, #tpu.memory_space<vmem>> -> memref<1x125xi32, #tpu.memory_space<vmem>>
        %dma_wait3A_836 = tpu.memref_squeeze %dma_wait3A_835 : memref<1x125xi32, #tpu.memory_space<vmem>> -> memref<125xi32, #tpu.memory_space<vmem>>
        %dma_wait3A_837 = arith.constant 0 : i32
        %dma_wait3A_838 = arith.constant 0 : i32
        %dma_wait3A_839 = tpu.memref_slice %arg15[%dma_wait3A_837, %dma_wait3A_838] : memref<10240x128xf32, #tpu.memory_space<vmem_shared>> -> memref<10240x128xf32, #tpu.memory_space<vmem_shared>>
        tpu.wait_indirect_dma semaphore(%run_scoped3A_827 : memref<!tpu.dma_semaphore, #tpu.memory_space<semaphore_mem>>) src(%arg13 : memref<125x128xf32, #tpu.memory_space<vmem>>) dst(%dma_wait3A_839 : memref<10240x128xf32, #tpu.memory_space<vmem_shared>>)
        tpu.yield
      }) : () -> ()
      %get3A_795 = arith.constant 7 : i32
      %get3A_796 = arith.index_cast %get3A_795 : i32 to index
      %get3A_797 = arith.constant 0 : index
      %get3A_798 = tpu.vector_load %arg11[%get3A_796, %get3A_797] {strides = array<i32>} : memref<8x125xi32, #tpu.memory_space<vmem>>, vector<16xi32>,
      tpu.vector_store_idx %arg14[%get3A_798], %broadcast_in_dim3A_3 {add = true} : memref<10240xf32, #tpu.memory_space<vmem>>[vector<16xi32>], vector<16xf32>,
      %get3A_799 = arith.constant 7 : i32
      %get3A_800 = arith.index_cast %get3A_799 : i32 to index
      %get3A_801 = arith.constant 16 : index
      %get3A_802 = tpu.vector_load %arg11[%get3A_800, %get3A_801] {strides = array<i32>} : memref<8x125xi32, #tpu.memory_space<vmem>>, vector<16xi32>,
      tpu.vector_store_idx %arg14[%get3A_802], %broadcast_in_dim3A_3 {add = true} : memref<10240xf32, #tpu.memory_space<vmem>>[vector<16xi32>], vector<16xf32>,
      %get3A_803 = arith.constant 7 : i32
      %get3A_804 = arith.index_cast %get3A_803 : i32 to index
      %get3A_805 = arith.constant 32 : index
      %get3A_806 = tpu.vector_load %arg11[%get3A_804, %get3A_805] {strides = array<i32>} : memref<8x125xi32, #tpu.memory_space<vmem>>, vector<16xi32>,
      tpu.vector_store_idx %arg14[%get3A_806], %broadcast_in_dim3A_3 {add = true} : memref<10240xf32, #tpu.memory_space<vmem>>[vector<16xi32>], vector<16xf32>,
      %get3A_807 = arith.constant 7 : i32
      %get3A_808 = arith.index_cast %get3A_807 : i32 to index
      %get3A_809 = arith.constant 48 : index
      %get3A_810 = tpu.vector_load %arg11[%get3A_808, %get3A_809] {strides = array<i32>} : memref<8x125xi32, #tpu.memory_space<vmem>>, vector<16xi32>,
      tpu.vector_store_idx %arg14[%get3A_810], %broadcast_in_dim3A_3 {add = true} : memref<10240xf32, #tpu.memory_space<vmem>>[vector<16xi32>], vector<16xf32>,
      %get3A_811 = arith.constant 7 : i32
      %get3A_812 = arith.index_cast %get3A_811 : i32 to index
      %get3A_813 = arith.constant 64 : index
      %get3A_814 = tpu.vector_load %arg11[%get3A_812, %get3A_813] {strides = array<i32>} : memref<8x125xi32, #tpu.memory_space<vmem>>, vector<16xi32>,
      tpu.vector_store_idx %arg14[%get3A_814], %broadcast_in_dim3A_3 {add = true} : memref<10240xf32, #tpu.memory_space<vmem>>[vector<16xi32>], vector<16xf32>,
      %get3A_815 = arith.constant 7 : i32
      %get3A_816 = arith.index_cast %get3A_815 : i32 to index
      %get3A_817 = arith.constant 80 : index
      %get3A_818 = tpu.vector_load %arg11[%get3A_816, %get3A_817] {strides = array<i32>} : memref<8x125xi32, #tpu.memory_space<vmem>>, vector<16xi32>,
      tpu.vector_store_idx %arg14[%get3A_818], %broadcast_in_dim3A_3 {add = true} : memref<10240xf32, #tpu.memory_space<vmem>>[vector<16xi32>], vector<16xf32>,
      %get3A_819 = arith.constant 7 : i32
      %get3A_820 = arith.index_cast %get3A_819 : i32 to index
      %get3A_821 = arith.constant 96 : index
      %get3A_822 = tpu.vector_load %arg11[%get3A_820, %get3A_821] {strides = array<i32>} : memref<8x125xi32, #tpu.memory_space<vmem>>, vector<16xi32>,
      tpu.vector_store_idx %arg14[%get3A_822], %broadcast_in_dim3A_3 {add = true} : memref<10240xf32, #tpu.memory_space<vmem>>[vector<16xi32>], vector<16xf32>,
      %get3A_823 = arith.constant 7 : i32
      %get3A_824 = arith.index_cast %get3A_823 : i32 to index
      %get3A_825 = arith.constant 109 : index
      %get3A_826 = tpu.vector_load %arg11[%get3A_824, %get3A_825] {strides = array<i32>} : memref<8x125xi32, #tpu.memory_space<vmem>>, vector<16xi32>,
      tpu.vector_store_idx %arg14[%get3A_826], %broadcast_in_dim3A_3 masked %ge3A_5 {add = true} : memref<10240xf32, #tpu.memory_space<vmem>>[vector<16xi32>], vector<16xf32>, vector<16xi1>
    }
    %scan3A_51 = arith.constant 5 : i32
    %barrier3A_52 = arith.constant 0 : index
    tpu.barrier barrier_id(%barrier3A_52)
    %mul3A_53 = arith.constant 640 : i32
    %mul3A_54 = arith.muli %arg1, %mul3A_53 : i32
    %mul3A_55 = arith.constant 640 : i32
    %mul3A_56 = arith.muli %arg1, %mul3A_55 : i32
    "tpu.region"() ({
      %run_scoped3A = tpu.sem_alloc : memref<!tpu.dma_semaphore, #tpu.memory_space<semaphore_mem>>
      %dma_start3A_57 = arith.constant 0 : i32
      %dma_start3A_58 = tpu.memref_slice %arg6[%arg0, %mul3A_56, %dma_start3A_57] : memref<2x10240x128xf32, #tpu.memory_space<hbm>> -> memref<1x640x128xf32, #tpu.memory_space<hbm>>
      %dma_start3A_59 = tpu.memref_squeeze %dma_start3A_58 : memref<1x640x128xf32, #tpu.memory_space<hbm>> -> memref<640x128xf32, #tpu.memory_space<hbm>>
      %dma_start3A_60 = arith.constant 0 : i32
      %dma_start3A_61 = tpu.memref_slice %arg15[%mul3A_54, %dma_start3A_60] : memref<10240x128xf32, #tpu.memory_space<vmem_shared>> -> memref<640x128xf32, #tpu.memory_space<vmem_shared>>
      tpu.enqueue_dma source(%dma_start3A_61 : memref<640x128xf32, #tpu.memory_space<vmem_shared>>) target(%dma_start3A_59 : memref<640x128xf32, #tpu.memory_space<hbm>>) target_semaphore(%run_scoped3A : memref<!tpu.dma_semaphore, #tpu.memory_space<semaphore_mem>>)
      %dma_wait3A_62 = arith.constant 0 : i32
      %dma_wait3A_63 = tpu.memref_slice %arg6[%arg0, %mul3A_56, %dma_wait3A_62] : memref<2x10240x128xf32, #tpu.memory_space<hbm>> -> memref<1x640x128xf32, #tpu.memory_space<hbm>>
      %dma_wait3A_64 = tpu.memref_squeeze %dma_wait3A_63 : memref<1x640x128xf32, #tpu.memory_space<hbm>> -> memref<640x128xf32, #tpu.memory_space<hbm>>
      %dma_wait3A_65 = arith.constant 0 : i32
      %dma_wait3A_66 = tpu.memref_slice %arg15[%mul3A_54, %dma_wait3A_65] : memref<10240x128xf32, #tpu.memory_space<vmem_shared>> -> memref<640x128xf32, #tpu.memory_space<vmem_shared>>
      tpu.wait_dma2 semaphore(%run_scoped3A : memref<!tpu.dma_semaphore, #tpu.memory_space<semaphore_mem>>) src(%dma_wait3A_66 : memref<640x128xf32, #tpu.memory_space<vmem_shared>>) dst(%dma_wait3A_64 : memref<640x128xf32, #tpu.memory_space<hbm>>)
      tpu.yield
    }) : () -> ()
    "tpu.region"() ({
      %run_scoped3A = tpu.sem_alloc : memref<!tpu.dma_semaphore, #tpu.memory_space<semaphore_mem>>
      %dma_start3A_57 = arith.constant 0 : i32
      %dma_start3A_58 = tpu.memref_slice %arg7[%add3A, %dma_start3A_57] : memref<32x10240xf32, #tpu.memory_space<hbm>> -> memref<1x10240xf32, #tpu.memory_space<hbm>>
      %dma_start3A_59 = tpu.memref_squeeze %dma_start3A_58 : memref<1x10240xf32, #tpu.memory_space<hbm>> -> memref<10240xf32, #tpu.memory_space<hbm>>
      %dma_start3A_60 = arith.constant 0 : i32
      %dma_start3A_61 = tpu.memref_slice %arg7[%add3A, %dma_start3A_60] : memref<32x10240xf32, #tpu.memory_space<hbm>> -> memref<1x10240xf32, #tpu.memory_space<hbm>>
      %dma_start3A_62 = tpu.memref_squeeze %dma_start3A_61 : memref<1x10240xf32, #tpu.memory_space<hbm>> -> memref<10240xf32, #tpu.memory_space<hbm>>
      tpu.enqueue_dma source(%arg14 : memref<10240xf32, #tpu.memory_space<vmem>>) target(%dma_start3A_62 : memref<10240xf32, #tpu.memory_space<hbm>>) target_semaphore(%run_scoped3A : memref<!tpu.dma_semaphore, #tpu.memory_space<semaphore_mem>>)
      %dma_wait3A_63 = arith.constant 0 : i32
      %dma_wait3A_64 = tpu.memref_slice %arg7[%add3A, %dma_wait3A_63] : memref<32x10240xf32, #tpu.memory_space<hbm>> -> memref<1x10240xf32, #tpu.memory_space<hbm>>
      %dma_wait3A_65 = tpu.memref_squeeze %dma_wait3A_64 : memref<1x10240xf32, #tpu.memory_space<hbm>> -> memref<10240xf32, #tpu.memory_space<hbm>>
      %dma_wait3A_66 = arith.constant 0 : i32
      %dma_wait3A_67 = tpu.memref_slice %arg7[%add3A, %dma_wait3A_66] : memref<32x10240xf32, #tpu.memory_space<hbm>> -> memref<1x10240xf32, #tpu.memory_space<hbm>>
      %dma_wait3A_68 = tpu.memref_squeeze %dma_wait3A_67 : memref<1x10240xf32, #tpu.memory_space<hbm>> -> memref<10240xf32, #tpu.memory_space<hbm>>
      tpu.wait_dma2 semaphore(%run_scoped3A : memref<!tpu.dma_semaphore, #tpu.memory_space<semaphore_mem>>) src(%arg14 : memref<10240xf32, #tpu.memory_space<vmem>>) dst(%dma_wait3A_68 : memref<10240xf32, #tpu.memory_space<hbm>>)
      tpu.yield
    }) : () -> ()
    return
  }
}

module attributes {stable_mosaic.version = 14 : i64} {
  func.func @_mlp_body(%arg0: i32, %arg1: memref<400x128xf32, #tpu.memory_space<vmem>>, %arg2: memref<1x400x128xf32, #tpu.memory_space<vmem>>, %arg3: memref<1x400x128xf32, #tpu.memory_space<vmem>>, %arg4: memref<400x32xf32, #tpu.memory_space<vmem>>, %arg5: memref<128x128xf32, #tpu.memory_space<vmem>>, %arg6: memref<128x128xf32, #tpu.memory_space<vmem>>, %arg7: memref<1x128xf32, #tpu.memory_space<vmem>>, %arg8: memref<128x128xf32, #tpu.memory_space<vmem>>, %arg9: memref<1x128xf32, #tpu.memory_space<vmem>>, %arg10: memref<400x128xf32, #tpu.memory_space<vmem>>) attributes {dimension_semantics = [#tpu.dimension_semantics<arbitrary>], iteration_bounds = array<i64: 25>, scalar_prefetch = 0 : i64, scratch_operands = 0 : i64, tpu.core_type = #tpu.core_type<tc>, window_params = [{transform_indices = @transform_0, window_bounds = array<i64: 400, 128>}, {transform_indices = @transform_1, window_bounds = array<i64: 1, 400, 128>}, {transform_indices = @transform_2, window_bounds = array<i64: 1, 400, 128>}, {transform_indices = @transform_3, window_bounds = array<i64: 400, 32>}, {pipeline_mode = #tpu.pipeline_mode<synchronous>, transform_indices = @transform_4, window_bounds = array<i64: 128, 128>}, {pipeline_mode = #tpu.pipeline_mode<synchronous>, transform_indices = @transform_5, window_bounds = array<i64: 128, 128>}, {pipeline_mode = #tpu.pipeline_mode<synchronous>, transform_indices = @transform_6, window_bounds = array<i64: 1, 128>}, {pipeline_mode = #tpu.pipeline_mode<synchronous>, transform_indices = @transform_7, window_bounds = array<i64: 128, 128>}, {pipeline_mode = #tpu.pipeline_mode<synchronous>, transform_indices = @transform_8, window_bounds = array<i64: 1, 128>}, {transform_indices = @transform_9, window_bounds = array<i64: 400, 128>}]} {
    %get3A = arith.constant 0 : index
    %get3A_0 = arith.constant 0 : index
    %get3A_1 = vector.load %arg4[%get3A, %get3A_0] : memref<400x32xf32, #tpu.memory_space<vmem>>, vector<400x32xf32>
    %reduce_sum3A = arith.constant dense<0.000000e+00> : vector<400xf32>
    %reduce_sum3A_2 = vector.multi_reduction <add>, %get3A_1, %reduce_sum3A [1] : vector<400x32xf32> to vector<400xf32>
    %broadcast_in_dim3A = vector.shape_cast %reduce_sum3A_2 : vector<400xf32> to vector<400x1xf32>
    %max3A = arith.constant 1.000000e+00 : f32
    %max3A_3 = vector.broadcast %max3A : f32 to vector<400x1xf32>
    %max3A_4 = arith.maximumf %broadcast_in_dim3A, %max3A_3 : vector<400x1xf32>
    %div3A = arith.constant 1.000000e+00 : f32
    %div3A_5 = vector.broadcast %div3A : f32 to vector<400x1xf32>
    %div3A_6 = arith.divf %div3A_5, %max3A_4 : vector<400x1xf32>
    %get3A_7 = arith.constant 0 : index
    %get3A_8 = arith.constant 0 : index
    %get3A_9 = arith.constant 0 : index
    %get3A_10 = vector.load %arg2[%get3A_7, %get3A_8, %get3A_9] : memref<1x400x128xf32, #tpu.memory_space<vmem>>, vector<1x400x128xf32>
    %get3A_11 = vector.shape_cast %get3A_10 : vector<1x400x128xf32> to vector<400x128xf32>
    %get3A_12 = arith.constant 0 : index
    %get3A_13 = arith.constant 0 : index
    %get3A_14 = arith.constant 0 : index
    %get3A_15 = vector.load %arg3[%get3A_12, %get3A_13, %get3A_14] : memref<1x400x128xf32, #tpu.memory_space<vmem>>, vector<1x400x128xf32>
    %get3A_16 = vector.shape_cast %get3A_15 : vector<1x400x128xf32> to vector<400x128xf32>
    %add3A = arith.addf %get3A_11, %get3A_16 : vector<400x128xf32>
    %mul3A = vector.broadcast %div3A_6 : vector<400x1xf32> to vector<400x128xf32>
    %mul3A_17 = arith.mulf %add3A, %mul3A : vector<400x128xf32>
    %get3A_18 = arith.constant 0 : index
    %get3A_19 = arith.constant 0 : index
    %get3A_20 = vector.load %arg1[%get3A_18, %get3A_19] : memref<400x128xf32, #tpu.memory_space<vmem>>, vector<400x128xf32>
    %get3A_21 = arith.constant 0 : index
    %get3A_22 = arith.constant 0 : index
    %get3A_23 = vector.load %arg5[%get3A_21, %get3A_22] : memref<128x128xf32, #tpu.memory_space<vmem>>, vector<128x128xf32>
    %dot_general3A = arith.constant dense<0.000000e+00> : vector<400x128xf32>
    %dot_general3A_24 = tpu.matmul %get3A_20, %get3A_23, %dot_general3A {dimension_numbers = #tpu.dot_dimension_numbers<[1], [0], [0], [1], [0, 0, 1, 1], [], []>, transpose_lhs_hint = false} : vector<400x128xf32>, vector<128x128xf32>, vector<400x128xf32> -> vector<400x128xf32>
    %get3A_25 = arith.constant 0 : index
    %get3A_26 = arith.constant 0 : index
    %get3A_27 = vector.load %arg6[%get3A_25, %get3A_26] : memref<128x128xf32, #tpu.memory_space<vmem>>, vector<128x128xf32>
    %dot_general3A_28 = arith.constant dense<0.000000e+00> : vector<400x128xf32>
    %dot_general3A_29 = tpu.matmul %mul3A_17, %get3A_27, %dot_general3A_28 {dimension_numbers = #tpu.dot_dimension_numbers<[1], [0], [0], [1], [0, 0, 1, 1], [], []>, transpose_lhs_hint = false} : vector<400x128xf32>, vector<128x128xf32>, vector<400x128xf32> -> vector<400x128xf32>
    %add3A_30 = arith.addf %dot_general3A_24, %dot_general3A_29 : vector<400x128xf32>
    %get3A_31 = arith.constant 0 : index
    %get3A_32 = arith.constant 0 : index
    %get3A_33 = vector.load %arg7[%get3A_31, %get3A_32] : memref<1x128xf32, #tpu.memory_space<vmem>>, vector<1x128xf32>
    %add3A_34 = vector.broadcast %get3A_33 : vector<1x128xf32> to vector<400x128xf32>
    %add3A_35 = arith.addf %add3A_30, %add3A_34 : vector<400x128xf32>
    %max3A_36 = arith.constant 0.000000e+00 : f32
    %max3A_37 = vector.broadcast %max3A_36 : f32 to vector<400x128xf32>
    %max3A_38 = arith.maximumf %add3A_35, %max3A_37 : vector<400x128xf32>
    %get3A_39 = arith.constant 0 : index
    %get3A_40 = arith.constant 0 : index
    %get3A_41 = vector.load %arg8[%get3A_39, %get3A_40] : memref<128x128xf32, #tpu.memory_space<vmem>>, vector<128x128xf32>
    %dot_general3A_42 = arith.constant dense<0.000000e+00> : vector<400x128xf32>
    %dot_general3A_43 = tpu.matmul %max3A_38, %get3A_41, %dot_general3A_42 {dimension_numbers = #tpu.dot_dimension_numbers<[1], [0], [0], [1], [0, 0, 1, 1], [], []>, transpose_lhs_hint = false} : vector<400x128xf32>, vector<128x128xf32>, vector<400x128xf32> -> vector<400x128xf32>
    %get3A_44 = arith.constant 0 : index
    %get3A_45 = arith.constant 0 : index
    %get3A_46 = vector.load %arg9[%get3A_44, %get3A_45] : memref<1x128xf32, #tpu.memory_space<vmem>>, vector<1x128xf32>
    %add3A_47 = vector.broadcast %get3A_46 : vector<1x128xf32> to vector<400x128xf32>
    %add3A_48 = arith.addf %dot_general3A_43, %add3A_47 : vector<400x128xf32>
    %max3A_49 = arith.constant 0.000000e+00 : f32
    %max3A_50 = vector.broadcast %max3A_49 : f32 to vector<400x128xf32>
    %max3A_51 = arith.maximumf %add3A_48, %max3A_50 : vector<400x128xf32>
    %swap3A = arith.constant 0 : index
    %swap3A_52 = arith.constant 0 : index
    %swap3A_53 = vector.load %arg10[%swap3A, %swap3A_52] : memref<400x128xf32, #tpu.memory_space<vmem>>, vector<400x128xf32>
    tpu.vector_store %arg10[%swap3A, %swap3A_52], %max3A_51 {strides = array<i32>} : memref<400x128xf32, #tpu.memory_space<vmem>>, vector<400x128xf32>,
    return
  }
  func.func @transform_0(%arg0: i32) -> (i32, i32) {
    %c0_i32 = arith.constant 0 : i32
    %c0_i32_0 = arith.constant 0 : i32
    return %arg0, %c0_i32 : i32, i32
  }
  func.func @transform_1(%arg0: i32) -> (i32, i32, i32) {
    %c0_i32 = arith.constant 0 : i32
    %c0_i32_0 = arith.constant 0 : i32
    %c0_i32_1 = arith.constant 0 : i32
    return %c0_i32, %arg0, %c0_i32_0 : i32, i32, i32
  }
  func.func @transform_2(%arg0: i32) -> (i32, i32, i32) {
    %c1_i32 = arith.constant 1 : i32
    %c0_i32 = arith.constant 0 : i32
    %c0_i32_0 = arith.constant 0 : i32
    return %c1_i32, %arg0, %c0_i32 : i32, i32, i32
  }
  func.func @transform_3(%arg0: i32) -> (i32, i32) {
    %c0_i32 = arith.constant 0 : i32
    %c0_i32_0 = arith.constant 0 : i32
    return %arg0, %c0_i32 : i32, i32
  }
  func.func @transform_4(%arg0: i32) -> (i32, i32) {
    %c0_i32 = arith.constant 0 : i32
    %c0_i32_0 = arith.constant 0 : i32
    %c0_i32_1 = arith.constant 0 : i32
    return %c0_i32, %c0_i32_0 : i32, i32
  }
  func.func @transform_5(%arg0: i32) -> (i32, i32) {
    %c0_i32 = arith.constant 0 : i32
    %c0_i32_0 = arith.constant 0 : i32
    %c0_i32_1 = arith.constant 0 : i32
    return %c0_i32, %c0_i32_0 : i32, i32
  }
  func.func @transform_6(%arg0: i32) -> (i32, i32) {
    %c0_i32 = arith.constant 0 : i32
    %c0_i32_0 = arith.constant 0 : i32
    %c0_i32_1 = arith.constant 0 : i32
    return %c0_i32, %c0_i32_0 : i32, i32
  }
  func.func @transform_7(%arg0: i32) -> (i32, i32) {
    %c0_i32 = arith.constant 0 : i32
    %c0_i32_0 = arith.constant 0 : i32
    %c0_i32_1 = arith.constant 0 : i32
    return %c0_i32, %c0_i32_0 : i32, i32
  }
  func.func @transform_8(%arg0: i32) -> (i32, i32) {
    %c0_i32 = arith.constant 0 : i32
    %c0_i32_0 = arith.constant 0 : i32
    %c0_i32_1 = arith.constant 0 : i32
    return %c0_i32, %c0_i32_0 : i32, i32
  }
  func.func @transform_9(%arg0: i32) -> (i32, i32) {
    %c0_i32 = arith.constant 0 : i32
    %c0_i32_0 = arith.constant 0 : i32
    return %arg0, %c0_i32 : i32, i32
  }
}

</mosaic_0001>

<sc_bundles>
// kernel: kernel.4.cloned.1.call-start
scs
__scs_entry_jumppad:
0x0: {  	(pc) =	sbr.rel $0x88, $3  }
0x1: {  	(tag) =	ssettag $0x0;
	lr =	simm.s32 $0x1  }
0x2: {  	[smem:$0x3F9B] =	sst lr;
	_ =	strace $0xD0000000  }
0x3: {  	_ = 	snop  }
0x4: {  	_ = 	snop  }
0x5: {  	_ = 	snop  }
0x6: {  	_ = 	snop  }
0x7: {  	_ = 	snop  }
__scs_overlays_trampoline_lowered:
0x8: {  	[smem:$0x3FAA] =	sst s0  }
0x9: {  	[smem:$0x3FAB] =	sst s1  }
0xa: {  	[smem:$0x3FAC] =	sst s2  }
0xb: {  	[smem:$0x3FAD] =	sst s3  }
0xc: {  	[smem:$0x3FAE] =	sst s4  }
0xd: {  	[smem:$0x3FAF] =	sst s5  }
0xe: {  	[smem:$0x3FB0] =	sst s6  }
0xf: {  	[smem:$0x3FB1] =	sst s7  }
0x10: {  	[smem:$0x3FB2] =	sst s8  }
0x11: {  	[smem:$0x3FB3] =	sst s9;
	s0 =	simm.s32 @!p0 $0x0  }
0x12: {  	s1 =	sld [smem:$0x3F99];
	s0 =	simm.s32 @p0 $0x1  }
0x13: {  	[smem:$0x3FB4] =	sst s0;
	s0 =	simm.s32 @!p1 $0x0  }
0x14: {  	s2 =	sld [smem:$0x3F98];
	s0 =	simm.s32 @p1 $0x1  }
0x15: {  	[smem:$0x3FB5] =	sst s0;
	s0 =	simm.s32 @!p2 $0x0  }
0x16: {  	s3 =	sld [smem:$0x3FDB];
	s0 =	simm.s32 @p2 $0x1  }
0x17: {  	s4 =	simm.s32 $0x1BF5;
	[smem:$0x3FB7] =	sst s0  }
0x18: {  	s0 =	sld [smem:$0x3F9A];
	_ =	swait.ge [sflag:s4], $0x0  }
0x19: {  	s7 =	sld [smem:$0x3F9B]  }
0x1a: {  	s8 =	sadd.s32 $0xFFFFE003, lr  }
0x1b: {  	s9 =	sadd.s32 $0xFFFFFEF7, lr;
	s5 =	simm.s32 $0xFFFFFFFF;
	p2 =	slt.u32 s8, $0xFFFFF086  }
0x1c: {  	p1 =	slt.u32 s9, $0xF7A;
	s5 =	simm.s32 @!p2 $0x0  }
0x1d: {  	s5 =	simm.s32 @p1 $0x1;
	p0 =	seq.s32 s7, s2  }
0x1e: {  	s7 =	smul.u32 @!p0 $0xF7A, s2;
	p2 =	seq.s32 @!p0 s5, $0x0  }
0x1f: {  	s9 =	smul.u32 $0xF7A, s1;
	s8 =	simm.s32 @!p0 $0x1BF5;
	p2 =	por !p2, p0  }
0x20: {  	[sflag:s8] =	ssyncset.s32 @!p0 $0xFFFFF086;
	s6 =	sadd.s32 @!p0 s3, s7;
	s7 =	simm.s32 @!p0 $0x108  }
0x21: {  	s3 =	sadd.s32 s3, s9;
	s6 =	sadd.s32 @!p0 $0x88, s6;
	s7 =	simm.s32 @p2 $0x1082  }
0x22: {  	[simem:s7], [sflag:s8] =	dma.local @!p0 [hbm:s6], $0xF7A  }
0x23: {  	s9 =	sor.u32 $0xD0000000, s2;
	s6 =	simm.s32 $0x108;
	_ =	swait.ge @!p0 [sflag:s8], $0x0  }
0x24: {  	s3 =	sadd.s32 $0x88, s3;
	s6 =	simm.s32 @!p1 $0x1082;
	[sflag:s4] =	ssyncset.s32 $0xFFFFF086  }
0x25: {  	[simem:s6], [sflag:s4] =	dma.local [hbm:s3], $0xF7A  }
0x26: {  	[smem:$0x3F9B] =	sst s1;
	(tag) =	ssettag s2;
	_ =	strace s9  }
0x27: {  	s1 =	sld [smem:$0x3FAB]  }
0x28: {  	s2 =	sld [smem:$0x3FAC]  }
0x29: {  	s4 =	sld [smem:$0x3FAE]  }
0x2a: {  	p0 =	seq.s32 s5, $0x0;
	s5 =	sld [smem:$0x3FAF]  }
0x2b: {  	s6 =	sld [smem:$0x3FB0]  }
0x2c: {  	s7 =	sld [smem:$0x3FB1]  }
0x2d: {  	s3 =	simm.s32 $0x108;
	s8 =	sld [smem:$0x3FB2]  }
0x2e: {  	s3 =	simm.s32 @!p0 $0x1082;
	s9 =	sld [smem:$0x3FB3]  }
0x2f: {  	lr =	sadd.s32 s0, s3;
	s0 =	sld [smem:$0x3FAA]  }
0x30: {  	s3 =	sld [smem:$0x3FAD]  }
0x31: {  	[smem:$0x3FB6] =	sst s10  }
0x32: {  	s10 =	sld [smem:$0x3FB4];
	_ =	sdelay $0x3  }
0x33: {  	p0 =	seq.s32 s10, $0x1;
	s10 =	sld [smem:$0x3FB6];
	_ =	sdelay $0x3  }
0x34: {  	[smem:$0x3FB6] =	sst s10  }
0x35: {  	s10 =	sld [smem:$0x3FB5];
	_ =	sdelay $0x3  }
0x36: {  	p1 =	seq.s32 s10, $0x1;
	s10 =	sld [smem:$0x3FB6];
	_ =	sdelay $0x3  }
0x37: {  	[smem:$0x3FB6] =	sst s10  }
0x38: {  	s10 =	sld [smem:$0x3FB7]  }
0x39: {  	_ = 	snop;
	(pc) =	sbr.ind lr, $3  }
0x3a: {  	_ = 	snop  }
0x3b: {  	_ = 	snop  }
0x3c: {  	p2 =	seq.s32 s10, $0x1;
	s10 =	sld [smem:$0x3FB6]  }
0x3d: {  	_ =	shalt  }
0x3e: {  	_ =	shalt  }
0x3f: {  	_ =	shalt  }
0x40: {  	_ =	shalt  }
0x41: {  	_ =	shalt  }
0x42: {  	_ =	shalt  }
0x43: {  	_ =	shalt  }
0x44: {  	_ =	shalt  }
0x45: {  	_ =	shalt  }
0x46: {  	_ =	shalt  }
0x47: {  	_ =	shalt  }
0x48: {  	_ =	shalt  }
0x49: {  	_ =	shalt  }
0x4a: {  	_ =	shalt  }
0x4b: {  	_ =	shalt  }
0x4c: {  	_ =	shalt  }
0x4d: {  	_ =	shalt  }
0x4e: {  	_ =	shalt  }
0x4f: {  	_ =	shalt  }
0x50: {  	_ =	shalt  }
0x51: {  	_ =	shalt  }
0x52: {  	_ =	shalt  }
0x53: {  	_ =	shalt  }
0x54: {  	_ =	shalt  }
0x55: {  	_ =	shalt  }
0x56: {  	_ =	shalt  }
0x57: {  	_ =	shalt  }
0x58: {  	_ =	shalt  }
0x59: {  	_ =	shalt  }
0x5a: {  	_ =	shalt  }
0x5b: {  	_ =	shalt  }
0x5c: {  	_ =	shalt  }
0x5d: {  	_ =	shalt  }
0x5e: {  	_ =	shalt  }
0x5f: {  	_ =	shalt  }
0x60: {  	_ =	shalt  }
0x61: {  	_ =	shalt  }
0x62: {  	_ =	shalt  }
0x63: {  	_ =	shalt  }
0x64: {  	_ =	shalt  }
0x65: {  	_ =	shalt  }
0x66: {  	_ =	shalt  }
0x67: {  	_ =	shalt  }
0x68: {  	_ =	shalt  }
0x69: {  	_ =	shalt  }
0x6a: {  	_ =	shalt  }
0x6b: {  	_ =	shalt  }
0x6c: {  	_ =	shalt  }
0x6d: {  	_ =	shalt  }
0x6e: {  	_ =	shalt  }
0x6f: {  	_ =	shalt  }
0x70: {  	_ =	shalt  }
0x71: {  	_ =	shalt  }
0x72: {  	_ =	shalt  }
0x73: {  	_ =	shalt  }
0x74: {  	_ =	shalt  }
0x75: {  	_ =	shalt  }
0x76: {  	_ =	shalt  }
0x77: {  	_ =	shalt  }
0x78: {  	_ =	shalt  }
0x79: {  	_ =	shalt  }
0x7a: {  	_ =	shalt  }
0x7b: {  	_ =	shalt  }
0x7c: {  	_ =	shalt  }
0x7d: {  	_ =	shalt  }
0x7e: {  	_ =	shalt  }
0x7f: {  	_ =	shalt  }
0x80: {  	_ =	shalt  }
0x81: {  	_ =	shalt  }
0x82: {  	_ =	shalt  }
0x83: {  	_ =	shalt  }
0x84: {  	_ =	shalt  }
0x85: {  	_ =	shalt  }
0x86: {  	_ =	shalt  }
0x87: {  	_ =	shalt  }
.Lfunc_end0:
.L_simem_size_0:
called_computation_lowered:
.L_overlay_start_0:
0x88: {  	s2 =	sld [smem:$0x3FD9]  }
0x89: {  	s3 =	sld [smem:$0x3FFE];
	_ =	sdelay $0x1  }
0x8a: {  	s1 =	srdreg.scid  }
0x8b: {  	s0 =	sand.u32 $0x1, s1  }
0x8c: {  	s17 =	sshll.u32 s0, $0xA;
	s2 =	sadd.s32 s3, s2  }
0x8d: {  	s2 =	sadd.s32 s2, s17  }
0x8e: {  	[smem:$0x3FC2] =	sst s2  }
0x8f: {  	_ = 	snop  }
0x90: {  	s2 =	sld [smem:$0x3FC9]  }
0x91: {  	s18 =	sld [smem:$0x3FD0];
	(tm) =	ssettm $0x1  }
0x92: {  	s4 =	sld [smem:$0x3FFB];
	_ =	sdelay $0x3  }
0x93: {  	_ =	strace s4  }
0x94: {  	s4 =	sld [smem:$0x3FFC];
	_ =	sdelay $0x3  }
0x95: {  	_ =	strace s4  }
0x96: {  	s4 =	sld [smem:$0x3FFD];
	_ =	sdelay $0x3  }
0x97: {  	_ =	strace s4  }
0x98: {  	_ =	strace $0x8FFFFFFF  }
0x99: {  	s19 =	sld [smem:$0x3FDB];
	_ =	sdelay $0x1  }
0x9a: {  	s5 =	simm.s32 $_scs_section_size  }
0x9b: {  	s6 =	simm.s32 $_size__tile_overlayer_lowered;
	s7 =	simm.s32 $_tile_overlayer_lowered  }
0x9c: {  	s22 =	simm.s32 $0x1BFF;
	s21 =	sshll.u32 s7, $0x1;
	s4 =	sadd.s32 s5, s19  }
0x9d: {  	s8 =	simm.s32 $0x0;
	s20 =	sshll.u32 s6, $0x1;
	s6 =	sadd.s32 s21, s4  }
0x9e: {  	[timem:s8], [sflag:s22] =	dma.local [hbm:s6], s20  }
0x9f: {  	_ =	swait.ge [sflag:s22], s20  }
0xa0: {  	s5 =	ssub.s32 $0x0, s20;
	[sflag:s22] =	ssyncset.done $0x0  }
0xa1: {  	[sflag:s22] =	ssyncadd.s32 s5;
	_ =	sdelay $0x1  }
0xa2: {  	s23 =	simm.s32 $0x1B8B  }
0xa3: {  	_ =	swait.ge [sflag:s23], $0x1  }
0xa4: {  	[sflag:s23] =	ssyncset.done $0x0  }
0xa5: {  	s25 =	simm.s32 $0x1B8E;
	s24 =	sld [smem:$0x3FFE];
	[sflag:s23] =	ssyncadd.s32 $0xFFFFFFFF  }
0xa6: {  	s26 =	simm.s32 $execute0_lowered;
	[smem:$0x3FD2] =	sst s25  }
0xa7: {  	s6 =	sshll.u32 s26, $0x1;
	_ =	strace $0x80000046;
	[dreg:$0x1] =	wrdreg $0xFFFFFFFF  }
0xa8: {  	s28 =	simm.s32 $_size_execute0_lowered;
	s4 =	sadd.s32 s4, s6;
	[dreg:$0x0] =	wrdreg $0x0  }
0xa9: {  	s6 =	sshll.u32 s28, $0x1;
	[dreg:$0x2] =	wrdreg s4  }
0xaa: {  	[dreg:$0x3] =	wrdreg s6  }
0xab: {  	[dreg:$0x4] =	wrdreg $0xC0  }
0xac: {  	_ =	task [dreg:s8], $0x5FFFF  }
0xad: {  	[dreg:$0x1] =	wrdreg $0xFFFFFFFF  }
0xae: {  	[dreg:$0x0] =	wrdreg $0x60  }
0xaf: {  	[dreg:$0x2] =	wrdreg s2  }
0xb0: {  	[dreg:$0x3] =	wrdreg s18  }
0xb1: {  	[dreg:$0x4] =	wrdreg s24  }
0xb2: {  	[dreg:$0x5] =	wrdreg $0xB8000  }
0xb3: {  	[dreg:$0x6] =	wrdreg $0x9  }
0xb4: {  	_ =	task.clear_ibuf [dreg:s8], $0x7FFFF;
	_ =	strace $0x90000046  }
0xb5: {  	s29 =	simm.s32 $0x9;
	_ =	strace $0x80000048  }
0xb6: {  	_ =	swait.ge [sflag:s29], $0x1  }
0xb7: {  	[sflag:s29] =	ssyncadd.s32 $0xFFFFFFFF  }
0xb8: {  	_ =	strace $0x90000048  }
0xb9: {  	_ =	sfence  }
0xba: {  	s30 =	sld [smem:$0x0];
	_ =	sdelay $0x2  }
0xbb: {  	s31 =	sshll.u32 s1, $0xD;
	s1 =	sshrl.u32 s1, $0x2  }
0xbc: {  	s3 =	sand.u32 $0x4000, s31;
	s1 =	sadd.s32 s1, s30  }
0xbd: {  	s0 =	sor.u32 s3, s0;
	s1 =	sshll.u32 s1, $0x11  }
0xbe: {  	s0 =	sor.u32 s1, s0  }
0xbf: {  	s0 =	sadd.s32 $0x8F2B, s0  }
0xc0: {  	[sflag:s0] =	ssyncadd.remote.s32 $0x1  }
0xc1: {  	_ =	sfence.sel $0xFFFF  }
0xc2: {  	[dreg:$0x0] =	wrdreg $0xFFFFFFFF;
	(pc) =	sbr.abs _section_cstart, $3  }
0xc3: {  	[dreg:$0x1] =	wrdreg $0xFFFFFFFF  }
0xc4: {  	_ =	task.clear_ibuf [dreg:s8], $0x2FFFF;
	_ =	strace $0x9FFFFFFF  }
0xc5: {  	(tm) =	ssettm $0x7FFFFFFF  }
tec
execute0_lowered:
.L_overlay_start_1:
0x0: {  	(tag) =	ssettag $0x1  }
0x1: {  	s1 =	rddreg [dreg:$0x0]  }
0x2: {  	s2 =	rddreg [dreg:$0x1]  }
0x3: {  	s0 =	rddreg [dreg:$0x2]  }
0x4: {  	s3 =	rddreg [dreg:$0x3];
	s4 =	srdreg.scid;
	s5 =	simm.s32 $0x0  }
0x5: {  	s13 =	stileid.u32;
	s15 =	simm.s32 $0x880;
	s16 =	simm.s32 $0x180  }
0x6: {  	s17 =	simm.s32 $0x900;
	s19 =	simm.s32 $0x200;
	s28 =	simm.s32 $0x4  }
0x7: {  	s29 =	simm.s32 $0x2;
	s30 =	simm.s32 $0x780;
	s31 =	simm.s32 $0xF00  }
0x8: {  	s4 =	sand.u32 $0x1, s4;
	[smem:$0x7FF] =	sst s5;
	s12 =	sadd.s32 $0x2200, s0  }
0x9: {  	s14 =	sadd.s32 $0x1C00, s0;
	_ =	strace $0x80000047;
	[smem:$0x7F8] =	sst s12  }
0xa: {  	s7 =	smul.u32 $0x14000, s13;
	s8 =	sshll.u32 s13, $0x1;
	[smem:$0x7F9] =	sst s14  }
0xb: {  	s9 =	sshrl.u32 s13, $0x2;
	s11 =	smul.u32 $0x5000, s13;
	[dreg:$0x9] =	wrdreg s15  }
0xc: {  	s18 =	sshll.u32 s13, $0x6;
	s6 =	smul.u32 $0x140000, s4;
	[dreg:$0xa] =	wrdreg s16  }
0xd: {  	s8 =	sor.u32 s4, s8;
	s9 =	smul.u32 $0x14000, s9;
	[dreg:$0xb] =	wrdreg s17  }
0xe: {  	s20 =	smul.u32 $0x2800, s4;
	s14 =	simm.s32 $0x100;
	[dreg:$0xc] =	wrdreg s19  }
0xf: {  	s12 =	smul.u32 $0x50000, s13;
	s13 =	simm.s32 $0xB00;
	[dreg:$0x8] =	wrdreg s14  }
0x10: {  	s4 =	ssub.s32 $0x2, s4;
	s15 =	simm.s32 $0xB80;
	[dreg:$0x13] =	wrdreg s13  }
0x11: {  	s16 =	simm.s32 $0x480;
	s17 =	simm.s32 $0x500;
	[dreg:$0x14] =	wrdreg s15  }
0x12: {  	s19 =	simm.s32 $0x580;
	s10 =	sshll.u32 s8, $0x7;
	[dreg:$0x15] =	wrdreg s16  }
0x13: {  	s26 =	sshrl.u32 s4, $0x1;
	s16 =	simm.s32 $0x5;
	[dreg:$0x16] =	wrdreg s17  }
0x14: {  	s17 =	simm.s32 $0x9000;
	[dreg:$0x18] =	wrdreg s19;
	s10 =	sand.u32 $0x380, s10  }
0x15: {  	s6 =	sadd.s32 s7, s6;
	s4 =	ssub.s32 s4, s26;
	s21 =	sor.u32 s9, s10  }
0x16: {  	s6 =	sshrl.u32 s6, $0x3;
	s10 =	sadd.s32 s20, s11;
	s20 =	smul.u32 $0x2800, s8  }
0x17: {  	s8 =	sor.u32 $0x1C05, s18;
	s4 =	smax.u32 s4, $0x1;
	s18 =	simm.s32 $0xC80  }
0x18: {  	s7 =	sshrl.u32 s21, $0x3;
	s6 =	sadd.s32 s6, s0;
	s22 =	sadd.s32 $0x50800, s10  }
0x19: {  	s23 =	sor.u32 $0x400, s10;
	s11 =	sadd.s32 $0x50400, s10;
	[smem:$0x7FD] =	sst s4  }
0x1a: {  	s21 =	simm.s32 $0x980;
	[dreg:$0x17] =	wrdreg s18;
	s0 =	sadd.s32 s7, s0  }
0x1b: {  	s7 =	sshrl.u32 s22, $0x3;
	[dreg:$0xd] =	wrdreg s21;
	s22 =	simm.s32 $0x280  }
0x1c: {  	s9 =	sshrl.u32 s23, $0x3;
	s6 =	sadd.s32 $0xEA00, s6;
	[dreg:$0xe] =	wrdreg s22  }
0x1d: {  	s25 =	sshrl.u32 s11, $0x3;
	s11 =	simm.s32 $0xA80;
	[smem:$0x7FB] =	sst s6  }
0x1e: {  	s23 =	sshrl.u32 s20, $0x3;
	s20 =	simm.s32 $0xD00;
	[dreg:$0x11] =	wrdreg s11  }
0x1f: {  	s19 =	simm.s32 $0x1;
	s21 =	simm.s32 $0x600;
	[dreg:$0x19] =	wrdreg s20  }
0x20: {  	s18 =	simm.s32 $0x800;
	s7 =	sadd.s32 s7, s2;
	[dreg:$0x1a] =	wrdreg s21  }
0x21: {  	s4 =	simm.s32 $0x0;
	s24 =	sadd.s32 s9, s2;
	[dreg:$0x5] =	wrdreg s7  }
0x22: {  	s9 =	sadd.s32 s25, s2;
	s25 =	simm.s32 $0x300;
	[dreg:$0x6] =	wrdreg s24  }
0x23: {  	s0 =	sadd.s32 $0x4A00, s0;
	s6 =	sadd.s32 $0x800, s10;
	[dreg:$0x7] =	wrdreg s9  }
0x24: {  	s20 =	simm.s32 $0x7D;
	s22 =	simm.s32 $0xD80;
	[dreg:$0x10] =	wrdreg s25  }
0x25: {  	s21 =	simm.s32 $0x1000;
	s9 =	sshrl.u32 s12, $0x2;
	[smem:$0x7FC] =	sst s0  }
0x26: {  	s24 =	simm.s32 $0xA00;
	s12 =	simm.s32 $0x380;
	[dreg:$0x1b] =	wrdreg s22  }
0x27: {  	s22 =	simm.s32 $0x80;
	s25 =	simm.s32 $0x700;
	[dreg:$0xf] =	wrdreg s24  }
0x28: {  	s0 =	simm.s32 $0xF80;
	s14 =	sadd.s32 s9, s3;
	[dreg:$0x12] =	wrdreg s12  }
0x29: {  	s9 =	sadd.s32 s2, s23;
	s23 =	simm.s32 $0x680;
	[dreg:$0x1e] =	wrdreg s25  }
0x2a: {  	s24 =	simm.s32 $0xE00;
	s25 =	simm.s32 $0x400;
	[dreg:$0x1c] =	wrdreg s23  }
0x2b: {  	s26 =	sadd.s32 $0xA000, s9;
	s15 =	sshrl.u32 s14, $0x3;
	[dreg:$0x1d] =	wrdreg s24  }
0x2c: {  	s23 =	simm.s32 $0x5000;
	[smem:$0x7FA] =	sst s26;
	s26 =	simm.s32 $0xE80  }
0x2d: {  	v0 =	vimm.f32 $1.000000000e+00;
	vm0 =	vcmask $0x3F0C;
	s24 =	simm.s32 $0x3;
	[dreg:$0x1f] =	wrdreg s26;
	s26 =	simm.s32 $0xC00  }
.LBB2_1:
0x2e: {  	s7 =	sld [smem:$0x7F8];
	_ =	sdelay $0x2  }
0x2f: {  	[spmem:s15], [sflag:s8] =	dma.local [hbm:s7], $0x2800  }
0x30: {  	_ =	swait.ge [sflag:s16], $0x2800  }
0x31: {  	s13 =	sld [smem:$0x7F9]  }
0x32: {  	[sflag:s16] =	ssyncset.done $0x0  }
0x33: {  	[sflag:s16] =	ssyncadd.s32 $0xFFFFD800  }
0x34: {  	[tilespmem:s17], [sflag:$0x5] =	stream.linear.gather [hbm4b:s13+s5], $0x2800, $0x38;
	[tilespmem:$0x1F800] =	vst v63  }
0x35: {  	_ =	swait.ge [sflag:s16], $0x2800  }
0x36: {  	[sflag:s16] =	ssyncset.done $0x0  }
0x37: {  	[sflag:s16] =	ssyncadd.s32 $0xFFFFD800  }
0x38: {  	[bflag:$0x0] =	sbarrier.arrive $0xFFFF  }
0x39: {  	s14 =	sld [smem:$0x7FA]  }
0x3a: {  	[tilespmem:s5], [sflag:$0x1] =	stream.linear.gather [hbm4b:s9+s5], $0x400, $0x38;
	[tilespmem:$0x1F800] =	vst v63  }
0x3b: {  	_ = 	snop  }
0x3c: {  	[tilespmem:s18], [sflag:$0x1] =	stream.linear.gather [hbm4b:s14+s5], $0x400, $0x38;
	[tilespmem:$0x1F800] =	vst v63  }
0x3d: {  	_ =	swait.ge [sflag:s19], $0x400  }
0x3e: {  	[sflag:s19] =	ssyncset.done $0x0  }
0x3f: {  	[sflag:s19] =	ssyncadd.s32 $0xFFFFFC00  }
0x40: {  	_ =	swait.ge [sflag:s19], $0x400  }
0x41: {  	[sflag:s19] =	ssyncset.done $0x0  }
0x42: {  	s7 =	simm.s32 $0x0;
	s14 =	smov.u32 s6;
	[sflag:s19] =	ssyncadd.s32 $0xFFFFFC00  }
0x43: {  	[tilespmem:s21], [sflag:$0x3] =	stream.indirect.gather [hbm4b:s1+s20], $0x80, s5, s20, $0xb8;
	[tilespmem:$0x1F800] =	vst v63  }
.LBB2_2:
0x44: {  	[tilespmem:s23], [sflag:$0x4] =	stream.indirect.gather [hbm4b:s1+s20], $0x80, s22, s20, $0xb8;
	[tilespmem:$0x1F800] =	vst v63  }
0x45: {  	_ =	swait.ge [sflag:s24], $0x3E80  }
0x46: {  	[sflag:s24] =	ssyncset.done $0x0  }
0x47: {  	[sflag:s24] =	ssyncadd.s32 $0xFFFFC180  }
0x48: {  	[spmem:s3] =	stream.indirect.scatter.add.f32 [tilespmem:s21], [sflag:$0x5], $0x80, s18, s20, $0xb8;
	[tilespmem:$0x1F800] =	vst v63  }
0x49: {  	_ =	swait.ge [sflag:s16], $0x3E80  }
0x4a: {  	[sflag:s16] =	ssyncset.done $0x0  }
0x4b: {  	[sflag:s16] =	ssyncadd.s32 $0xFFFFC180  }
0x4c: {  	v1 =	vld [tilespmem:$0x800];
	_ =	sdelay $0x7  }
0x4d: {  	[tilespmem:v1+s17+$0x0] =	vst.idx.add.f32.msk $0xffff, v0  }
0x4e: {  	v1 =	vld [tilespmem:$0x810];
	_ =	sdelay $0x7  }
0x4f: {  	[tilespmem:v1+s17+$0x0] =	vst.idx.add.f32.msk $0xffff, v0  }
0x50: {  	v1 =	vld [tilespmem:$0x820];
	_ =	sdelay $0x7  }
0x51: {  	[tilespmem:v1+s17+$0x0] =	vst.idx.add.f32.msk $0xffff, v0  }
0x52: {  	v1 =	vld [tilespmem:$0x830];
	_ =	sdelay $0x7  }
0x53: {  	[tilespmem:v1+s17+$0x0] =	vst.idx.add.f32.msk $0xffff, v0  }
0x54: {  	v1 =	vld [tilespmem:$0x840];
	_ =	sdelay $0x7  }
0x55: {  	[tilespmem:v1+s17+$0x0] =	vst.idx.add.f32.msk $0xffff, v0  }
0x56: {  	v1 =	vld [tilespmem:$0x850];
	_ =	sdelay $0x7  }
0x57: {  	[tilespmem:v1+s17+$0x0] =	vst.idx.add.f32.msk $0xffff, v0  }
0x58: {  	v1 =	vld [tilespmem:$0x860];
	_ =	sdelay $0x7  }
0x59: {  	[tilespmem:v1+s17+$0x0] =	vst.idx.add.f32.msk $0xffff, v0  }
0x5a: {  	v1 =	vld [tilespmem:$0x86D];
	_ =	sdelay $0x6  }
0x5b: {  	s10 =	rddreg [dreg:$0x6]  }
0x5c: {  	s11 =	rddreg [dreg:$0x7];
	s10 =	sadd.s32 s7, s10;
	[tilespmem:v1+s17+$0x0] =	vst.idx.add.f32.msk vm0, v0  }
0x5d: {  	[tilespmem:s25], [sflag:$0x2] =	stream.linear.gather [hbm4b:s10+s5], $0x400, $0x38;
	[tilespmem:$0x1F800] =	vst v63  }
0x5e: {  	s12 =	sadd.s32 s7, s11  }
0x5f: {  	[tilespmem:s26], [sflag:$0x2] =	stream.linear.gather [hbm4b:s12+s5], $0x400, $0x38;
	[tilespmem:$0x1F800] =	vst v63  }
0x60: {  	s13 =	rddreg [dreg:$0x8]  }
0x61: {  	[tilespmem:s21], [sflag:$0x3] =	stream.indirect.gather [hbm4b:s1+s20], $0x80, s13, s20, $0xb8;
	[tilespmem:$0x1F800] =	vst v63  }
0x62: {  	_ =	swait.ge [sflag:s28], $0x3E80  }
0x63: {  	[sflag:s28] =	ssyncset.done $0x0  }
0x64: {  	s12 =	rddreg [dreg:$0x9];
	[sflag:s28] =	ssyncadd.s32 $0xFFFFC180  }
0x65: {  	[spmem:s3] =	stream.indirect.scatter.add.f32 [tilespmem:s23], [sflag:$0x5], $0x80, s12, s20, $0xb8;
	[tilespmem:$0x1F800] =	vst v63  }
0x66: {  	_ =	swait.ge [sflag:s16], $0x3E80  }
0x67: {  	[sflag:s16] =	ssyncset.done $0x0  }
0x68: {  	[sflag:s16] =	ssyncadd.s32 $0xFFFFC180  }
0x69: {  	v1 =	vld [tilespmem:$0x880];
	_ =	sdelay $0x7  }
0x6a: {  	[tilespmem:v1+s17+$0x0] =	vst.idx.add.f32.msk $0xffff, v0  }
0x6b: {  	v1 =	vld [tilespmem:$0x890];
	_ =	sdelay $0x7  }
0x6c: {  	[tilespmem:v1+s17+$0x0] =	vst.idx.add.f32.msk $0xffff, v0  }
0x6d: {  	v1 =	vld [tilespmem:$0x8A0];
	_ =	sdelay $0x7  }
0x6e: {  	[tilespmem:v1+s17+$0x0] =	vst.idx.add.f32.msk $0xffff, v0  }
0x6f: {  	v1 =	vld [tilespmem:$0x8B0];
	_ =	sdelay $0x7  }
0x70: {  	[tilespmem:v1+s17+$0x0] =	vst.idx.add.f32.msk $0xffff, v0  }
0x71: {  	v1 =	vld [tilespmem:$0x8C0];
	_ =	sdelay $0x7  }
0x72: {  	[tilespmem:v1+s17+$0x0] =	vst.idx.add.f32.msk $0xffff, v0  }
0x73: {  	v1 =	vld [tilespmem:$0x8D0];
	_ =	sdelay $0x7  }
0x74: {  	[tilespmem:v1+s17+$0x0] =	vst.idx.add.f32.msk $0xffff, v0  }
0x75: {  	v1 =	vld [tilespmem:$0x8E0];
	_ =	sdelay $0x7  }
0x76: {  	[tilespmem:v1+s17+$0x0] =	vst.idx.add.f32.msk $0xffff, v0  }
0x77: {  	v1 =	vld [tilespmem:$0x8ED];
	_ =	sdelay $0x7  }
0x78: {  	s13 =	rddreg [dreg:$0xa];
	[tilespmem:v1+s17+$0x0] =	vst.idx.add.f32.msk vm0, v0  }
0x79: {  	[tilespmem:s23], [sflag:$0x4] =	stream.indirect.gather [hbm4b:s1+s20], $0x80, s13, s20, $0xb8;
	[tilespmem:$0x1F800] =	vst v63  }
0x7a: {  	_ =	swait.ge [sflag:s24], $0x3E80  }
0x7b: {  	[sflag:s24] =	ssyncset.done $0x0  }
0x7c: {  	s11 =	rddreg [dreg:$0xb];
	[sflag:s24] =	ssyncadd.s32 $0xFFFFC180  }
0x7d: {  	[spmem:s3] =	stream.indirect.scatter.add.f32 [tilespmem:s21], [sflag:$0x5], $0x80, s11, s20, $0xb8;
	[tilespmem:$0x1F800] =	vst v63  }
0x7e: {  	_ =	swait.ge [sflag:s16], $0x3E80  }
0x7f: {  	[sflag:s16] =	ssyncset.done $0x0  }
0x80: {  	[sflag:s16] =	ssyncadd.s32 $0xFFFFC180  }
0x81: {  	v1 =	vld [tilespmem:$0x900];
	_ =	sdelay $0x7  }
0x82: {  	[tilespmem:v1+s17+$0x0] =	vst.idx.add.f32.msk $0xffff, v0  }
0x83: {  	v1 =	vld [tilespmem:$0x910];
	_ =	sdelay $0x7  }
0x84: {  	[tilespmem:v1+s17+$0x0] =	vst.idx.add.f32.msk $0xffff, v0  }
0x85: {  	v1 =	vld [tilespmem:$0x920];
	_ =	sdelay $0x7  }
0x86: {  	[tilespmem:v1+s17+$0x0] =	vst.idx.add.f32.msk $0xffff, v0  }
0x87: {  	v1 =	vld [tilespmem:$0x930];
	_ =	sdelay $0x7  }
0x88: {  	[tilespmem:v1+s17+$0x0] =	vst.idx.add.f32.msk $0xffff, v0  }
0x89: {  	v1 =	vld [tilespmem:$0x940];
	_ =	sdelay $0x7  }
0x8a: {  	[tilespmem:v1+s17+$0x0] =	vst.idx.add.f32.msk $0xffff, v0  }
0x8b: {  	v1 =	vld [tilespmem:$0x950];
	_ =	sdelay $0x7  }
0x8c: {  	[tilespmem:v1+s17+$0x0] =	vst.idx.add.f32.msk $0xffff, v0  }
0x8d: {  	v1 =	vld [tilespmem:$0x960];
	_ =	sdelay $0x7  }
0x8e: {  	[tilespmem:v1+s17+$0x0] =	vst.idx.add.f32.msk $0xffff, v0  }
0x8f: {  	v1 =	vld [tilespmem:$0x96D];
	_ =	sdelay $0x7  }
0x90: {  	s12 =	rddreg [dreg:$0xc];
	[tilespmem:v1+s17+$0x0] =	vst.idx.add.f32.msk vm0, v0  }
0x91: {  	[tilespmem:s21], [sflag:$0x3] =	stream.indirect.gather [hbm4b:s1+s20], $0x80, s12, s20, $0xb8;
	[tilespmem:$0x1F800] =	vst v63  }
0x92: {  	_ =	swait.ge [sflag:s28], $0x3E80  }
0x93: {  	[sflag:s28] =	ssyncset.done $0x0  }
0x94: {  	s13 =	rddreg [dreg:$0xd];
	[sflag:s28] =	ssyncadd.s32 $0xFFFFC180  }
0x95: {  	[spmem:s3] =	stream.indirect.scatter.add.f32 [tilespmem:s23], [sflag:$0x5], $0x80, s13, s20, $0xb8;
	[tilespmem:$0x1F800] =	vst v63  }
0x96: {  	_ =	swait.ge [sflag:s16], $0x3E80  }
0x97: {  	[sflag:s16] =	ssyncset.done $0x0  }
0x98: {  	[sflag:s16] =	ssyncadd.s32 $0xFFFFC180  }
0x99: {  	v1 =	vld [tilespmem:$0x980];
	_ =	sdelay $0x7  }
0x9a: {  	[tilespmem:v1+s17+$0x0] =	vst.idx.add.f32.msk $0xffff, v0  }
0x9b: {  	v1 =	vld [tilespmem:$0x990];
	_ =	sdelay $0x7  }
0x9c: {  	[tilespmem:v1+s17+$0x0] =	vst.idx.add.f32.msk $0xffff, v0  }
0x9d: {  	v1 =	vld [tilespmem:$0x9A0];
	_ =	sdelay $0x7  }
0x9e: {  	[tilespmem:v1+s17+$0x0] =	vst.idx.add.f32.msk $0xffff, v0  }
0x9f: {  	v1 =	vld [tilespmem:$0x9B0];
	_ =	sdelay $0x7  }
0xa0: {  	[tilespmem:v1+s17+$0x0] =	vst.idx.add.f32.msk $0xffff, v0  }
0xa1: {  	v1 =	vld [tilespmem:$0x9C0];
	_ =	sdelay $0x7  }
0xa2: {  	[tilespmem:v1+s17+$0x0] =	vst.idx.add.f32.msk $0xffff, v0  }
0xa3: {  	v1 =	vld [tilespmem:$0x9D0];
	_ =	sdelay $0x7  }
0xa4: {  	[tilespmem:v1+s17+$0x0] =	vst.idx.add.f32.msk $0xffff, v0  }
0xa5: {  	v1 =	vld [tilespmem:$0x9E0];
	_ =	sdelay $0x7  }
0xa6: {  	[tilespmem:v1+s17+$0x0] =	vst.idx.add.f32.msk $0xffff, v0  }
0xa7: {  	v1 =	vld [tilespmem:$0x9ED];
	_ =	sdelay $0x7  }
0xa8: {  	s11 =	rddreg [dreg:$0xe];
	[tilespmem:v1+s17+$0x0] =	vst.idx.add.f32.msk vm0, v0  }
0xa9: {  	[tilespmem:s23], [sflag:$0x4] =	stream.indirect.gather [hbm4b:s1+s20], $0x80, s11, s20, $0xb8;
	[tilespmem:$0x1F800] =	vst v63  }
0xaa: {  	_ =	swait.ge [sflag:s24], $0x3E80  }
0xab: {  	[sflag:s24] =	ssyncset.done $0x0  }
0xac: {  	s12 =	rddreg [dreg:$0xf];
	[sflag:s24] =	ssyncadd.s32 $0xFFFFC180  }
0xad: {  	[spmem:s3] =	stream.indirect.scatter.add.f32 [tilespmem:s21], [sflag:$0x5], $0x80, s12, s20, $0xb8;
	[tilespmem:$0x1F800] =	vst v63  }
0xae: {  	_ =	swait.ge [sflag:s16], $0x3E80  }
0xaf: {  	[sflag:s16] =	ssyncset.done $0x0  }
0xb0: {  	[sflag:s16] =	ssyncadd.s32 $0xFFFFC180  }
0xb1: {  	v1 =	vld [tilespmem:$0xA00];
	_ =	sdelay $0x7  }
0xb2: {  	[tilespmem:v1+s17+$0x0] =	vst.idx.add.f32.msk $0xffff, v0  }
0xb3: {  	v1 =	vld [tilespmem:$0xA10];
	_ =	sdelay $0x7  }
0xb4: {  	[tilespmem:v1+s17+$0x0] =	vst.idx.add.f32.msk $0xffff, v0  }
0xb5: {  	v1 =	vld [tilespmem:$0xA20];
	_ =	sdelay $0x7  }
0xb6: {  	[tilespmem:v1+s17+$0x0] =	vst.idx.add.f32.msk $0xffff, v0  }
0xb7: {  	v1 =	vld [tilespmem:$0xA30];
	_ =	sdelay $0x7  }
0xb8: {  	[tilespmem:v1+s17+$0x0] =	vst.idx.add.f32.msk $0xffff, v0  }
0xb9: {  	v1 =	vld [tilespmem:$0xA40];
	_ =	sdelay $0x7  }
0xba: {  	[tilespmem:v1+s17+$0x0] =	vst.idx.add.f32.msk $0xffff, v0  }
0xbb: {  	v1 =	vld [tilespmem:$0xA50];
	_ =	sdelay $0x7  }
0xbc: {  	[tilespmem:v1+s17+$0x0] =	vst.idx.add.f32.msk $0xffff, v0  }
0xbd: {  	v1 =	vld [tilespmem:$0xA60];
	_ =	sdelay $0x7  }
0xbe: {  	[tilespmem:v1+s17+$0x0] =	vst.idx.add.f32.msk $0xffff, v0  }
0xbf: {  	v1 =	vld [tilespmem:$0xA6D];
	_ =	sdelay $0x7  }
0xc0: {  	s13 =	rddreg [dreg:$0x10];
	[tilespmem:v1+s17+$0x0] =	vst.idx.add.f32.msk vm0, v0  }
0xc1: {  	[tilespmem:s21], [sflag:$0x3] =	stream.indirect.gather [hbm4b:s1+s20], $0x80, s13, s20, $0xb8;
	[tilespmem:$0x1F800] =	vst v63  }
0xc2: {  	_ =	swait.ge [sflag:s28], $0x3E80  }
0xc3: {  	[sflag:s28] =	ssyncset.done $0x0  }
0xc4: {  	s11 =	rddreg [dreg:$0x11];
	[sflag:s28] =	ssyncadd.s32 $0xFFFFC180  }
0xc5: {  	[spmem:s3] =	stream.indirect.scatter.add.f32 [tilespmem:s23], [sflag:$0x5], $0x80, s11, s20, $0xb8;
	[tilespmem:$0x1F800] =	vst v63  }
0xc6: {  	_ =	swait.ge [sflag:s16], $0x3E80  }
0xc7: {  	[sflag:s16] =	ssyncset.done $0x0  }
0xc8: {  	[sflag:s16] =	ssyncadd.s32 $0xFFFFC180  }
0xc9: {  	v1 =	vld [tilespmem:$0xA80];
	_ =	sdelay $0x7  }
0xca: {  	[tilespmem:v1+s17+$0x0] =	vst.idx.add.f32.msk $0xffff, v0  }
0xcb: {  	v1 =	vld [tilespmem:$0xA90];
	_ =	sdelay $0x7  }
0xcc: {  	[tilespmem:v1+s17+$0x0] =	vst.idx.add.f32.msk $0xffff, v0  }
0xcd: {  	v1 =	vld [tilespmem:$0xAA0];
	_ =	sdelay $0x7  }
0xce: {  	[tilespmem:v1+s17+$0x0] =	vst.idx.add.f32.msk $0xffff, v0  }
0xcf: {  	v1 =	vld [tilespmem:$0xAB0];
	_ =	sdelay $0x7  }
0xd0: {  	[tilespmem:v1+s17+$0x0] =	vst.idx.add.f32.msk $0xffff, v0  }
0xd1: {  	v1 =	vld [tilespmem:$0xAC0];
	_ =	sdelay $0x7  }
0xd2: {  	[tilespmem:v1+s17+$0x0] =	vst.idx.add.f32.msk $0xffff, v0  }
0xd3: {  	v1 =	vld [tilespmem:$0xAD0];
	_ =	sdelay $0x7  }
0xd4: {  	[tilespmem:v1+s17+$0x0] =	vst.idx.add.f32.msk $0xffff, v0  }
0xd5: {  	v1 =	vld [tilespmem:$0xAE0];
	_ =	sdelay $0x7  }
0xd6: {  	[tilespmem:v1+s17+$0x0] =	vst.idx.add.f32.msk $0xffff, v0  }
0xd7: {  	v1 =	vld [tilespmem:$0xAED];
	_ =	sdelay $0x7  }
0xd8: {  	s12 =	rddreg [dreg:$0x12];
	[tilespmem:v1+s17+$0x0] =	vst.idx.add.f32.msk vm0, v0  }
0xd9: {  	[tilespmem:s23], [sflag:$0x4] =	stream.indirect.gather [hbm4b:s1+s20], $0x80, s12, s20, $0xb8;
	[tilespmem:$0x1F800] =	vst v63  }
0xda: {  	_ =	swait.ge [sflag:s24], $0x3E80  }
0xdb: {  	[sflag:s24] =	ssyncset.done $0x0  }
0xdc: {  	s13 =	rddreg [dreg:$0x13];
	[sflag:s24] =	ssyncadd.s32 $0xFFFFC180  }
0xdd: {  	[spmem:s3] =	stream.indirect.scatter.add.f32 [tilespmem:s21], [sflag:$0x5], $0x80, s13, s20, $0xb8;
	[tilespmem:$0x1F800] =	vst v63  }
0xde: {  	_ =	swait.ge [sflag:s16], $0x3E80  }
0xdf: {  	[sflag:s16] =	ssyncset.done $0x0  }
0xe0: {  	[sflag:s16] =	ssyncadd.s32 $0xFFFFC180  }
0xe1: {  	v1 =	vld [tilespmem:$0xB00];
	_ =	sdelay $0x7  }
0xe2: {  	[tilespmem:v1+s17+$0x0] =	vst.idx.add.f32.msk $0xffff, v0  }
0xe3: {  	v1 =	vld [tilespmem:$0xB10];
	_ =	sdelay $0x7  }
0xe4: {  	[tilespmem:v1+s17+$0x0] =	vst.idx.add.f32.msk $0xffff, v0  }
0xe5: {  	v1 =	vld [tilespmem:$0xB20];
	_ =	sdelay $0x7  }
0xe6: {  	[tilespmem:v1+s17+$0x0] =	vst.idx.add.f32.msk $0xffff, v0  }
0xe7: {  	v1 =	vld [tilespmem:$0xB30];
	_ =	sdelay $0x7  }
0xe8: {  	[tilespmem:v1+s17+$0x0] =	vst.idx.add.f32.msk $0xffff, v0  }
0xe9: {  	v1 =	vld [tilespmem:$0xB40];
	_ =	sdelay $0x7  }
0xea: {  	[tilespmem:v1+s17+$0x0] =	vst.idx.add.f32.msk $0xffff, v0  }
0xeb: {  	v1 =	vld [tilespmem:$0xB50];
	_ =	sdelay $0x7  }
0xec: {  	[tilespmem:v1+s17+$0x0] =	vst.idx.add.f32.msk $0xffff, v0  }
0xed: {  	v1 =	vld [tilespmem:$0xB60];
	_ =	sdelay $0x7  }
0xee: {  	[tilespmem:v1+s17+$0x0] =	vst.idx.add.f32.msk $0xffff, v0  }
0xef: {  	v1 =	vld [tilespmem:$0xB6D];
	_ =	sdelay $0x7  }
0xf0: {  	[tilespmem:v1+s17+$0x0] =	vst.idx.add.f32.msk vm0, v0  }
0xf1: {  	_ =	swait.ge [sflag:s29], $0x400  }
0xf2: {  	[sflag:s29] =	ssyncset.done $0x0  }
0xf3: {  	[sflag:s29] =	ssyncadd.s32 $0xFFFFFC00  }
0xf4: {  	_ =	swait.ge [sflag:s29], $0x400  }
0xf5: {  	[sflag:s29] =	ssyncset.done $0x0  }
0xf6: {  	[sflag:s29] =	ssyncadd.s32 $0xFFFFFC00  }
0xf7: {  	[tilespmem:s21], [sflag:$0x3] =	stream.indirect.gather [hbm4b:s1+s20], $0x80, s25, s20, $0xb8;
	[tilespmem:$0x1F800] =	vst v63  }
0xf8: {  	_ =	swait.ge [sflag:s28], $0x3E80  }
0xf9: {  	[sflag:s28] =	ssyncset.done $0x0  }
0xfa: {  	s11 =	rddreg [dreg:$0x14];
	[sflag:s28] =	ssyncadd.s32 $0xFFFFC180  }
0xfb: {  	[spmem:s3] =	stream.indirect.scatter.add.f32 [tilespmem:s23], [sflag:$0x5], $0x80, s11, s20, $0xb8;
	[tilespmem:$0x1F800] =	vst v63  }
0xfc: {  	_ =	swait.ge [sflag:s16], $0x3E80  }
0xfd: {  	[sflag:s16] =	ssyncset.done $0x0  }
0xfe: {  	[sflag:s16] =	ssyncadd.s32 $0xFFFFC180  }
0xff: {  	v1 =	vld [tilespmem:$0xB80];
	_ =	sdelay $0x7  }
0x100: {  	[tilespmem:v1+s17+$0x0] =	vst.idx.add.f32.msk $0xffff, v0  }
0x101: {  	v1 =	vld [tilespmem:$0xB90];
	_ =	sdelay $0x7  }
0x102: {  	[tilespmem:v1+s17+$0x0] =	vst.idx.add.f32.msk $0xffff, v0  }
0x103: {  	v1 =	vld [tilespmem:$0xBA0];
	_ =	sdelay $0x7  }
0x104: {  	[tilespmem:v1+s17+$0x0] =	vst.idx.add.f32.msk $0xffff, v0  }
0x105: {  	v1 =	vld [tilespmem:$0xBB0];
	_ =	sdelay $0x7  }
0x106: {  	[tilespmem:v1+s17+$0x0] =	vst.idx.add.f32.msk $0xffff, v0  }
0x107: {  	v1 =	vld [tilespmem:$0xBC0];
	_ =	sdelay $0x7  }
0x108: {  	[tilespmem:v1+s17+$0x0] =	vst.idx.add.f32.msk $0xffff, v0  }
0x109: {  	v1 =	vld [tilespmem:$0xBD0];
	_ =	sdelay $0x7  }
0x10a: {  	[tilespmem:v1+s17+$0x0] =	vst.idx.add.f32.msk $0xffff, v0  }
0x10b: {  	v1 =	vld [tilespmem:$0xBE0];
	_ =	sdelay $0x7  }
0x10c: {  	[tilespmem:v1+s17+$0x0] =	vst.idx.add.f32.msk $0xffff, v0  }
0x10d: {  	v1 =	vld [tilespmem:$0xBED];
	_ =	sdelay $0x7  }
0x10e: {  	s12 =	rddreg [dreg:$0x15];
	[tilespmem:v1+s17+$0x0] =	vst.idx.add.f32.msk vm0, v0  }
0x10f: {  	[tilespmem:s23], [sflag:$0x4] =	stream.indirect.gather [hbm4b:s1+s20], $0x80, s12, s20, $0xb8;
	[tilespmem:$0x1F800] =	vst v63  }
0x110: {  	_ =	swait.ge [sflag:s24], $0x3E80  }
0x111: {  	[sflag:s24] =	ssyncset.done $0x0  }
0x112: {  	[sflag:s24] =	ssyncadd.s32 $0xFFFFC180  }
0x113: {  	[spmem:s3] =	stream.indirect.scatter.add.f32 [tilespmem:s21], [sflag:$0x5], $0x80, s26, s20, $0xb8;
	[tilespmem:$0x1F800] =	vst v63  }
0x114: {  	_ =	swait.ge [sflag:s16], $0x3E80  }
0x115: {  	[sflag:s16] =	ssyncset.done $0x0  }
0x116: {  	[sflag:s16] =	ssyncadd.s32 $0xFFFFC180  }
0x117: {  	v1 =	vld [tilespmem:$0xC00];
	_ =	sdelay $0x7  }
0x118: {  	[tilespmem:v1+s17+$0x0] =	vst.idx.add.f32.msk $0xffff, v0  }
0x119: {  	v1 =	vld [tilespmem:$0xC10];
	_ =	sdelay $0x7  }
0x11a: {  	[tilespmem:v1+s17+$0x0] =	vst.idx.add.f32.msk $0xffff, v0  }
0x11b: {  	v1 =	vld [tilespmem:$0xC20];
	_ =	sdelay $0x7  }
0x11c: {  	[tilespmem:v1+s17+$0x0] =	vst.idx.add.f32.msk $0xffff, v0  }
0x11d: {  	v1 =	vld [tilespmem:$0xC30];
	_ =	sdelay $0x7  }
0x11e: {  	[tilespmem:v1+s17+$0x0] =	vst.idx.add.f32.msk $0xffff, v0  }
0x11f: {  	v1 =	vld [tilespmem:$0xC40];
	_ =	sdelay $0x7  }
0x120: {  	[tilespmem:v1+s17+$0x0] =	vst.idx.add.f32.msk $0xffff, v0  }
0x121: {  	v1 =	vld [tilespmem:$0xC50];
	_ =	sdelay $0x7  }
0x122: {  	[tilespmem:v1+s17+$0x0] =	vst.idx.add.f32.msk $0xffff, v0  }
0x123: {  	v1 =	vld [tilespmem:$0xC60];
	_ =	sdelay $0x7  }
0x124: {  	[tilespmem:v1+s17+$0x0] =	vst.idx.add.f32.msk $0xffff, v0  }
0x125: {  	v1 =	vld [tilespmem:$0xC6D];
	_ =	sdelay $0x5  }
0x126: {  	p0 =	seq.s32 s7, $0x400  }
0x127: {  	s10 =	sshrl.u32 @!p0 s14, $0x3  }
0x128: {  	s12 =	sadd.s32 @!p0 s2, s10;
	s10 =	simm.s32 @!p0 $0x0;
	s11 =	rddreg [dreg:$0x5];
	[tilespmem:v1+s17+$0x0] =	vst.idx.add.f32.msk vm0, v0  }
0x129: {  	[tilespmem:s10], [sflag:$0x1] =	stream.linear.gather @!p0 [hbm4b:s12+s10], $0x400, $0x38;
	[tilespmem:$0x1F800] =	vst v63  }
0x12a: {  	s11 =	sadd.s32 @!p0 s7, s11;
	s12 =	simm.s32 @!p0 $0x800  }
0x12b: {  	[tilespmem:s12], [sflag:$0x1] =	stream.linear.gather @!p0 [hbm4b:s11+s10], $0x400, $0x38;
	[tilespmem:$0x1F800] =	vst v63  }
0x12c: {  	s13 =	rddreg [dreg:$0x16]  }
0x12d: {  	[tilespmem:s21], [sflag:$0x3] =	stream.indirect.gather [hbm4b:s1+s20], $0x80, s13, s20, $0xb8;
	[tilespmem:$0x1F800] =	vst v63  }
0x12e: {  	_ =	swait.ge [sflag:s28], $0x3E80  }
0x12f: {  	[sflag:s28] =	ssyncset.done $0x0  }
0x130: {  	s13 =	rddreg [dreg:$0x17];
	[sflag:s28] =	ssyncadd.s32 $0xFFFFC180  }
0x131: {  	[spmem:s3] =	stream.indirect.scatter.add.f32 [tilespmem:s23], [sflag:$0x5], $0x80, s13, s20, $0xb8;
	[tilespmem:$0x1F800] =	vst v63  }
0x132: {  	_ =	swait.ge [sflag:s16], $0x3E80  }
0x133: {  	[sflag:s16] =	ssyncset.done $0x0  }
0x134: {  	[sflag:s16] =	ssyncadd.s32 $0xFFFFC180  }
0x135: {  	v1 =	vld [tilespmem:$0xC80];
	_ =	sdelay $0x7  }
0x136: {  	[tilespmem:v1+s17+$0x0] =	vst.idx.add.f32.msk $0xffff, v0  }
0x137: {  	v1 =	vld [tilespmem:$0xC90];
	_ =	sdelay $0x7  }
0x138: {  	[tilespmem:v1+s17+$0x0] =	vst.idx.add.f32.msk $0xffff, v0  }
0x139: {  	v1 =	vld [tilespmem:$0xCA0];
	_ =	sdelay $0x7  }
0x13a: {  	[tilespmem:v1+s17+$0x0] =	vst.idx.add.f32.msk $0xffff, v0  }
0x13b: {  	v1 =	vld [tilespmem:$0xCB0];
	_ =	sdelay $0x7  }
0x13c: {  	[tilespmem:v1+s17+$0x0] =	vst.idx.add.f32.msk $0xffff, v0  }
0x13d: {  	v1 =	vld [tilespmem:$0xCC0];
	_ =	sdelay $0x7  }
0x13e: {  	[tilespmem:v1+s17+$0x0] =	vst.idx.add.f32.msk $0xffff, v0  }
0x13f: {  	v1 =	vld [tilespmem:$0xCD0];
	_ =	sdelay $0x7  }
0x140: {  	[tilespmem:v1+s17+$0x0] =	vst.idx.add.f32.msk $0xffff, v0  }
0x141: {  	v1 =	vld [tilespmem:$0xCE0];
	_ =	sdelay $0x7  }
0x142: {  	[tilespmem:v1+s17+$0x0] =	vst.idx.add.f32.msk $0xffff, v0  }
0x143: {  	v1 =	vld [tilespmem:$0xCED];
	_ =	sdelay $0x7  }
0x144: {  	s12 =	rddreg [dreg:$0x18];
	[tilespmem:v1+s17+$0x0] =	vst.idx.add.f32.msk vm0, v0  }
0x145: {  	[tilespmem:s23], [sflag:$0x4] =	stream.indirect.gather [hbm4b:s1+s20], $0x80, s12, s20, $0xb8;
	[tilespmem:$0x1F800] =	vst v63  }
0x146: {  	_ =	swait.ge [sflag:s24], $0x3E80  }
0x147: {  	[sflag:s24] =	ssyncset.done $0x0  }
0x148: {  	s13 =	rddreg [dreg:$0x19];
	[sflag:s24] =	ssyncadd.s32 $0xFFFFC180  }
0x149: {  	[spmem:s3] =	stream.indirect.scatter.add.f32 [tilespmem:s21], [sflag:$0x5], $0x80, s13, s20, $0xb8;
	[tilespmem:$0x1F800] =	vst v63  }
0x14a: {  	_ =	swait.ge [sflag:s16], $0x3E80  }
0x14b: {  	[sflag:s16] =	ssyncset.done $0x0  }
0x14c: {  	[sflag:s16] =	ssyncadd.s32 $0xFFFFC180  }
0x14d: {  	v1 =	vld [tilespmem:$0xD00];
	_ =	sdelay $0x7  }
0x14e: {  	[tilespmem:v1+s17+$0x0] =	vst.idx.add.f32.msk $0xffff, v0  }
0x14f: {  	v1 =	vld [tilespmem:$0xD10];
	_ =	sdelay $0x7  }
0x150: {  	[tilespmem:v1+s17+$0x0] =	vst.idx.add.f32.msk $0xffff, v0  }
0x151: {  	v1 =	vld [tilespmem:$0xD20];
	_ =	sdelay $0x7  }
0x152: {  	[tilespmem:v1+s17+$0x0] =	vst.idx.add.f32.msk $0xffff, v0  }
0x153: {  	v1 =	vld [tilespmem:$0xD30];
	_ =	sdelay $0x7  }
0x154: {  	[tilespmem:v1+s17+$0x0] =	vst.idx.add.f32.msk $0xffff, v0  }
0x155: {  	v1 =	vld [tilespmem:$0xD40];
	_ =	sdelay $0x7  }
0x156: {  	[tilespmem:v1+s17+$0x0] =	vst.idx.add.f32.msk $0xffff, v0  }
0x157: {  	v1 =	vld [tilespmem:$0xD50];
	_ =	sdelay $0x7  }
0x158: {  	[tilespmem:v1+s17+$0x0] =	vst.idx.add.f32.msk $0xffff, v0  }
0x159: {  	v1 =	vld [tilespmem:$0xD60];
	_ =	sdelay $0x7  }
0x15a: {  	[tilespmem:v1+s17+$0x0] =	vst.idx.add.f32.msk $0xffff, v0  }
0x15b: {  	v1 =	vld [tilespmem:$0xD6D];
	_ =	sdelay $0x7  }
0x15c: {  	s12 =	rddreg [dreg:$0x1a];
	[tilespmem:v1+s17+$0x0] =	vst.idx.add.f32.msk vm0, v0  }
0x15d: {  	[tilespmem:s21], [sflag:$0x3] =	stream.indirect.gather [hbm4b:s1+s20], $0x80, s12, s20, $0xb8;
	[tilespmem:$0x1F800] =	vst v63  }
0x15e: {  	_ =	swait.ge [sflag:s28], $0x3E80  }
0x15f: {  	[sflag:s28] =	ssyncset.done $0x0  }
0x160: {  	s13 =	rddreg [dreg:$0x1b];
	[sflag:s28] =	ssyncadd.s32 $0xFFFFC180  }
0x161: {  	[spmem:s3] =	stream.indirect.scatter.add.f32 [tilespmem:s23], [sflag:$0x5], $0x80, s13, s20, $0xb8;
	[tilespmem:$0x1F800] =	vst v63  }
0x162: {  	_ =	swait.ge [sflag:s16], $0x3E80  }
0x163: {  	[sflag:s16] =	ssyncset.done $0x0  }
0x164: {  	[sflag:s16] =	ssyncadd.s32 $0xFFFFC180  }
0x165: {  	v1 =	vld [tilespmem:$0xD80];
	_ =	sdelay $0x7  }
0x166: {  	[tilespmem:v1+s17+$0x0] =	vst.idx.add.f32.msk $0xffff, v0  }
0x167: {  	v1 =	vld [tilespmem:$0xD90];
	_ =	sdelay $0x7  }
0x168: {  	[tilespmem:v1+s17+$0x0] =	vst.idx.add.f32.msk $0xffff, v0  }
0x169: {  	v1 =	vld [tilespmem:$0xDA0];
	_ =	sdelay $0x7  }
0x16a: {  	[tilespmem:v1+s17+$0x0] =	vst.idx.add.f32.msk $0xffff, v0  }
0x16b: {  	v1 =	vld [tilespmem:$0xDB0];
	_ =	sdelay $0x7  }
0x16c: {  	[tilespmem:v1+s17+$0x0] =	vst.idx.add.f32.msk $0xffff, v0  }
0x16d: {  	v1 =	vld [tilespmem:$0xDC0];
	_ =	sdelay $0x7  }
0x16e: {  	[tilespmem:v1+s17+$0x0] =	vst.idx.add.f32.msk $0xffff, v0  }
0x16f: {  	v1 =	vld [tilespmem:$0xDD0];
	_ =	sdelay $0x7  }
0x170: {  	[tilespmem:v1+s17+$0x0] =	vst.idx.add.f32.msk $0xffff, v0  }
0x171: {  	v1 =	vld [tilespmem:$0xDE0];
	_ =	sdelay $0x7  }
0x172: {  	[tilespmem:v1+s17+$0x0] =	vst.idx.add.f32.msk $0xffff, v0  }
0x173: {  	v1 =	vld [tilespmem:$0xDED];
	_ =	sdelay $0x7  }
0x174: {  	s12 =	rddreg [dreg:$0x1c];
	[tilespmem:v1+s17+$0x0] =	vst.idx.add.f32.msk vm0, v0  }
0x175: {  	[tilespmem:s23], [sflag:$0x4] =	stream.indirect.gather [hbm4b:s1+s20], $0x80, s12, s20, $0xb8;
	[tilespmem:$0x1F800] =	vst v63  }
0x176: {  	_ =	swait.ge [sflag:s24], $0x3E80  }
0x177: {  	[sflag:s24] =	ssyncset.done $0x0  }
0x178: {  	s13 =	rddreg [dreg:$0x1d];
	[sflag:s24] =	ssyncadd.s32 $0xFFFFC180  }
0x179: {  	[spmem:s3] =	stream.indirect.scatter.add.f32 [tilespmem:s21], [sflag:$0x5], $0x80, s13, s20, $0xb8;
	[tilespmem:$0x1F800] =	vst v63  }
0x17a: {  	_ =	swait.ge [sflag:s16], $0x3E80  }
0x17b: {  	[sflag:s16] =	ssyncset.done $0x0  }
0x17c: {  	[sflag:s16] =	ssyncadd.s32 $0xFFFFC180  }
0x17d: {  	v1 =	vld [tilespmem:$0xE00];
	_ =	sdelay $0x7  }
0x17e: {  	[tilespmem:v1+s17+$0x0] =	vst.idx.add.f32.msk $0xffff, v0  }
0x17f: {  	v1 =	vld [tilespmem:$0xE10];
	_ =	sdelay $0x7  }
0x180: {  	[tilespmem:v1+s17+$0x0] =	vst.idx.add.f32.msk $0xffff, v0  }
0x181: {  	v1 =	vld [tilespmem:$0xE20];
	_ =	sdelay $0x7  }
0x182: {  	[tilespmem:v1+s17+$0x0] =	vst.idx.add.f32.msk $0xffff, v0  }
0x183: {  	v1 =	vld [tilespmem:$0xE30];
	_ =	sdelay $0x7  }
0x184: {  	[tilespmem:v1+s17+$0x0] =	vst.idx.add.f32.msk $0xffff, v0  }
0x185: {  	v1 =	vld [tilespmem:$0xE40];
	_ =	sdelay $0x7  }
0x186: {  	[tilespmem:v1+s17+$0x0] =	vst.idx.add.f32.msk $0xffff, v0  }
0x187: {  	v1 =	vld [tilespmem:$0xE50];
	_ =	sdelay $0x7  }
0x188: {  	[tilespmem:v1+s17+$0x0] =	vst.idx.add.f32.msk $0xffff, v0  }
0x189: {  	v1 =	vld [tilespmem:$0xE60];
	_ =	sdelay $0x7  }
0x18a: {  	[tilespmem:v1+s17+$0x0] =	vst.idx.add.f32.msk $0xffff, v0  }
0x18b: {  	v1 =	vld [tilespmem:$0xE6D];
	_ =	sdelay $0x7  }
0x18c: {  	s12 =	rddreg [dreg:$0x1e];
	[tilespmem:v1+s17+$0x0] =	vst.idx.add.f32.msk vm0, v0  }
0x18d: {  	[tilespmem:s21], [sflag:$0x3] =	stream.indirect.gather [hbm4b:s1+s20], $0x80, s12, s20, $0xb8;
	[tilespmem:$0x1F800] =	vst v63  }
0x18e: {  	_ =	swait.ge [sflag:s28], $0x3E80  }
0x18f: {  	[sflag:s28] =	ssyncset.done $0x0  }
0x190: {  	s13 =	rddreg [dreg:$0x1f];
	[sflag:s28] =	ssyncadd.s32 $0xFFFFC180  }
0x191: {  	[spmem:s3] =	stream.indirect.scatter.add.f32 [tilespmem:s23], [sflag:$0x5], $0x80, s13, s20, $0xb8;
	[tilespmem:$0x1F800] =	vst v63  }
0x192: {  	_ =	swait.ge [sflag:s16], $0x3E80  }
0x193: {  	[sflag:s16] =	ssyncset.done $0x0  }
0x194: {  	[sflag:s16] =	ssyncadd.s32 $0xFFFFC180  }
0x195: {  	v1 =	vld [tilespmem:$0xE80];
	_ =	sdelay $0x7  }
0x196: {  	[tilespmem:v1+s17+$0x0] =	vst.idx.add.f32.msk $0xffff, v0  }
0x197: {  	v1 =	vld [tilespmem:$0xE90];
	_ =	sdelay $0x7  }
0x198: {  	[tilespmem:v1+s17+$0x0] =	vst.idx.add.f32.msk $0xffff, v0  }
0x199: {  	v1 =	vld [tilespmem:$0xEA0];
	_ =	sdelay $0x7  }
0x19a: {  	[tilespmem:v1+s17+$0x0] =	vst.idx.add.f32.msk $0xffff, v0  }
0x19b: {  	v1 =	vld [tilespmem:$0xEB0];
	_ =	sdelay $0x7  }
0x19c: {  	[tilespmem:v1+s17+$0x0] =	vst.idx.add.f32.msk $0xffff, v0  }
0x19d: {  	v1 =	vld [tilespmem:$0xEC0];
	_ =	sdelay $0x7  }
0x19e: {  	[tilespmem:v1+s17+$0x0] =	vst.idx.add.f32.msk $0xffff, v0  }
0x19f: {  	v1 =	vld [tilespmem:$0xED0];
	_ =	sdelay $0x7  }
0x1a0: {  	[tilespmem:v1+s17+$0x0] =	vst.idx.add.f32.msk $0xffff, v0  }
0x1a1: {  	v1 =	vld [tilespmem:$0xEE0];
	_ =	sdelay $0x7  }
0x1a2: {  	[tilespmem:v1+s17+$0x0] =	vst.idx.add.f32.msk $0xffff, v0  }
0x1a3: {  	v1 =	vld [tilespmem:$0xEED];
	_ =	sdelay $0x7  }
0x1a4: {  	[tilespmem:v1+s17+$0x0] =	vst.idx.add.f32.msk vm0, v0  }
0x1a5: {  	[tilespmem:s23], [sflag:$0x4] =	stream.indirect.gather [hbm4b:s1+s20], $0x80, s30, s20, $0xb8;
	[tilespmem:$0x1F800] =	vst v63  }
0x1a6: {  	_ =	swait.ge [sflag:s24], $0x3E80  }
0x1a7: {  	[sflag:s24] =	ssyncset.done $0x0  }
0x1a8: {  	[sflag:s24] =	ssyncadd.s32 $0xFFFFC180  }
0x1a9: {  	[spmem:s3] =	stream.indirect.scatter.add.f32 [tilespmem:s21], [sflag:$0x5], $0x80, s31, s20, $0xb8;
	[tilespmem:$0x1F800] =	vst v63  }
0x1aa: {  	_ =	swait.ge [sflag:s16], $0x3E80  }
0x1ab: {  	[sflag:s16] =	ssyncset.done $0x0  }
0x1ac: {  	[sflag:s16] =	ssyncadd.s32 $0xFFFFC180  }
0x1ad: {  	v1 =	vld [tilespmem:$0xF00];
	_ =	sdelay $0x7  }
0x1ae: {  	[tilespmem:v1+s17+$0x0] =	vst.idx.add.f32.msk $0xffff, v0  }
0x1af: {  	v1 =	vld [tilespmem:$0xF10];
	_ =	sdelay $0x7  }
0x1b0: {  	[tilespmem:v1+s17+$0x0] =	vst.idx.add.f32.msk $0xffff, v0  }
0x1b1: {  	v1 =	vld [tilespmem:$0xF20];
	_ =	sdelay $0x7  }
0x1b2: {  	[tilespmem:v1+s17+$0x0] =	vst.idx.add.f32.msk $0xffff, v0  }
0x1b3: {  	v1 =	vld [tilespmem:$0xF30];
	_ =	sdelay $0x7  }
0x1b4: {  	[tilespmem:v1+s17+$0x0] =	vst.idx.add.f32.msk $0xffff, v0  }
0x1b5: {  	v1 =	vld [tilespmem:$0xF40];
	_ =	sdelay $0x7  }
0x1b6: {  	[tilespmem:v1+s17+$0x0] =	vst.idx.add.f32.msk $0xffff, v0  }
0x1b7: {  	v1 =	vld [tilespmem:$0xF50];
	_ =	sdelay $0x7  }
0x1b8: {  	[tilespmem:v1+s17+$0x0] =	vst.idx.add.f32.msk $0xffff, v0  }
0x1b9: {  	v1 =	vld [tilespmem:$0xF60];
	_ =	sdelay $0x7  }
0x1ba: {  	[tilespmem:v1+s17+$0x0] =	vst.idx.add.f32.msk $0xffff, v0  }
0x1bb: {  	v1 =	vld [tilespmem:$0xF6D];
	_ =	sdelay $0x7  }
0x1bc: {  	s11 =	simm.s32 @!p0 $0x1;
	[tilespmem:v1+s17+$0x0] =	vst.idx.add.f32.msk vm0, v0  }
0x1bd: {  	_ =	swait.ge @!p0 [sflag:s11], $0x400  }
0x1be: {  	[sflag:s11] =	ssyncset.done @!p0 $0x0  }
0x1bf: {  	[sflag:s11] =	ssyncadd.s32 @!p0 $0xFFFFFC00  }
0x1c0: {  	_ =	swait.ge @!p0 [sflag:s11], $0x400  }
0x1c1: {  	[sflag:s11] =	ssyncset.done @!p0 $0x0  }
0x1c2: {  	s12 =	simm.s32 @!p0 $0x1000;
	[sflag:s11] =	ssyncadd.s32 @!p0 $0xFFFFFC00;
	s11 =	simm.s32 @!p0 $0x7D  }
0x1c3: {  	[tilespmem:s12], [sflag:$0x3] =	stream.indirect.gather @!p0 [hbm4b:s1+s11], $0x80, s10, s11, $0xb8;
	[tilespmem:$0x1F800] =	vst v63  }
0x1c4: {  	_ =	swait.ge [sflag:s28], $0x3E80  }
0x1c5: {  	[sflag:s28] =	ssyncset.done $0x0  }
0x1c6: {  	[sflag:s28] =	ssyncadd.s32 $0xFFFFC180  }
0x1c7: {  	[spmem:s3] =	stream.indirect.scatter.add.f32 [tilespmem:s23], [sflag:$0x5], $0x80, s0, s20, $0xb8;
	[tilespmem:$0x1F800] =	vst v63  }
0x1c8: {  	_ =	swait.ge [sflag:s16], $0x3E80  }
0x1c9: {  	[sflag:s16] =	ssyncset.done $0x0  }
0x1ca: {  	[sflag:s16] =	ssyncadd.s32 $0xFFFFC180  }
0x1cb: {  	v1 =	vld [tilespmem:$0xF80];
	_ =	sdelay $0x7  }
0x1cc: {  	[tilespmem:v1+s17+$0x0] =	vst.idx.add.f32.msk $0xffff, v0  }
0x1cd: {  	v1 =	vld [tilespmem:$0xF90];
	_ =	sdelay $0x7  }
0x1ce: {  	[tilespmem:v1+s17+$0x0] =	vst.idx.add.f32.msk $0xffff, v0  }
0x1cf: {  	v1 =	vld [tilespmem:$0xFA0];
	_ =	sdelay $0x7  }
0x1d0: {  	[tilespmem:v1+s17+$0x0] =	vst.idx.add.f32.msk $0xffff, v0  }
0x1d1: {  	v1 =	vld [tilespmem:$0xFB0];
	_ =	sdelay $0x7  }
0x1d2: {  	[tilespmem:v1+s17+$0x0] =	vst.idx.add.f32.msk $0xffff, v0  }
0x1d3: {  	v1 =	vld [tilespmem:$0xFC0];
	_ =	sdelay $0x7  }
0x1d4: {  	[tilespmem:v1+s17+$0x0] =	vst.idx.add.f32.msk $0xffff, v0  }
0x1d5: {  	v1 =	vld [tilespmem:$0xFD0];
	_ =	sdelay $0x7  }
0x1d6: {  	[tilespmem:v1+s17+$0x0] =	vst.idx.add.f32.msk $0xffff, v0  }
0x1d7: {  	v1 =	vld [tilespmem:$0xFE0];
	_ =	sdelay $0x7  }
0x1d8: {  	[tilespmem:v1+s17+$0x0] =	vst.idx.add.f32.msk $0xffff, v0  }
0x1d9: {  	v1 =	vld [tilespmem:$0xFED];
	_ =	sdelay $0x1  }
0x1da: {  	s7 =	sadd.s32 $0x100, s7  }
0x1db: {  	p0 =	sne.s32 s7, $0x500  }
.Ltmp0:
0x1dc: {  	_ = 	snop;
	(pc) =	sbr.rel @p0 .LBB2_2-.Ltmp0, $2  }
0x1dd: {  	_ =	sdelay $0x2  }
0x1de: {  	s14 =	sadd.s32 $0x800, s14;
	[tilespmem:v1+s17+$0x0] =	vst.idx.add.f32.msk vm0, v0  }
0x1df: {  	[bflag:$0x0] =	sbarrier.arrive $0xFFFF  }
0x1e0: {  	s7 =	sld [smem:$0x7FB];
	_ =	sdelay $0x2  }
0x1e1: {  	[hbm:s7], [sflag:s8] =	dma.local [spmem:s15], $0x2800  }
0x1e2: {  	_ =	swait.ge [sflag:s16], $0x2800  }
0x1e3: {  	s13 =	sld [smem:$0x7FC]  }
0x1e4: {  	[sflag:s16] =	ssyncset.done $0x0  }
0x1e5: {  	[sflag:s16] =	ssyncadd.s32 $0xFFFFD800  }
0x1e6: {  	[hbm4b:s13+s22] =	stream.strided.scatter [tilespmem:s17], [sflag:$0x5], $0x2800, s25, s22, $0x38;
	[tilespmem:$0x1F800] =	vst v63  }
0x1e7: {  	_ =	swait.ge [sflag:s16], $0x2800  }
0x1e8: {  	s14 =	sld [smem:$0x7FD];
	_ =	sdelay $0x1  }
0x1e9: {  	s4 =	sadd.s32 $0x1, s4  }
0x1ea: {  	p0 =	sne.s32 s4, s14  }
.Ltmp1:
0x1eb: {  	_ = 	snop;
	(pc) =	sbr.rel @p0 .LBB2_1-.Ltmp1, $3  }
0x1ec: {  	_ =	sdelay $0x1  }
0x1ed: {  	[sflag:s16] =	ssyncset.done $0x0  }
0x1ee: {  	[sflag:s16] =	ssyncadd.s32 $0xFFFFD800  }
0x1ef: {  	_ =	sfence.sel $0x180000  }
0x1f0: {  	[bflag:$0x0] =	sbarrier.arrive $0xFFFF  }
0x1f1: {  	_ =	strace $0x90000047  }
0x1f2: {  	s0 =	stileid.u32;
	[bflag:$0x2] =	sbarrier.arrive $0xFFFF  }
0x1f3: {  	p0 =	sne.s32 s0, $0x0;
	s0 =	rddreg [dreg:$0x4]  }
0x1f4: {  	s0 =	sadd.s32 @!p0 $0x100000, s0  }
0x1f5: {  	[sflag:s0] =	ssyncadd.tile.s32 @!p0 $0x1;
	_ =	shalt  }
.Lfunc_end2:
_tile_overlayer_lowered:
.L_overlay_start_2:
0x1f6: {  	(tag) =	ssettag $0x2  }
0x1f7: {  	s0 =	rddreg [dreg:$0x0];
	s2 =	stileid.u32  }
0x1f8: {  	s1 =	rddreg [dreg:$0x1];
	p0 =	sne.s32 s2, $0x0  }
0x1f9: {  	s3 =	rddreg [dreg:$0x2];
	[bflag:$0x3] =	sbarrier.arrive $0xFFFF;
	s2 =	simm.s32 @!p0 $0x1C05  }
0x1fa: {  	[timem:s3], [sflag:s2] =	dma.local @!p0 [hbm:s0], s1  }
0x1fb: {  	s0 =	simm.s32 @!p0 $0x5  }
0x1fc: {  	_ =	swait.ge @!p0 [sflag:s0], s1  }
0x1fd: {  	s1 =	ssub.s32 @!p0 $0x0, s1;
	[sflag:s0] =	ssyncset.done @!p0 $0x0  }
0x1fe: {  	[sflag:s0] =	ssyncadd.s32 @!p0 s1  }
0x1ff: {  	[bflag:$0x3] =	sbarrier.arrive $0xFFFF  }
0x200: {  	_ =	shalt  }

</sc_bundles>
